<compile_context>
chip_gen: v7x
topology: tpu7x:2x2x1
jax: 0.10.2.dev20260603
libtpu: 0.0.44.dev20260713+nightly
codegen_flags: <defaults>
</compile_context>

<pallas_src>
import functools

import jax
import jax.numpy as jnp
from jax.experimental import pallas as pl
from jax.experimental.pallas import tpu as pltpu
from jax.experimental.pallas import tpu_sc as plsc

D_EM = 64
K_RET = 32
CH = 128
G = 896
MP = G * CH
TM = 16384
NEG = -1.0e30
NEGBIG = -3.0e38


def _q_body(x_ref, y_ref, wqem_ref, bqem_ref, wqc_ref, bqc_ref, q_ref, qc_ref):
    x = x_ref[0]
    y = y_ref[0]
    w = wqem_ref[...]
    q = (jax.lax.dot_general(x, w[:, :1024], (((1,), (1,)), ((), ())),
                             preferred_element_type=jnp.float32)
         + jax.lax.dot_general(y, w[:, 1024:], (((1,), (1,)), ((), ())),
                               preferred_element_type=jnp.float32)
         + bqem_ref[...][None, :])
    q = q * jax.lax.rsqrt(jnp.sum(q * q, axis=1, keepdims=True) + 1e-12)
    q_ref[0] = q
    qc_ref[0] = (jax.lax.dot_general(x, wqc_ref[...], (((1,), (1,)), ((), ())),
                                     preferred_element_type=jnp.float32)
                 + bqc_ref[...][None, :])


def _scores_body(q_ref, k_ref, s_ref, scores_ref, cmax_ref):
    m = pl.program_id(1)
    s = jax.lax.dot_general(q_ref[0], k_ref[0], (((1,), (0,)), ((), ())),
                            preferred_element_type=jnp.float32)
    col = m * TM + jax.lax.broadcasted_iota(jnp.int32, s.shape, 1)
    active = (s_ref[0, 0][None, :] > 0.0) & (col < 100000)
    s = jnp.where(active, s, NEG).reshape(s.shape[0], TM // CH, CH)
    scores_ref[0] = s
    cmax_ref[0] = jnp.max(s, axis=2)


def _topk_extract(c, pay, k):
    iota_k = jax.lax.broadcasted_iota(jnp.int32, (c.shape[0], k), 1)

    def body(i, carry):
        c, m, vals, idx = carry
        j = jnp.min(jnp.where(c >= m, pay, jnp.int32(2**31 - 1)),
                    axis=1, keepdims=True)
        c = jnp.where(pay == j, NEGBIG, c)
        sel = iota_k == i
        vals = jnp.where(sel, m, vals)
        idx = jnp.where(sel, j, idx)
        return c, jnp.max(c, axis=1, keepdims=True), vals, idx

    vals0 = jnp.full((c.shape[0], k), NEGBIG, jnp.float32)
    idx0 = jnp.zeros((c.shape[0], k), jnp.int32)
    m0 = jnp.max(c, axis=1, keepdims=True)
    _, _, vals, idx = jax.lax.fori_loop(0, k, body, (c, m0, vals0, idx0))
    return vals, idx


def _chunk_topk_body(cmax_ref, cidx_ref):
    c = cmax_ref[0]
    _, idx = _topk_extract(c, jax.lax.broadcasted_iota(jnp.int32, c.shape, 1),
                           K_RET)
    cidx_ref[0] = idx


def _cand_topk_body(cand_ref, cidx_ref, vals_ref, jidx_ref):
    c0 = cand_ref[0]
    p = c0.shape[0]
    gidx = (cidx_ref[0][:, :, None] * CH
            + jax.lax.broadcasted_iota(jnp.int32, (p, K_RET, CH), 2))
    iota_k = jax.lax.broadcasted_iota(jnp.int32, (p, K_RET), 1)

    def body(i, carry):
        c, m, vals, idx = carry
        j = jnp.min(jnp.where(c >= m[:, :, None], gidx,
                              jnp.int32(2**31 - 1)),
                    axis=(1, 2), keepdims=True)[:, :, 0]
        c = jnp.where(gidx == j[:, :, None], NEGBIG, c)
        sel = iota_k == i
        vals = jnp.where(sel, m, vals)
        idx = jnp.where(sel, j, idx)
        m = jnp.max(c, axis=(1, 2), keepdims=True)[:, :, 0]
        return c, m, vals, idx

    vals0 = jnp.full((p, K_RET), NEGBIG, jnp.float32)
    idx0 = jnp.zeros((p, K_RET), jnp.int32)
    m0 = jnp.max(c0, axis=(1, 2), keepdims=True)[:, :, 0]
    _, _, vals, idx = jax.lax.fori_loop(0, K_RET, body, (c0, m0, vals0, idx0))
    vals_ref[0] = vals
    jidx_ref[0] = idx


TV = 8192
GV = 13
MV2 = GV * TV // 2
LOG2TV = 13


def _repack_v_body(vt_ref, out_ref):
    v = jnp.swapaxes(vt_ref[0], 0, 1)
    out_ref[0] = jnp.concatenate([v[:TV // 2], v[TV // 2:]], axis=1)


def _combine_body(qc_ref, v_ref, vals_ref, jid_ref, wo_ref, bo_ref, y_ref):
    qc = qc_ref[0]
    v2 = v_ref[0]
    vals = vals_ref[0]
    parity = jnp.bitwise_and(
        jax.lax.shift_right_logical(jid_ref[0], LOG2TV - 1), 1)[:, :, None]
    v = jnp.where(parity == 1, v2[:, :, D_EM:], v2[:, :, :D_EM])
    t = jnp.sum(qc[:, None, :] * v, axis=2) * (D_EM ** -0.5)
    masked = vals < -1.0e29
    logits = jnp.where(masked, NEGBIG, t + vals)
    mx = jnp.max(logits, axis=1, keepdims=True)
    e = jnp.where(masked, 0.0, jnp.exp(logits - mx))
    ssum = jnp.sum(e, axis=1, keepdims=True)
    attn = e / jnp.maximum(ssum, 1e-30)
    out = jnp.sum(attn[:, :, None] * v, axis=1)
    y_ref[0] = (jax.lax.dot_general(out, wo_ref[...], (((1,), (1,)), ((), ())),
                                    preferred_element_type=jnp.float32)
                + bo_ref[...][None, :])


def _gather_chunks_sc(scores_flat, cid_flat):
    mesh = plsc.VectorSubcoreMesh(core_axis_name="c", subcore_axis_name="s")

    @functools.partial(
        pl.kernel, mesh=mesh,
        out_type=jax.ShapeDtypeStruct((16384, CH), jnp.float32),
        scratch_types=[
            pltpu.VMEM((512,), jnp.int32),
            pltpu.VMEM((4, 128), jnp.int32),
            pltpu.VMEM((512, CH), jnp.float32),
            pltpu.SemaphoreType.DMA,
        ],
    )
    def k(tab, cid, out, cid_v, idx_v, rows_v, sem):
        wid = jax.lax.axis_index("s") * 2 + jax.lax.axis_index("c")
        g0 = wid * 16
        pltpu.sync_copy(cid.at[pl.ds(g0 * K_RET, 512)], cid_v)
        for i in range(32):
            v = cid_v[pl.ds(i * 16, 16)]
            idx_v[i // 8, pl.ds((i % 8) * 16, 16)] = v + (g0 + i // 2) * G
        copies = [
            pltpu.async_copy(tab.at[idx_v.at[j]],
                             rows_v.at[pl.ds(j * 128, 128)], sem)
            for j in range(4)
        ]
        for c in copies:
            c.wait()
        pltpu.sync_copy(rows_v, out.at[pl.ds(g0 * K_RET, 512)])

    return k(scores_flat, cid_flat)


def _gather_v_sc(v_pairs, jid_flat):
    mesh = plsc.VectorSubcoreMesh(core_axis_name="c", subcore_axis_name="s")

    @functools.partial(
        pl.kernel, mesh=mesh,
        out_type=jax.ShapeDtypeStruct((16384, 2 * D_EM), jnp.float32),
        scratch_types=[
            pltpu.VMEM((512,), jnp.int32),
            pltpu.VMEM((4, 128), jnp.int32),
            pltpu.VMEM((512, 2 * D_EM), jnp.float32),
            pltpu.SemaphoreType.DMA,
        ],
    )
    def k(tab, jid, out, jid_v, idx_v, rows_v, sem):
        wid = jax.lax.axis_index("s") * 2 + jax.lax.axis_index("c")
        g0 = wid * 16
        pltpu.sync_copy(jid.at[pl.ds(g0 * K_RET, 512)], jid_v)
        for i in range(32):
            jv = jnp.minimum(jid_v[pl.ds(i * 16, 16)], 100000 - 1)
            b = jax.lax.div(g0 + i // 2, 128)
            t = jax.lax.shift_right_logical(jv, LOG2TV)
            rr = jnp.bitwise_and(jv, TV // 2 - 1)
            idx_v[i // 8, pl.ds((i % 8) * 16, 16)] = (
                b * MV2 + t * (TV // 2) + rr)
        copies = [
            pltpu.async_copy(tab.at[idx_v.at[j]],
                             rows_v.at[pl.ds(j * 128, 128)], sem)
            for j in range(4)
        ]
        for c in copies:
            c.wait()
        pltpu.sync_copy(rows_v, out.at[pl.ds(g0 * K_RET, 512)])

    return k(v_pairs, jid_flat)


def kernel(x_all, y_wm_all, em_K, em_V, em_S, W_q_em, b_q_em, W_q_cross,
           b_q_cross, W_o_cross, b_o_cross):
    B, P, D = x_all.shape
    M = em_K.shape[1]

    q, q_cross = pl.pallas_call(
        _q_body,
        out_shape=(jax.ShapeDtypeStruct((B, P, D_EM), jnp.float32),
                   jax.ShapeDtypeStruct((B, P, D_EM), jnp.float32)),
        grid=(B,),
        in_specs=[
            pl.BlockSpec((1, P, D), lambda b: (b, 0, 0)),
            pl.BlockSpec((1, P, D), lambda b: (b, 0, 0)),
            pl.BlockSpec((D_EM, 2 * D), lambda b: (0, 0)),
            pl.BlockSpec((D_EM,), lambda b: (0,)),
            pl.BlockSpec((D_EM, D), lambda b: (0, 0)),
            pl.BlockSpec((D_EM,), lambda b: (0,)),
        ],
        out_specs=(pl.BlockSpec((1, P, D_EM), lambda b: (b, 0, 0)),
                   pl.BlockSpec((1, P, D_EM), lambda b: (b, 0, 0))),
    )(x_all, y_wm_all, W_q_em, b_q_em, W_q_cross, b_q_cross)

    em_Sp = jnp.pad(em_S, ((0, 0), (0, MP - M))).reshape(B * (MP // TM), 1, TM)

    scores, cmax = pl.pallas_call(
        _scores_body,
        out_shape=(jax.ShapeDtypeStruct((B, P, G, CH), jnp.float32),
                   jax.ShapeDtypeStruct((B, P, G), jnp.float32)),
        grid=(B, MP // TM),
        in_specs=[
            pl.BlockSpec((1, P, D_EM), lambda b, m: (b, 0, 0)),
            pl.BlockSpec((1, D_EM, TM), lambda b, m: (b, 0, m)),
            pl.BlockSpec((1, 1, TM), lambda b, m: (b * (MP // TM) + m, 0, 0)),
        ],
        out_specs=(pl.BlockSpec((1, P, TM // CH, CH), lambda b, m: (b, 0, m, 0)),
                   pl.BlockSpec((1, P, TM // CH), lambda b, m: (b, 0, m))),
    )(q, em_K.transpose(0, 2, 1), em_Sp)

    cidx = pl.pallas_call(
        _chunk_topk_body,
        out_shape=jax.ShapeDtypeStruct((B, P, K_RET), jnp.int32),
        grid=(B,),
        in_specs=[pl.BlockSpec((1, P, G), lambda b: (b, 0, 0))],
        out_specs=pl.BlockSpec((1, P, K_RET), lambda b: (b, 0, 0)),
    )(cmax)

    cid_flat = cidx.reshape(B * P * K_RET)
    cands = _gather_chunks_sc(scores.reshape(B * P * G, CH), cid_flat)

    vals, jidx = pl.pallas_call(
        _cand_topk_body,
        out_shape=(jax.ShapeDtypeStruct((B, P, K_RET), jnp.float32),
                   jax.ShapeDtypeStruct((B, P, K_RET), jnp.int32)),
        grid=(B,),
        in_specs=[pl.BlockSpec((1, P, K_RET, CH), lambda b: (b, 0, 0, 0)),
                  pl.BlockSpec((1, P, K_RET), lambda b: (b, 0, 0))],
        out_specs=(pl.BlockSpec((1, P, K_RET), lambda b: (b, 0, 0)),
                   pl.BlockSpec((1, P, K_RET), lambda b: (b, 0, 0))),
    )(cands.reshape(B, P, K_RET, CH), cidx)

    v_pairs = pl.pallas_call(
        _repack_v_body,
        out_shape=jax.ShapeDtypeStruct((B, MV2, 2 * D_EM), jnp.float32),
        grid=(B, GV),
        in_specs=[pl.BlockSpec((1, D_EM, TV), lambda b, m: (b, 0, m))],
        out_specs=pl.BlockSpec((1, TV // 2, 2 * D_EM), lambda b, m: (b, m, 0)),
    )(em_V.transpose(0, 2, 1))

    v_top = _gather_v_sc(v_pairs.reshape(B * MV2, 2 * D_EM),
                         jidx.reshape(B * P * K_RET))

    y = pl.pallas_call(
        _combine_body,
        out_shape=jax.ShapeDtypeStruct((B, P, D), jnp.float32),
        grid=(B,),
        in_specs=[
            pl.BlockSpec((1, P, D_EM), lambda b: (b, 0, 0)),
            pl.BlockSpec((1, P, K_RET, 2 * D_EM), lambda b: (b, 0, 0, 0)),
            pl.BlockSpec((1, P, K_RET), lambda b: (b, 0, 0)),
            pl.BlockSpec((1, P, K_RET), lambda b: (b, 0, 0)),
            pl.BlockSpec((D, D_EM), lambda b: (0, 0)),
            pl.BlockSpec((D,), lambda b: (0,)),
        ],
        out_specs=pl.BlockSpec((1, P, D), lambda b: (b, 0, 0)),
    )(q_cross, v_top.reshape(B, P, K_RET, 2 * D_EM), vals, jidx,
      W_o_cross, b_o_cross)

    return y

# --- scband reference (transcript-rebuilt; emitter-appended) ---
"""Pipeline reference for scband-episodic-memory-77008763617807 (READ-ONLY COPY).

The authoritative reference and input builder live on the scoring server;
editing this copy changes nothing except your own understanding.
"""

import jax, jax.numpy as jnp
import numpy as np

B, P, D, M, D_EM, K_RET = 4, 128, 1024, 100000, 64, 32


def unit_normalize(x, eps=1e-12):
    return x / jnp.sqrt(jnp.sum(x * x, axis=-1, keepdims=True) + eps)


def setup_inputs(seed: int = 0):
    key = jax.random.key(seed)
    ks = jax.random.split(key, 11)
    x_all = jax.random.normal(ks[0], (B, P, D), dtype=jnp.float32)
    y_wm_all = jax.random.normal(ks[1], (B, P, D), dtype=jnp.float32)
    em_K = unit_normalize(jax.random.normal(ks[2], (B, M, D_EM), dtype=jnp.float32))
    em_V = jax.random.normal(ks[3], (B, M, D_EM), dtype=jnp.float32)
    em_S = jax.random.uniform(ks[4], (B, M), dtype=jnp.float32)
    s = 0.02
    W_q_em = jax.random.normal(ks[5], (D_EM, 2 * D), dtype=jnp.float32) * s
    b_q_em = jnp.zeros((D_EM,), dtype=jnp.float32)
    W_q_cross = jax.random.normal(ks[6], (D_EM, D), dtype=jnp.float32) * s
    b_q_cross = jnp.zeros((D_EM,), dtype=jnp.float32)
    W_o_cross = jax.random.normal(ks[7], (D, D_EM), dtype=jnp.float32) * s
    b_o_cross = jnp.zeros((D,), dtype=jnp.float32)
    return {"x_all": x_all, "y_wm_all": y_wm_all, "em_K": em_K, "em_V": em_V, "em_S": em_S,
            "W_q_em": W_q_em, "b_q_em": b_q_em, "W_q_cross": W_q_cross, "b_q_cross": b_q_cross,
            "W_o_cross": W_o_cross, "b_o_cross": b_o_cross}


def reference(x_all, y_wm_all, em_K, em_V, em_S, W_q_em, b_q_em, W_q_cross, b_q_cross, W_o_cross, b_o_cross):
    # retrieve_batch: query episodic memory for P tokens in parallel
    q = unit_normalize(jnp.concatenate([x_all, y_wm_all], axis=-1) @ W_q_em.T + b_q_em)  # [B,P,D_em]
    scores = jnp.einsum('bpd,bmd->bpm', q, em_K)  # [B,P,M]
    active = em_S > 0  # [B,M]
    scores = jnp.where(active[:, None, :], scores, -jnp.inf)
    topk_scores, topk_idx = jax.lax.top_k(scores, K_RET)  # [B,P,k]
    # gather V_top [B,P,k,D_em] without materializing [B,P,M,D_em]
    V_top = jax.vmap(lambda V, idx: V[idx])(em_V, topk_idx)
    q_cross = x_all @ W_q_cross.T + b_q_cross  # [B,P,D_em]
    attn = jnp.einsum('bpd,bpkd->bpk', q_cross, V_top) * (D_EM ** -0.5)
    attn = attn + topk_scores
    attn = jnp.where(topk_scores == -jnp.inf, -jnp.inf, attn)
    attn = jax.nn.softmax(attn, axis=-1)
    attn = jnp.nan_to_num(attn, nan=0.0)
    out = jnp.einsum('bpk,bpkd->bpd', attn, V_top)  # [B,P,D_em]
    # em_readout_ffn is disabled in this config (readout_ffn is None)
    y_em_all = out @ W_o_cross.T + b_o_cross  # [B,P,D]
    return y_em_all

if __name__ == "__main__":
    import jax
    _d = setup_inputs()
    print(jax.jit(kernel)(*tuple(_d.values())))

</pallas_src>

<mosaic_0001>
#map = affine_map<(d0, d1) -> (0, 0)>
#map1 = affine_map<(d0, d1) -> (0)>
module attributes {stable_mosaic.version = 14 : i64} {
  func.func @k(%arg0: i32, %arg1: i32, %arg2: memref<212992x128xf32, #tpu.memory_space<hbm>>, %arg3: memref<16384xi32, #tpu.memory_space<hbm>>, %arg4: memref<16384x128xf32, #tpu.memory_space<hbm>>, %arg5: memref<512xi32, #tpu.memory_space<vmem>>, %arg6: memref<4x128xi32, #tpu.memory_space<vmem>>, %arg7: memref<512x128xf32, #tpu.memory_space<vmem>>, %arg8: memref<!tpu.dma_semaphore, #tpu.memory_space<semaphore_mem>>) attributes {dimension_semantics = [#tpu.dimension_semantics<core_parallel>, #tpu.dimension_semantics<subcore_parallel>], iteration_bounds = array<i64: 2, 16>, scalar_prefetch = 0 : i64, scratch_operands = 4 : i64, tpu.core_type = #tpu.core_type<sc_vector_subcore>, window_params = [{transform_indices = #map}, {transform_indices = #map1}, {transform_indices = #map}]} {
    %mul3A = arith.constant 2 : i32
    %mul3A_0 = arith.muli %arg1, %mul3A : i32
    %add3A = arith.addi %mul3A_0, %arg0 : i32
    %mul3A_1 = arith.constant 16 : i32
    %mul3A_2 = arith.muli %add3A, %mul3A_1 : i32
    %mul3A_3 = arith.constant 32 : i32
    %mul3A_4 = arith.muli %mul3A_2, %mul3A_3 : i32
    "tpu.region"() ({
      %run_scoped3A = tpu.sem_alloc : memref<!tpu.dma_semaphore, #tpu.memory_space<semaphore_mem>>
      %dma_start3A_1039 = tpu.memref_slice %arg3[%mul3A_4] : memref<16384xi32, #tpu.memory_space<hbm>> -> memref<512xi32, #tpu.memory_space<hbm>>
      %dma_start3A_1040 = tpu.memref_slice %arg3[%mul3A_4] : memref<16384xi32, #tpu.memory_space<hbm>> -> memref<512xi32, #tpu.memory_space<hbm>>
      tpu.enqueue_dma source(%dma_start3A_1040 : memref<512xi32, #tpu.memory_space<hbm>>) target(%arg5 : memref<512xi32, #tpu.memory_space<vmem>>) target_semaphore(%run_scoped3A : memref<!tpu.dma_semaphore, #tpu.memory_space<semaphore_mem>>)
      %dma_wait3A_1041 = tpu.memref_slice %arg3[%mul3A_4] : memref<16384xi32, #tpu.memory_space<hbm>> -> memref<512xi32, #tpu.memory_space<hbm>>
      %dma_wait3A_1042 = tpu.memref_slice %arg3[%mul3A_4] : memref<16384xi32, #tpu.memory_space<hbm>> -> memref<512xi32, #tpu.memory_space<hbm>>
      tpu.wait_dma2 semaphore(%run_scoped3A : memref<!tpu.dma_semaphore, #tpu.memory_space<semaphore_mem>>) src(%dma_wait3A_1042 : memref<512xi32, #tpu.memory_space<hbm>>) dst(%arg5 : memref<512xi32, #tpu.memory_space<vmem>>)
      tpu.yield
    }) : () -> ()
    %get3A = arith.constant 0 : index
    %get3A_5 = tpu.vector_load %arg5[%get3A] {strides = array<i32>} : memref<512xi32, #tpu.memory_space<vmem>>, vector<16xi32>,
    %get3A_6 = vector.shape_cast %get3A_5 : vector<16xi32> to vector<16xi32>
    %min3A = arith.constant 99999 : i32
    %min3A_7 = vector.broadcast %min3A : i32 to vector<16xi32>
    %min3A_8 = arith.minsi %get3A_6, %min3A_7 : vector<16xi32>
    %add3A_9 = arith.constant 0 : i32
    %add3A_10 = arith.addi %mul3A_2, %add3A_9 : i32
    %div3A = arith.constant 128 : i32
    %div3A_11 = arith.divsi %add3A_10, %div3A : i32
    %shift_right_logical3A = arith.constant 13 : i32
    %shift_right_logical3A_12 = vector.broadcast %shift_right_logical3A : i32 to vector<16xi32>
    %shift_right_logical3A_13 = arith.shrui %min3A_8, %shift_right_logical3A_12 : vector<16xi32>
    %and3A = arith.constant 4095 : i32
    %and3A_14 = vector.broadcast %and3A : i32 to vector<16xi32>
    %and3A_15 = arith.andi %min3A_8, %and3A_14 : vector<16xi32>
    %mul3A_16 = arith.constant 53248 : i32
    %mul3A_17 = arith.muli %div3A_11, %mul3A_16 : i32
    %mul3A_18 = arith.constant 4096 : i32
    %mul3A_19 = vector.broadcast %mul3A_18 : i32 to vector<16xi32>
    %mul3A_20 = arith.muli %shift_right_logical3A_13, %mul3A_19 : vector<16xi32>
    %add3A_21 = vector.broadcast %mul3A_17 : i32 to vector<16xi32>
    %add3A_22 = arith.addi %add3A_21, %mul3A_20 : vector<16xi32>
    %add3A_23 = arith.addi %add3A_22, %and3A_15 : vector<16xi32>
    %swap3A = arith.constant 0 : i32
    %swap3A_24 = arith.index_cast %swap3A : i32 to index
    %swap3A_25 = arith.constant 0 : index
    %swap3A_26 = tpu.vector_load %arg6[%swap3A_24, %swap3A_25] {strides = array<i32>} : memref<4x128xi32, #tpu.memory_space<vmem>>, vector<1x16xi32>,
    %swap3A_27 = vector.shape_cast %swap3A_26 : vector<1x16xi32> to vector<16xi32>
    %swap3A_28 = vector.shape_cast %add3A_23 : vector<16xi32> to vector<1x16xi32>
    tpu.vector_store %arg6[%swap3A_24, %swap3A_25], %swap3A_28 {strides = array<i32>} : memref<4x128xi32, #tpu.memory_space<vmem>>, vector<1x16xi32>,
    %get3A_29 = arith.constant 16 : index
    %get3A_30 = tpu.vector_load %arg5[%get3A_29] {strides = array<i32>} : memref<512xi32, #tpu.memory_space<vmem>>, vector<16xi32>,
    %get3A_31 = vector.shape_cast %get3A_30 : vector<16xi32> to vector<16xi32>
    %min3A_32 = arith.constant 99999 : i32
    %min3A_33 = vector.broadcast %min3A_32 : i32 to vector<16xi32>
    %min3A_34 = arith.minsi %get3A_31, %min3A_33 : vector<16xi32>
    %add3A_35 = arith.constant 0 : i32
    %add3A_36 = arith.addi %mul3A_2, %add3A_35 : i32
    %div3A_37 = arith.constant 128 : i32
    %div3A_38 = arith.divsi %add3A_36, %div3A_37 : i32
    %shift_right_logical3A_39 = arith.constant 13 : i32
    %shift_right_logical3A_40 = vector.broadcast %shift_right_logical3A_39 : i32 to vector<16xi32>
    %shift_right_logical3A_41 = arith.shrui %min3A_34, %shift_right_logical3A_40 : vector<16xi32>
    %and3A_42 = arith.constant 4095 : i32
    %and3A_43 = vector.broadcast %and3A_42 : i32 to vector<16xi32>
    %and3A_44 = arith.andi %min3A_34, %and3A_43 : vector<16xi32>
    %mul3A_45 = arith.constant 53248 : i32
    %mul3A_46 = arith.muli %div3A_38, %mul3A_45 : i32
    %mul3A_47 = arith.constant 4096 : i32
    %mul3A_48 = vector.broadcast %mul3A_47 : i32 to vector<16xi32>
    %mul3A_49 = arith.muli %shift_right_logical3A_41, %mul3A_48 : vector<16xi32>
    %add3A_50 = vector.broadcast %mul3A_46 : i32 to vector<16xi32>
    %add3A_51 = arith.addi %add3A_50, %mul3A_49 : vector<16xi32>
    %add3A_52 = arith.addi %add3A_51, %and3A_44 : vector<16xi32>
    %swap3A_53 = arith.constant 0 : i32
    %swap3A_54 = arith.index_cast %swap3A_53 : i32 to index
    %swap3A_55 = arith.constant 16 : index
    %swap3A_56 = tpu.vector_load %arg6[%swap3A_54, %swap3A_55] {strides = array<i32>} : memref<4x128xi32, #tpu.memory_space<vmem>>, vector<1x16xi32>,
    %swap3A_57 = vector.shape_cast %swap3A_56 : vector<1x16xi32> to vector<16xi32>
    %swap3A_58 = vector.shape_cast %add3A_52 : vector<16xi32> to vector<1x16xi32>
    tpu.vector_store %arg6[%swap3A_54, %swap3A_55], %swap3A_58 {strides = array<i32>} : memref<4x128xi32, #tpu.memory_space<vmem>>, vector<1x16xi32>,
    %get3A_59 = arith.constant 32 : index
    %get3A_60 = tpu.vector_load %arg5[%get3A_59] {strides = array<i32>} : memref<512xi32, #tpu.memory_space<vmem>>, vector<16xi32>,
    %get3A_61 = vector.shape_cast %get3A_60 : vector<16xi32> to vector<16xi32>
    %min3A_62 = arith.constant 99999 : i32
    %min3A_63 = vector.broadcast %min3A_62 : i32 to vector<16xi32>
    %min3A_64 = arith.minsi %get3A_61, %min3A_63 : vector<16xi32>
    %add3A_65 = arith.constant 1 : i32
    %add3A_66 = arith.addi %mul3A_2, %add3A_65 : i32
    %div3A_67 = arith.constant 128 : i32
    %div3A_68 = arith.divsi %add3A_66, %div3A_67 : i32
    %shift_right_logical3A_69 = arith.constant 13 : i32
    %shift_right_logical3A_70 = vector.broadcast %shift_right_logical3A_69 : i32 to vector<16xi32>
    %shift_right_logical3A_71 = arith.shrui %min3A_64, %shift_right_logical3A_70 : vector<16xi32>
    %and3A_72 = arith.constant 4095 : i32
    %and3A_73 = vector.broadcast %and3A_72 : i32 to vector<16xi32>
    %and3A_74 = arith.andi %min3A_64, %and3A_73 : vector<16xi32>
    %mul3A_75 = arith.constant 53248 : i32
    %mul3A_76 = arith.muli %div3A_68, %mul3A_75 : i32
    %mul3A_77 = arith.constant 4096 : i32
    %mul3A_78 = vector.broadcast %mul3A_77 : i32 to vector<16xi32>
    %mul3A_79 = arith.muli %shift_right_logical3A_71, %mul3A_78 : vector<16xi32>
    %add3A_80 = vector.broadcast %mul3A_76 : i32 to vector<16xi32>
    %add3A_81 = arith.addi %add3A_80, %mul3A_79 : vector<16xi32>
    %add3A_82 = arith.addi %add3A_81, %and3A_74 : vector<16xi32>
    %swap3A_83 = arith.constant 0 : i32
    %swap3A_84 = arith.index_cast %swap3A_83 : i32 to index
    %swap3A_85 = arith.constant 32 : index
    %swap3A_86 = tpu.vector_load %arg6[%swap3A_84, %swap3A_85] {strides = array<i32>} : memref<4x128xi32, #tpu.memory_space<vmem>>, vector<1x16xi32>,
    %swap3A_87 = vector.shape_cast %swap3A_86 : vector<1x16xi32> to vector<16xi32>
    %swap3A_88 = vector.shape_cast %add3A_82 : vector<16xi32> to vector<1x16xi32>
    tpu.vector_store %arg6[%swap3A_84, %swap3A_85], %swap3A_88 {strides = array<i32>} : memref<4x128xi32, #tpu.memory_space<vmem>>, vector<1x16xi32>,
    %get3A_89 = arith.constant 48 : index
    %get3A_90 = tpu.vector_load %arg5[%get3A_89] {strides = array<i32>} : memref<512xi32, #tpu.memory_space<vmem>>, vector<16xi32>,
    %get3A_91 = vector.shape_cast %get3A_90 : vector<16xi32> to vector<16xi32>
    %min3A_92 = arith.constant 99999 : i32
    %min3A_93 = vector.broadcast %min3A_92 : i32 to vector<16xi32>
    %min3A_94 = arith.minsi %get3A_91, %min3A_93 : vector<16xi32>
    %add3A_95 = arith.constant 1 : i32
    %add3A_96 = arith.addi %mul3A_2, %add3A_95 : i32
    %div3A_97 = arith.constant 128 : i32
    %div3A_98 = arith.divsi %add3A_96, %div3A_97 : i32
    %shift_right_logical3A_99 = arith.constant 13 : i32
    %shift_right_logical3A_100 = vector.broadcast %shift_right_logical3A_99 : i32 to vector<16xi32>
    %shift_right_logical3A_101 = arith.shrui %min3A_94, %shift_right_logical3A_100 : vector<16xi32>
    %and3A_102 = arith.constant 4095 : i32
    %and3A_103 = vector.broadcast %and3A_102 : i32 to vector<16xi32>
    %and3A_104 = arith.andi %min3A_94, %and3A_103 : vector<16xi32>
    %mul3A_105 = arith.constant 53248 : i32
    %mul3A_106 = arith.muli %div3A_98, %mul3A_105 : i32
    %mul3A_107 = arith.constant 4096 : i32
    %mul3A_108 = vector.broadcast %mul3A_107 : i32 to vector<16xi32>
    %mul3A_109 = arith.muli %shift_right_logical3A_101, %mul3A_108 : vector<16xi32>
    %add3A_110 = vector.broadcast %mul3A_106 : i32 to vector<16xi32>
    %add3A_111 = arith.addi %add3A_110, %mul3A_109 : vector<16xi32>
    %add3A_112 = arith.addi %add3A_111, %and3A_104 : vector<16xi32>
    %swap3A_113 = arith.constant 0 : i32
    %swap3A_114 = arith.index_cast %swap3A_113 : i32 to index
    %swap3A_115 = arith.constant 48 : index
    %swap3A_116 = tpu.vector_load %arg6[%swap3A_114, %swap3A_115] {strides = array<i32>} : memref<4x128xi32, #tpu.memory_space<vmem>>, vector<1x16xi32>,
    %swap3A_117 = vector.shape_cast %swap3A_116 : vector<1x16xi32> to vector<16xi32>
    %swap3A_118 = vector.shape_cast %add3A_112 : vector<16xi32> to vector<1x16xi32>
    tpu.vector_store %arg6[%swap3A_114, %swap3A_115], %swap3A_118 {strides = array<i32>} : memref<4x128xi32, #tpu.memory_space<vmem>>, vector<1x16xi32>,
    %get3A_119 = arith.constant 64 : index
    %get3A_120 = tpu.vector_load %arg5[%get3A_119] {strides = array<i32>} : memref<512xi32, #tpu.memory_space<vmem>>, vector<16xi32>,
    %get3A_121 = vector.shape_cast %get3A_120 : vector<16xi32> to vector<16xi32>
    %min3A_122 = arith.constant 99999 : i32
    %min3A_123 = vector.broadcast %min3A_122 : i32 to vector<16xi32>
    %min3A_124 = arith.minsi %get3A_121, %min3A_123 : vector<16xi32>
    %add3A_125 = arith.constant 2 : i32
    %add3A_126 = arith.addi %mul3A_2, %add3A_125 : i32
    %div3A_127 = arith.constant 128 : i32
    %div3A_128 = arith.divsi %add3A_126, %div3A_127 : i32
    %shift_right_logical3A_129 = arith.constant 13 : i32
    %shift_right_logical3A_130 = vector.broadcast %shift_right_logical3A_129 : i32 to vector<16xi32>
    %shift_right_logical3A_131 = arith.shrui %min3A_124, %shift_right_logical3A_130 : vector<16xi32>
    %and3A_132 = arith.constant 4095 : i32
    %and3A_133 = vector.broadcast %and3A_132 : i32 to vector<16xi32>
    %and3A_134 = arith.andi %min3A_124, %and3A_133 : vector<16xi32>
    %mul3A_135 = arith.constant 53248 : i32
    %mul3A_136 = arith.muli %div3A_128, %mul3A_135 : i32
    %mul3A_137 = arith.constant 4096 : i32
    %mul3A_138 = vector.broadcast %mul3A_137 : i32 to vector<16xi32>
    %mul3A_139 = arith.muli %shift_right_logical3A_131, %mul3A_138 : vector<16xi32>
    %add3A_140 = vector.broadcast %mul3A_136 : i32 to vector<16xi32>
    %add3A_141 = arith.addi %add3A_140, %mul3A_139 : vector<16xi32>
    %add3A_142 = arith.addi %add3A_141, %and3A_134 : vector<16xi32>
    %swap3A_143 = arith.constant 0 : i32
    %swap3A_144 = arith.index_cast %swap3A_143 : i32 to index
    %swap3A_145 = arith.constant 64 : index
    %swap3A_146 = tpu.vector_load %arg6[%swap3A_144, %swap3A_145] {strides = array<i32>} : memref<4x128xi32, #tpu.memory_space<vmem>>, vector<1x16xi32>,
    %swap3A_147 = vector.shape_cast %swap3A_146 : vector<1x16xi32> to vector<16xi32>
    %swap3A_148 = vector.shape_cast %add3A_142 : vector<16xi32> to vector<1x16xi32>
    tpu.vector_store %arg6[%swap3A_144, %swap3A_145], %swap3A_148 {strides = array<i32>} : memref<4x128xi32, #tpu.memory_space<vmem>>, vector<1x16xi32>,
    %get3A_149 = arith.constant 80 : index
    %get3A_150 = tpu.vector_load %arg5[%get3A_149] {strides = array<i32>} : memref<512xi32, #tpu.memory_space<vmem>>, vector<16xi32>,
    %get3A_151 = vector.shape_cast %get3A_150 : vector<16xi32> to vector<16xi32>
    %min3A_152 = arith.constant 99999 : i32
    %min3A_153 = vector.broadcast %min3A_152 : i32 to vector<16xi32>
    %min3A_154 = arith.minsi %get3A_151, %min3A_153 : vector<16xi32>
    %add3A_155 = arith.constant 2 : i32
    %add3A_156 = arith.addi %mul3A_2, %add3A_155 : i32
    %div3A_157 = arith.constant 128 : i32
    %div3A_158 = arith.divsi %add3A_156, %div3A_157 : i32
    %shift_right_logical3A_159 = arith.constant 13 : i32
    %shift_right_logical3A_160 = vector.broadcast %shift_right_logical3A_159 : i32 to vector<16xi32>
    %shift_right_logical3A_161 = arith.shrui %min3A_154, %shift_right_logical3A_160 : vector<16xi32>
    %and3A_162 = arith.constant 4095 : i32
    %and3A_163 = vector.broadcast %and3A_162 : i32 to vector<16xi32>
    %and3A_164 = arith.andi %min3A_154, %and3A_163 : vector<16xi32>
    %mul3A_165 = arith.constant 53248 : i32
    %mul3A_166 = arith.muli %div3A_158, %mul3A_165 : i32
    %mul3A_167 = arith.constant 4096 : i32
    %mul3A_168 = vector.broadcast %mul3A_167 : i32 to vector<16xi32>
    %mul3A_169 = arith.muli %shift_right_logical3A_161, %mul3A_168 : vector<16xi32>
    %add3A_170 = vector.broadcast %mul3A_166 : i32 to vector<16xi32>
    %add3A_171 = arith.addi %add3A_170, %mul3A_169 : vector<16xi32>
    %add3A_172 = arith.addi %add3A_171, %and3A_164 : vector<16xi32>
    %swap3A_173 = arith.constant 0 : i32
    %swap3A_174 = arith.index_cast %swap3A_173 : i32 to index
    %swap3A_175 = arith.constant 80 : index
    %swap3A_176 = tpu.vector_load %arg6[%swap3A_174, %swap3A_175] {strides = array<i32>} : memref<4x128xi32, #tpu.memory_space<vmem>>, vector<1x16xi32>,
    %swap3A_177 = vector.shape_cast %swap3A_176 : vector<1x16xi32> to vector<16xi32>
    %swap3A_178 = vector.shape_cast %add3A_172 : vector<16xi32> to vector<1x16xi32>
    tpu.vector_store %arg6[%swap3A_174, %swap3A_175], %swap3A_178 {strides = array<i32>} : memref<4x128xi32, #tpu.memory_space<vmem>>, vector<1x16xi32>,
    %get3A_179 = arith.constant 96 : index
    %get3A_180 = tpu.vector_load %arg5[%get3A_179] {strides = array<i32>} : memref<512xi32, #tpu.memory_space<vmem>>, vector<16xi32>,
    %get3A_181 = vector.shape_cast %get3A_180 : vector<16xi32> to vector<16xi32>
    %min3A_182 = arith.constant 99999 : i32
    %min3A_183 = vector.broadcast %min3A_182 : i32 to vector<16xi32>
    %min3A_184 = arith.minsi %get3A_181, %min3A_183 : vector<16xi32>
    %add3A_185 = arith.constant 3 : i32
    %add3A_186 = arith.addi %mul3A_2, %add3A_185 : i32
    %div3A_187 = arith.constant 128 : i32
    %div3A_188 = arith.divsi %add3A_186, %div3A_187 : i32
    %shift_right_logical3A_189 = arith.constant 13 : i32
    %shift_right_logical3A_190 = vector.broadcast %shift_right_logical3A_189 : i32 to vector<16xi32>
    %shift_right_logical3A_191 = arith.shrui %min3A_184, %shift_right_logical3A_190 : vector<16xi32>
    %and3A_192 = arith.constant 4095 : i32
    %and3A_193 = vector.broadcast %and3A_192 : i32 to vector<16xi32>
    %and3A_194 = arith.andi %min3A_184, %and3A_193 : vector<16xi32>
    %mul3A_195 = arith.constant 53248 : i32
    %mul3A_196 = arith.muli %div3A_188, %mul3A_195 : i32
    %mul3A_197 = arith.constant 4096 : i32
    %mul3A_198 = vector.broadcast %mul3A_197 : i32 to vector<16xi32>
    %mul3A_199 = arith.muli %shift_right_logical3A_191, %mul3A_198 : vector<16xi32>
    %add3A_200 = vector.broadcast %mul3A_196 : i32 to vector<16xi32>
    %add3A_201 = arith.addi %add3A_200, %mul3A_199 : vector<16xi32>
    %add3A_202 = arith.addi %add3A_201, %and3A_194 : vector<16xi32>
    %swap3A_203 = arith.constant 0 : i32
    %swap3A_204 = arith.index_cast %swap3A_203 : i32 to index
    %swap3A_205 = arith.constant 96 : index
    %swap3A_206 = tpu.vector_load %arg6[%swap3A_204, %swap3A_205] {strides = array<i32>} : memref<4x128xi32, #tpu.memory_space<vmem>>, vector<1x16xi32>,
    %swap3A_207 = vector.shape_cast %swap3A_206 : vector<1x16xi32> to vector<16xi32>
    %swap3A_208 = vector.shape_cast %add3A_202 : vector<16xi32> to vector<1x16xi32>
    tpu.vector_store %arg6[%swap3A_204, %swap3A_205], %swap3A_208 {strides = array<i32>} : memref<4x128xi32, #tpu.memory_space<vmem>>, vector<1x16xi32>,
    %get3A_209 = arith.constant 112 : index
    %get3A_210 = tpu.vector_load %arg5[%get3A_209] {strides = array<i32>} : memref<512xi32, #tpu.memory_space<vmem>>, vector<16xi32>,
    %get3A_211 = vector.shape_cast %get3A_210 : vector<16xi32> to vector<16xi32>
    %min3A_212 = arith.constant 99999 : i32
    %min3A_213 = vector.broadcast %min3A_212 : i32 to vector<16xi32>
    %min3A_214 = arith.minsi %get3A_211, %min3A_213 : vector<16xi32>
    %add3A_215 = arith.constant 3 : i32
    %add3A_216 = arith.addi %mul3A_2, %add3A_215 : i32
    %div3A_217 = arith.constant 128 : i32
    %div3A_218 = arith.divsi %add3A_216, %div3A_217 : i32
    %shift_right_logical3A_219 = arith.constant 13 : i32
    %shift_right_logical3A_220 = vector.broadcast %shift_right_logical3A_219 : i32 to vector<16xi32>
    %shift_right_logical3A_221 = arith.shrui %min3A_214, %shift_right_logical3A_220 : vector<16xi32>
    %and3A_222 = arith.constant 4095 : i32
    %and3A_223 = vector.broadcast %and3A_222 : i32 to vector<16xi32>
    %and3A_224 = arith.andi %min3A_214, %and3A_223 : vector<16xi32>
    %mul3A_225 = arith.constant 53248 : i32
    %mul3A_226 = arith.muli %div3A_218, %mul3A_225 : i32
    %mul3A_227 = arith.constant 4096 : i32
    %mul3A_228 = vector.broadcast %mul3A_227 : i32 to vector<16xi32>
    %mul3A_229 = arith.muli %shift_right_logical3A_221, %mul3A_228 : vector<16xi32>
    %add3A_230 = vector.broadcast %mul3A_226 : i32 to vector<16xi32>
    %add3A_231 = arith.addi %add3A_230, %mul3A_229 : vector<16xi32>
    %add3A_232 = arith.addi %add3A_231, %and3A_224 : vector<16xi32>
    %swap3A_233 = arith.constant 0 : i32
    %swap3A_234 = arith.index_cast %swap3A_233 : i32 to index
    %swap3A_235 = arith.constant 112 : index
    %swap3A_236 = tpu.vector_load %arg6[%swap3A_234, %swap3A_235] {strides = array<i32>} : memref<4x128xi32, #tpu.memory_space<vmem>>, vector<1x16xi32>,
    %swap3A_237 = vector.shape_cast %swap3A_236 : vector<1x16xi32> to vector<16xi32>
    %swap3A_238 = vector.shape_cast %add3A_232 : vector<16xi32> to vector<1x16xi32>
    tpu.vector_store %arg6[%swap3A_234, %swap3A_235], %swap3A_238 {strides = array<i32>} : memref<4x128xi32, #tpu.memory_space<vmem>>, vector<1x16xi32>,
    %get3A_239 = arith.constant 128 : index
    %get3A_240 = tpu.vector_load %arg5[%get3A_239] {strides = array<i32>} : memref<512xi32, #tpu.memory_space<vmem>>, vector<16xi32>,
    %get3A_241 = vector.shape_cast %get3A_240 : vector<16xi32> to vector<16xi32>
    %min3A_242 = arith.constant 99999 : i32
    %min3A_243 = vector.broadcast %min3A_242 : i32 to vector<16xi32>
    %min3A_244 = arith.minsi %get3A_241, %min3A_243 : vector<16xi32>
    %add3A_245 = arith.constant 4 : i32
    %add3A_246 = arith.addi %mul3A_2, %add3A_245 : i32
    %div3A_247 = arith.constant 128 : i32
    %div3A_248 = arith.divsi %add3A_246, %div3A_247 : i32
    %shift_right_logical3A_249 = arith.constant 13 : i32
    %shift_right_logical3A_250 = vector.broadcast %shift_right_logical3A_249 : i32 to vector<16xi32>
    %shift_right_logical3A_251 = arith.shrui %min3A_244, %shift_right_logical3A_250 : vector<16xi32>
    %and3A_252 = arith.constant 4095 : i32
    %and3A_253 = vector.broadcast %and3A_252 : i32 to vector<16xi32>
    %and3A_254 = arith.andi %min3A_244, %and3A_253 : vector<16xi32>
    %mul3A_255 = arith.constant 53248 : i32
    %mul3A_256 = arith.muli %div3A_248, %mul3A_255 : i32
    %mul3A_257 = arith.constant 4096 : i32
    %mul3A_258 = vector.broadcast %mul3A_257 : i32 to vector<16xi32>
    %mul3A_259 = arith.muli %shift_right_logical3A_251, %mul3A_258 : vector<16xi32>
    %add3A_260 = vector.broadcast %mul3A_256 : i32 to vector<16xi32>
    %add3A_261 = arith.addi %add3A_260, %mul3A_259 : vector<16xi32>
    %add3A_262 = arith.addi %add3A_261, %and3A_254 : vector<16xi32>
    %swap3A_263 = arith.constant 1 : i32
    %swap3A_264 = arith.index_cast %swap3A_263 : i32 to index
    %swap3A_265 = arith.constant 0 : index
    %swap3A_266 = tpu.vector_load %arg6[%swap3A_264, %swap3A_265] {strides = array<i32>} : memref<4x128xi32, #tpu.memory_space<vmem>>, vector<1x16xi32>,
    %swap3A_267 = vector.shape_cast %swap3A_266 : vector<1x16xi32> to vector<16xi32>
    %swap3A_268 = vector.shape_cast %add3A_262 : vector<16xi32> to vector<1x16xi32>
    tpu.vector_store %arg6[%swap3A_264, %swap3A_265], %swap3A_268 {strides = array<i32>} : memref<4x128xi32, #tpu.memory_space<vmem>>, vector<1x16xi32>,
    %get3A_269 = arith.constant 144 : index
    %get3A_270 = tpu.vector_load %arg5[%get3A_269] {strides = array<i32>} : memref<512xi32, #tpu.memory_space<vmem>>, vector<16xi32>,
    %get3A_271 = vector.shape_cast %get3A_270 : vector<16xi32> to vector<16xi32>
    %min3A_272 = arith.constant 99999 : i32
    %min3A_273 = vector.broadcast %min3A_272 : i32 to vector<16xi32>
    %min3A_274 = arith.minsi %get3A_271, %min3A_273 : vector<16xi32>
    %add3A_275 = arith.constant 4 : i32
    %add3A_276 = arith.addi %mul3A_2, %add3A_275 : i32
    %div3A_277 = arith.constant 128 : i32
    %div3A_278 = arith.divsi %add3A_276, %div3A_277 : i32
    %shift_right_logical3A_279 = arith.constant 13 : i32
    %shift_right_logical3A_280 = vector.broadcast %shift_right_logical3A_279 : i32 to vector<16xi32>
    %shift_right_logical3A_281 = arith.shrui %min3A_274, %shift_right_logical3A_280 : vector<16xi32>
    %and3A_282 = arith.constant 4095 : i32
    %and3A_283 = vector.broadcast %and3A_282 : i32 to vector<16xi32>
    %and3A_284 = arith.andi %min3A_274, %and3A_283 : vector<16xi32>
    %mul3A_285 = arith.constant 53248 : i32
    %mul3A_286 = arith.muli %div3A_278, %mul3A_285 : i32
    %mul3A_287 = arith.constant 4096 : i32
    %mul3A_288 = vector.broadcast %mul3A_287 : i32 to vector<16xi32>
    %mul3A_289 = arith.muli %shift_right_logical3A_281, %mul3A_288 : vector<16xi32>
    %add3A_290 = vector.broadcast %mul3A_286 : i32 to vector<16xi32>
    %add3A_291 = arith.addi %add3A_290, %mul3A_289 : vector<16xi32>
    %add3A_292 = arith.addi %add3A_291, %and3A_284 : vector<16xi32>
    %swap3A_293 = arith.constant 1 : i32
    %swap3A_294 = arith.index_cast %swap3A_293 : i32 to index
    %swap3A_295 = arith.constant 16 : index
    %swap3A_296 = tpu.vector_load %arg6[%swap3A_294, %swap3A_295] {strides = array<i32>} : memref<4x128xi32, #tpu.memory_space<vmem>>, vector<1x16xi32>,
    %swap3A_297 = vector.shape_cast %swap3A_296 : vector<1x16xi32> to vector<16xi32>
    %swap3A_298 = vector.shape_cast %add3A_292 : vector<16xi32> to vector<1x16xi32>
    tpu.vector_store %arg6[%swap3A_294, %swap3A_295], %swap3A_298 {strides = array<i32>} : memref<4x128xi32, #tpu.memory_space<vmem>>, vector<1x16xi32>,
    %get3A_299 = arith.constant 160 : index
    %get3A_300 = tpu.vector_load %arg5[%get3A_299] {strides = array<i32>} : memref<512xi32, #tpu.memory_space<vmem>>, vector<16xi32>,
    %get3A_301 = vector.shape_cast %get3A_300 : vector<16xi32> to vector<16xi32>
    %min3A_302 = arith.constant 99999 : i32
    %min3A_303 = vector.broadcast %min3A_302 : i32 to vector<16xi32>
    %min3A_304 = arith.minsi %get3A_301, %min3A_303 : vector<16xi32>
    %add3A_305 = arith.constant 5 : i32
    %add3A_306 = arith.addi %mul3A_2, %add3A_305 : i32
    %div3A_307 = arith.constant 128 : i32
    %div3A_308 = arith.divsi %add3A_306, %div3A_307 : i32
    %shift_right_logical3A_309 = arith.constant 13 : i32
    %shift_right_logical3A_310 = vector.broadcast %shift_right_logical3A_309 : i32 to vector<16xi32>
    %shift_right_logical3A_311 = arith.shrui %min3A_304, %shift_right_logical3A_310 : vector<16xi32>
    %and3A_312 = arith.constant 4095 : i32
    %and3A_313 = vector.broadcast %and3A_312 : i32 to vector<16xi32>
    %and3A_314 = arith.andi %min3A_304, %and3A_313 : vector<16xi32>
    %mul3A_315 = arith.constant 53248 : i32
    %mul3A_316 = arith.muli %div3A_308, %mul3A_315 : i32
    %mul3A_317 = arith.constant 4096 : i32
    %mul3A_318 = vector.broadcast %mul3A_317 : i32 to vector<16xi32>
    %mul3A_319 = arith.muli %shift_right_logical3A_311, %mul3A_318 : vector<16xi32>
    %add3A_320 = vector.broadcast %mul3A_316 : i32 to vector<16xi32>
    %add3A_321 = arith.addi %add3A_320, %mul3A_319 : vector<16xi32>
    %add3A_322 = arith.addi %add3A_321, %and3A_314 : vector<16xi32>
    %swap3A_323 = arith.constant 1 : i32
    %swap3A_324 = arith.index_cast %swap3A_323 : i32 to index
    %swap3A_325 = arith.constant 32 : index
    %swap3A_326 = tpu.vector_load %arg6[%swap3A_324, %swap3A_325] {strides = array<i32>} : memref<4x128xi32, #tpu.memory_space<vmem>>, vector<1x16xi32>,
    %swap3A_327 = vector.shape_cast %swap3A_326 : vector<1x16xi32> to vector<16xi32>
    %swap3A_328 = vector.shape_cast %add3A_322 : vector<16xi32> to vector<1x16xi32>
    tpu.vector_store %arg6[%swap3A_324, %swap3A_325], %swap3A_328 {strides = array<i32>} : memref<4x128xi32, #tpu.memory_space<vmem>>, vector<1x16xi32>,
    %get3A_329 = arith.constant 176 : index
    %get3A_330 = tpu.vector_load %arg5[%get3A_329] {strides = array<i32>} : memref<512xi32, #tpu.memory_space<vmem>>, vector<16xi32>,
    %get3A_331 = vector.shape_cast %get3A_330 : vector<16xi32> to vector<16xi32>
    %min3A_332 = arith.constant 99999 : i32
    %min3A_333 = vector.broadcast %min3A_332 : i32 to vector<16xi32>
    %min3A_334 = arith.minsi %get3A_331, %min3A_333 : vector<16xi32>
    %add3A_335 = arith.constant 5 : i32
    %add3A_336 = arith.addi %mul3A_2, %add3A_335 : i32
    %div3A_337 = arith.constant 128 : i32
    %div3A_338 = arith.divsi %add3A_336, %div3A_337 : i32
    %shift_right_logical3A_339 = arith.constant 13 : i32
    %shift_right_logical3A_340 = vector.broadcast %shift_right_logical3A_339 : i32 to vector<16xi32>
    %shift_right_logical3A_341 = arith.shrui %min3A_334, %shift_right_logical3A_340 : vector<16xi32>
    %and3A_342 = arith.constant 4095 : i32
    %and3A_343 = vector.broadcast %and3A_342 : i32 to vector<16xi32>
    %and3A_344 = arith.andi %min3A_334, %and3A_343 : vector<16xi32>
    %mul3A_345 = arith.constant 53248 : i32
    %mul3A_346 = arith.muli %div3A_338, %mul3A_345 : i32
    %mul3A_347 = arith.constant 4096 : i32
    %mul3A_348 = vector.broadcast %mul3A_347 : i32 to vector<16xi32>
    %mul3A_349 = arith.muli %shift_right_logical3A_341, %mul3A_348 : vector<16xi32>
    %add3A_350 = vector.broadcast %mul3A_346 : i32 to vector<16xi32>
    %add3A_351 = arith.addi %add3A_350, %mul3A_349 : vector<16xi32>
    %add3A_352 = arith.addi %add3A_351, %and3A_344 : vector<16xi32>
    %swap3A_353 = arith.constant 1 : i32
    %swap3A_354 = arith.index_cast %swap3A_353 : i32 to index
    %swap3A_355 = arith.constant 48 : index
    %swap3A_356 = tpu.vector_load %arg6[%swap3A_354, %swap3A_355] {strides = array<i32>} : memref<4x128xi32, #tpu.memory_space<vmem>>, vector<1x16xi32>,
    %swap3A_357 = vector.shape_cast %swap3A_356 : vector<1x16xi32> to vector<16xi32>
    %swap3A_358 = vector.shape_cast %add3A_352 : vector<16xi32> to vector<1x16xi32>
    tpu.vector_store %arg6[%swap3A_354, %swap3A_355], %swap3A_358 {strides = array<i32>} : memref<4x128xi32, #tpu.memory_space<vmem>>, vector<1x16xi32>,
    %get3A_359 = arith.constant 192 : index
    %get3A_360 = tpu.vector_load %arg5[%get3A_359] {strides = array<i32>} : memref<512xi32, #tpu.memory_space<vmem>>, vector<16xi32>,
    %get3A_361 = vector.shape_cast %get3A_360 : vector<16xi32> to vector<16xi32>
    %min3A_362 = arith.constant 99999 : i32
    %min3A_363 = vector.broadcast %min3A_362 : i32 to vector<16xi32>
    %min3A_364 = arith.minsi %get3A_361, %min3A_363 : vector<16xi32>
    %add3A_365 = arith.constant 6 : i32
    %add3A_366 = arith.addi %mul3A_2, %add3A_365 : i32
    %div3A_367 = arith.constant 128 : i32
    %div3A_368 = arith.divsi %add3A_366, %div3A_367 : i32
    %shift_right_logical3A_369 = arith.constant 13 : i32
    %shift_right_logical3A_370 = vector.broadcast %shift_right_logical3A_369 : i32 to vector<16xi32>
    %shift_right_logical3A_371 = arith.shrui %min3A_364, %shift_right_logical3A_370 : vector<16xi32>
    %and3A_372 = arith.constant 4095 : i32
    %and3A_373 = vector.broadcast %and3A_372 : i32 to vector<16xi32>
    %and3A_374 = arith.andi %min3A_364, %and3A_373 : vector<16xi32>
    %mul3A_375 = arith.constant 53248 : i32
    %mul3A_376 = arith.muli %div3A_368, %mul3A_375 : i32
    %mul3A_377 = arith.constant 4096 : i32
    %mul3A_378 = vector.broadcast %mul3A_377 : i32 to vector<16xi32>
    %mul3A_379 = arith.muli %shift_right_logical3A_371, %mul3A_378 : vector<16xi32>
    %add3A_380 = vector.broadcast %mul3A_376 : i32 to vector<16xi32>
    %add3A_381 = arith.addi %add3A_380, %mul3A_379 : vector<16xi32>
    %add3A_382 = arith.addi %add3A_381, %and3A_374 : vector<16xi32>
    %swap3A_383 = arith.constant 1 : i32
    %swap3A_384 = arith.index_cast %swap3A_383 : i32 to index
    %swap3A_385 = arith.constant 64 : index
    %swap3A_386 = tpu.vector_load %arg6[%swap3A_384, %swap3A_385] {strides = array<i32>} : memref<4x128xi32, #tpu.memory_space<vmem>>, vector<1x16xi32>,
    %swap3A_387 = vector.shape_cast %swap3A_386 : vector<1x16xi32> to vector<16xi32>
    %swap3A_388 = vector.shape_cast %add3A_382 : vector<16xi32> to vector<1x16xi32>
    tpu.vector_store %arg6[%swap3A_384, %swap3A_385], %swap3A_388 {strides = array<i32>} : memref<4x128xi32, #tpu.memory_space<vmem>>, vector<1x16xi32>,
    %get3A_389 = arith.constant 208 : index
    %get3A_390 = tpu.vector_load %arg5[%get3A_389] {strides = array<i32>} : memref<512xi32, #tpu.memory_space<vmem>>, vector<16xi32>,
    %get3A_391 = vector.shape_cast %get3A_390 : vector<16xi32> to vector<16xi32>
    %min3A_392 = arith.constant 99999 : i32
    %min3A_393 = vector.broadcast %min3A_392 : i32 to vector<16xi32>
    %min3A_394 = arith.minsi %get3A_391, %min3A_393 : vector<16xi32>
    %add3A_395 = arith.constant 6 : i32
    %add3A_396 = arith.addi %mul3A_2, %add3A_395 : i32
    %div3A_397 = arith.constant 128 : i32
    %div3A_398 = arith.divsi %add3A_396, %div3A_397 : i32
    %shift_right_logical3A_399 = arith.constant 13 : i32
    %shift_right_logical3A_400 = vector.broadcast %shift_right_logical3A_399 : i32 to vector<16xi32>
    %shift_right_logical3A_401 = arith.shrui %min3A_394, %shift_right_logical3A_400 : vector<16xi32>
    %and3A_402 = arith.constant 4095 : i32
    %and3A_403 = vector.broadcast %and3A_402 : i32 to vector<16xi32>
    %and3A_404 = arith.andi %min3A_394, %and3A_403 : vector<16xi32>
    %mul3A_405 = arith.constant 53248 : i32
    %mul3A_406 = arith.muli %div3A_398, %mul3A_405 : i32
    %mul3A_407 = arith.constant 4096 : i32
    %mul3A_408 = vector.broadcast %mul3A_407 : i32 to vector<16xi32>
    %mul3A_409 = arith.muli %shift_right_logical3A_401, %mul3A_408 : vector<16xi32>
    %add3A_410 = vector.broadcast %mul3A_406 : i32 to vector<16xi32>
    %add3A_411 = arith.addi %add3A_410, %mul3A_409 : vector<16xi32>
    %add3A_412 = arith.addi %add3A_411, %and3A_404 : vector<16xi32>
    %swap3A_413 = arith.constant 1 : i32
    %swap3A_414 = arith.index_cast %swap3A_413 : i32 to index
    %swap3A_415 = arith.constant 80 : index
    %swap3A_416 = tpu.vector_load %arg6[%swap3A_414, %swap3A_415] {strides = array<i32>} : memref<4x128xi32, #tpu.memory_space<vmem>>, vector<1x16xi32>,
    %swap3A_417 = vector.shape_cast %swap3A_416 : vector<1x16xi32> to vector<16xi32>
    %swap3A_418 = vector.shape_cast %add3A_412 : vector<16xi32> to vector<1x16xi32>
    tpu.vector_store %arg6[%swap3A_414, %swap3A_415], %swap3A_418 {strides = array<i32>} : memref<4x128xi32, #tpu.memory_space<vmem>>, vector<1x16xi32>,
    %get3A_419 = arith.constant 224 : index
    %get3A_420 = tpu.vector_load %arg5[%get3A_419] {strides = array<i32>} : memref<512xi32, #tpu.memory_space<vmem>>, vector<16xi32>,
    %get3A_421 = vector.shape_cast %get3A_420 : vector<16xi32> to vector<16xi32>
    %min3A_422 = arith.constant 99999 : i32
    %min3A_423 = vector.broadcast %min3A_422 : i32 to vector<16xi32>
    %min3A_424 = arith.minsi %get3A_421, %min3A_423 : vector<16xi32>
    %add3A_425 = arith.constant 7 : i32
    %add3A_426 = arith.addi %mul3A_2, %add3A_425 : i32
    %div3A_427 = arith.constant 128 : i32
    %div3A_428 = arith.divsi %add3A_426, %div3A_427 : i32
    %shift_right_logical3A_429 = arith.constant 13 : i32
    %shift_right_logical3A_430 = vector.broadcast %shift_right_logical3A_429 : i32 to vector<16xi32>
    %shift_right_logical3A_431 = arith.shrui %min3A_424, %shift_right_logical3A_430 : vector<16xi32>
    %and3A_432 = arith.constant 4095 : i32
    %and3A_433 = vector.broadcast %and3A_432 : i32 to vector<16xi32>
    %and3A_434 = arith.andi %min3A_424, %and3A_433 : vector<16xi32>
    %mul3A_435 = arith.constant 53248 : i32
    %mul3A_436 = arith.muli %div3A_428, %mul3A_435 : i32
    %mul3A_437 = arith.constant 4096 : i32
    %mul3A_438 = vector.broadcast %mul3A_437 : i32 to vector<16xi32>
    %mul3A_439 = arith.muli %shift_right_logical3A_431, %mul3A_438 : vector<16xi32>
    %add3A_440 = vector.broadcast %mul3A_436 : i32 to vector<16xi32>
    %add3A_441 = arith.addi %add3A_440, %mul3A_439 : vector<16xi32>
    %add3A_442 = arith.addi %add3A_441, %and3A_434 : vector<16xi32>
    %swap3A_443 = arith.constant 1 : i32
    %swap3A_444 = arith.index_cast %swap3A_443 : i32 to index
    %swap3A_445 = arith.constant 96 : index
    %swap3A_446 = tpu.vector_load %arg6[%swap3A_444, %swap3A_445] {strides = array<i32>} : memref<4x128xi32, #tpu.memory_space<vmem>>, vector<1x16xi32>,
    %swap3A_447 = vector.shape_cast %swap3A_446 : vector<1x16xi32> to vector<16xi32>
    %swap3A_448 = vector.shape_cast %add3A_442 : vector<16xi32> to vector<1x16xi32>
    tpu.vector_store %arg6[%swap3A_444, %swap3A_445], %swap3A_448 {strides = array<i32>} : memref<4x128xi32, #tpu.memory_space<vmem>>, vector<1x16xi32>,
    %get3A_449 = arith.constant 240 : index
    %get3A_450 = tpu.vector_load %arg5[%get3A_449] {strides = array<i32>} : memref<512xi32, #tpu.memory_space<vmem>>, vector<16xi32>,
    %get3A_451 = vector.shape_cast %get3A_450 : vector<16xi32> to vector<16xi32>
    %min3A_452 = arith.constant 99999 : i32
    %min3A_453 = vector.broadcast %min3A_452 : i32 to vector<16xi32>
    %min3A_454 = arith.minsi %get3A_451, %min3A_453 : vector<16xi32>
    %add3A_455 = arith.constant 7 : i32
    %add3A_456 = arith.addi %mul3A_2, %add3A_455 : i32
    %div3A_457 = arith.constant 128 : i32
    %div3A_458 = arith.divsi %add3A_456, %div3A_457 : i32
    %shift_right_logical3A_459 = arith.constant 13 : i32
    %shift_right_logical3A_460 = vector.broadcast %shift_right_logical3A_459 : i32 to vector<16xi32>
    %shift_right_logical3A_461 = arith.shrui %min3A_454, %shift_right_logical3A_460 : vector<16xi32>
    %and3A_462 = arith.constant 4095 : i32
    %and3A_463 = vector.broadcast %and3A_462 : i32 to vector<16xi32>
    %and3A_464 = arith.andi %min3A_454, %and3A_463 : vector<16xi32>
    %mul3A_465 = arith.constant 53248 : i32
    %mul3A_466 = arith.muli %div3A_458, %mul3A_465 : i32
    %mul3A_467 = arith.constant 4096 : i32
    %mul3A_468 = vector.broadcast %mul3A_467 : i32 to vector<16xi32>
    %mul3A_469 = arith.muli %shift_right_logical3A_461, %mul3A_468 : vector<16xi32>
    %add3A_470 = vector.broadcast %mul3A_466 : i32 to vector<16xi32>
    %add3A_471 = arith.addi %add3A_470, %mul3A_469 : vector<16xi32>
    %add3A_472 = arith.addi %add3A_471, %and3A_464 : vector<16xi32>
    %swap3A_473 = arith.constant 1 : i32
    %swap3A_474 = arith.index_cast %swap3A_473 : i32 to index
    %swap3A_475 = arith.constant 112 : index
    %swap3A_476 = tpu.vector_load %arg6[%swap3A_474, %swap3A_475] {strides = array<i32>} : memref<4x128xi32, #tpu.memory_space<vmem>>, vector<1x16xi32>,
    %swap3A_477 = vector.shape_cast %swap3A_476 : vector<1x16xi32> to vector<16xi32>
    %swap3A_478 = vector.shape_cast %add3A_472 : vector<16xi32> to vector<1x16xi32>
    tpu.vector_store %arg6[%swap3A_474, %swap3A_475], %swap3A_478 {strides = array<i32>} : memref<4x128xi32, #tpu.memory_space<vmem>>, vector<1x16xi32>,
    %get3A_479 = arith.constant 256 : index
    %get3A_480 = tpu.vector_load %arg5[%get3A_479] {strides = array<i32>} : memref<512xi32, #tpu.memory_space<vmem>>, vector<16xi32>,
    %get3A_481 = vector.shape_cast %get3A_480 : vector<16xi32> to vector<16xi32>
    %min3A_482 = arith.constant 99999 : i32
    %min3A_483 = vector.broadcast %min3A_482 : i32 to vector<16xi32>
    %min3A_484 = arith.minsi %get3A_481, %min3A_483 : vector<16xi32>
    %add3A_485 = arith.constant 8 : i32
    %add3A_486 = arith.addi %mul3A_2, %add3A_485 : i32
    %div3A_487 = arith.constant 128 : i32
    %div3A_488 = arith.divsi %add3A_486, %div3A_487 : i32
    %shift_right_logical3A_489 = arith.constant 13 : i32
    %shift_right_logical3A_490 = vector.broadcast %shift_right_logical3A_489 : i32 to vector<16xi32>
    %shift_right_logical3A_491 = arith.shrui %min3A_484, %shift_right_logical3A_490 : vector<16xi32>
    %and3A_492 = arith.constant 4095 : i32
    %and3A_493 = vector.broadcast %and3A_492 : i32 to vector<16xi32>
    %and3A_494 = arith.andi %min3A_484, %and3A_493 : vector<16xi32>
    %mul3A_495 = arith.constant 53248 : i32
    %mul3A_496 = arith.muli %div3A_488, %mul3A_495 : i32
    %mul3A_497 = arith.constant 4096 : i32
    %mul3A_498 = vector.broadcast %mul3A_497 : i32 to vector<16xi32>
    %mul3A_499 = arith.muli %shift_right_logical3A_491, %mul3A_498 : vector<16xi32>
    %add3A_500 = vector.broadcast %mul3A_496 : i32 to vector<16xi32>
    %add3A_501 = arith.addi %add3A_500, %mul3A_499 : vector<16xi32>
    %add3A_502 = arith.addi %add3A_501, %and3A_494 : vector<16xi32>
    %swap3A_503 = arith.constant 2 : i32
    %swap3A_504 = arith.index_cast %swap3A_503 : i32 to index
    %swap3A_505 = arith.constant 0 : index
    %swap3A_506 = tpu.vector_load %arg6[%swap3A_504, %swap3A_505] {strides = array<i32>} : memref<4x128xi32, #tpu.memory_space<vmem>>, vector<1x16xi32>,
    %swap3A_507 = vector.shape_cast %swap3A_506 : vector<1x16xi32> to vector<16xi32>
    %swap3A_508 = vector.shape_cast %add3A_502 : vector<16xi32> to vector<1x16xi32>
    tpu.vector_store %arg6[%swap3A_504, %swap3A_505], %swap3A_508 {strides = array<i32>} : memref<4x128xi32, #tpu.memory_space<vmem>>, vector<1x16xi32>,
    %get3A_509 = arith.constant 272 : index
    %get3A_510 = tpu.vector_load %arg5[%get3A_509] {strides = array<i32>} : memref<512xi32, #tpu.memory_space<vmem>>, vector<16xi32>,
    %get3A_511 = vector.shape_cast %get3A_510 : vector<16xi32> to vector<16xi32>
    %min3A_512 = arith.constant 99999 : i32
    %min3A_513 = vector.broadcast %min3A_512 : i32 to vector<16xi32>
    %min3A_514 = arith.minsi %get3A_511, %min3A_513 : vector<16xi32>
    %add3A_515 = arith.constant 8 : i32
    %add3A_516 = arith.addi %mul3A_2, %add3A_515 : i32
    %div3A_517 = arith.constant 128 : i32
    %div3A_518 = arith.divsi %add3A_516, %div3A_517 : i32
    %shift_right_logical3A_519 = arith.constant 13 : i32
    %shift_right_logical3A_520 = vector.broadcast %shift_right_logical3A_519 : i32 to vector<16xi32>
    %shift_right_logical3A_521 = arith.shrui %min3A_514, %shift_right_logical3A_520 : vector<16xi32>
    %and3A_522 = arith.constant 4095 : i32
    %and3A_523 = vector.broadcast %and3A_522 : i32 to vector<16xi32>
    %and3A_524 = arith.andi %min3A_514, %and3A_523 : vector<16xi32>
    %mul3A_525 = arith.constant 53248 : i32
    %mul3A_526 = arith.muli %div3A_518, %mul3A_525 : i32
    %mul3A_527 = arith.constant 4096 : i32
    %mul3A_528 = vector.broadcast %mul3A_527 : i32 to vector<16xi32>
    %mul3A_529 = arith.muli %shift_right_logical3A_521, %mul3A_528 : vector<16xi32>
    %add3A_530 = vector.broadcast %mul3A_526 : i32 to vector<16xi32>
    %add3A_531 = arith.addi %add3A_530, %mul3A_529 : vector<16xi32>
    %add3A_532 = arith.addi %add3A_531, %and3A_524 : vector<16xi32>
    %swap3A_533 = arith.constant 2 : i32
    %swap3A_534 = arith.index_cast %swap3A_533 : i32 to index
    %swap3A_535 = arith.constant 16 : index
    %swap3A_536 = tpu.vector_load %arg6[%swap3A_534, %swap3A_535] {strides = array<i32>} : memref<4x128xi32, #tpu.memory_space<vmem>>, vector<1x16xi32>,
    %swap3A_537 = vector.shape_cast %swap3A_536 : vector<1x16xi32> to vector<16xi32>
    %swap3A_538 = vector.shape_cast %add3A_532 : vector<16xi32> to vector<1x16xi32>
    tpu.vector_store %arg6[%swap3A_534, %swap3A_535], %swap3A_538 {strides = array<i32>} : memref<4x128xi32, #tpu.memory_space<vmem>>, vector<1x16xi32>,
    %get3A_539 = arith.constant 288 : index
    %get3A_540 = tpu.vector_load %arg5[%get3A_539] {strides = array<i32>} : memref<512xi32, #tpu.memory_space<vmem>>, vector<16xi32>,
    %get3A_541 = vector.shape_cast %get3A_540 : vector<16xi32> to vector<16xi32>
    %min3A_542 = arith.constant 99999 : i32
    %min3A_543 = vector.broadcast %min3A_542 : i32 to vector<16xi32>
    %min3A_544 = arith.minsi %get3A_541, %min3A_543 : vector<16xi32>
    %add3A_545 = arith.constant 9 : i32
    %add3A_546 = arith.addi %mul3A_2, %add3A_545 : i32
    %div3A_547 = arith.constant 128 : i32
    %div3A_548 = arith.divsi %add3A_546, %div3A_547 : i32
    %shift_right_logical3A_549 = arith.constant 13 : i32
    %shift_right_logical3A_550 = vector.broadcast %shift_right_logical3A_549 : i32 to vector<16xi32>
    %shift_right_logical3A_551 = arith.shrui %min3A_544, %shift_right_logical3A_550 : vector<16xi32>
    %and3A_552 = arith.constant 4095 : i32
    %and3A_553 = vector.broadcast %and3A_552 : i32 to vector<16xi32>
    %and3A_554 = arith.andi %min3A_544, %and3A_553 : vector<16xi32>
    %mul3A_555 = arith.constant 53248 : i32
    %mul3A_556 = arith.muli %div3A_548, %mul3A_555 : i32
    %mul3A_557 = arith.constant 4096 : i32
    %mul3A_558 = vector.broadcast %mul3A_557 : i32 to vector<16xi32>
    %mul3A_559 = arith.muli %shift_right_logical3A_551, %mul3A_558 : vector<16xi32>
    %add3A_560 = vector.broadcast %mul3A_556 : i32 to vector<16xi32>
    %add3A_561 = arith.addi %add3A_560, %mul3A_559 : vector<16xi32>
    %add3A_562 = arith.addi %add3A_561, %and3A_554 : vector<16xi32>
    %swap3A_563 = arith.constant 2 : i32
    %swap3A_564 = arith.index_cast %swap3A_563 : i32 to index
    %swap3A_565 = arith.constant 32 : index
    %swap3A_566 = tpu.vector_load %arg6[%swap3A_564, %swap3A_565] {strides = array<i32>} : memref<4x128xi32, #tpu.memory_space<vmem>>, vector<1x16xi32>,
    %swap3A_567 = vector.shape_cast %swap3A_566 : vector<1x16xi32> to vector<16xi32>
    %swap3A_568 = vector.shape_cast %add3A_562 : vector<16xi32> to vector<1x16xi32>
    tpu.vector_store %arg6[%swap3A_564, %swap3A_565], %swap3A_568 {strides = array<i32>} : memref<4x128xi32, #tpu.memory_space<vmem>>, vector<1x16xi32>,
    %get3A_569 = arith.constant 304 : index
    %get3A_570 = tpu.vector_load %arg5[%get3A_569] {strides = array<i32>} : memref<512xi32, #tpu.memory_space<vmem>>, vector<16xi32>,
    %get3A_571 = vector.shape_cast %get3A_570 : vector<16xi32> to vector<16xi32>
    %min3A_572 = arith.constant 99999 : i32
    %min3A_573 = vector.broadcast %min3A_572 : i32 to vector<16xi32>
    %min3A_574 = arith.minsi %get3A_571, %min3A_573 : vector<16xi32>
    %add3A_575 = arith.constant 9 : i32
    %add3A_576 = arith.addi %mul3A_2, %add3A_575 : i32
    %div3A_577 = arith.constant 128 : i32
    %div3A_578 = arith.divsi %add3A_576, %div3A_577 : i32
    %shift_right_logical3A_579 = arith.constant 13 : i32
    %shift_right_logical3A_580 = vector.broadcast %shift_right_logical3A_579 : i32 to vector<16xi32>
    %shift_right_logical3A_581 = arith.shrui %min3A_574, %shift_right_logical3A_580 : vector<16xi32>
    %and3A_582 = arith.constant 4095 : i32
    %and3A_583 = vector.broadcast %and3A_582 : i32 to vector<16xi32>
    %and3A_584 = arith.andi %min3A_574, %and3A_583 : vector<16xi32>
    %mul3A_585 = arith.constant 53248 : i32
    %mul3A_586 = arith.muli %div3A_578, %mul3A_585 : i32
    %mul3A_587 = arith.constant 4096 : i32
    %mul3A_588 = vector.broadcast %mul3A_587 : i32 to vector<16xi32>
    %mul3A_589 = arith.muli %shift_right_logical3A_581, %mul3A_588 : vector<16xi32>
    %add3A_590 = vector.broadcast %mul3A_586 : i32 to vector<16xi32>
    %add3A_591 = arith.addi %add3A_590, %mul3A_589 : vector<16xi32>
    %add3A_592 = arith.addi %add3A_591, %and3A_584 : vector<16xi32>
    %swap3A_593 = arith.constant 2 : i32
    %swap3A_594 = arith.index_cast %swap3A_593 : i32 to index
    %swap3A_595 = arith.constant 48 : index
    %swap3A_596 = tpu.vector_load %arg6[%swap3A_594, %swap3A_595] {strides = array<i32>} : memref<4x128xi32, #tpu.memory_space<vmem>>, vector<1x16xi32>,
    %swap3A_597 = vector.shape_cast %swap3A_596 : vector<1x16xi32> to vector<16xi32>
    %swap3A_598 = vector.shape_cast %add3A_592 : vector<16xi32> to vector<1x16xi32>
    tpu.vector_store %arg6[%swap3A_594, %swap3A_595], %swap3A_598 {strides = array<i32>} : memref<4x128xi32, #tpu.memory_space<vmem>>, vector<1x16xi32>,
    %get3A_599 = arith.constant 320 : index
    %get3A_600 = tpu.vector_load %arg5[%get3A_599] {strides = array<i32>} : memref<512xi32, #tpu.memory_space<vmem>>, vector<16xi32>,
    %get3A_601 = vector.shape_cast %get3A_600 : vector<16xi32> to vector<16xi32>
    %min3A_602 = arith.constant 99999 : i32
    %min3A_603 = vector.broadcast %min3A_602 : i32 to vector<16xi32>
    %min3A_604 = arith.minsi %get3A_601, %min3A_603 : vector<16xi32>
    %add3A_605 = arith.constant 10 : i32
    %add3A_606 = arith.addi %mul3A_2, %add3A_605 : i32
    %div3A_607 = arith.constant 128 : i32
    %div3A_608 = arith.divsi %add3A_606, %div3A_607 : i32
    %shift_right_logical3A_609 = arith.constant 13 : i32
    %shift_right_logical3A_610 = vector.broadcast %shift_right_logical3A_609 : i32 to vector<16xi32>
    %shift_right_logical3A_611 = arith.shrui %min3A_604, %shift_right_logical3A_610 : vector<16xi32>
    %and3A_612 = arith.constant 4095 : i32
    %and3A_613 = vector.broadcast %and3A_612 : i32 to vector<16xi32>
    %and3A_614 = arith.andi %min3A_604, %and3A_613 : vector<16xi32>
    %mul3A_615 = arith.constant 53248 : i32
    %mul3A_616 = arith.muli %div3A_608, %mul3A_615 : i32
    %mul3A_617 = arith.constant 4096 : i32
    %mul3A_618 = vector.broadcast %mul3A_617 : i32 to vector<16xi32>
    %mul3A_619 = arith.muli %shift_right_logical3A_611, %mul3A_618 : vector<16xi32>
    %add3A_620 = vector.broadcast %mul3A_616 : i32 to vector<16xi32>
    %add3A_621 = arith.addi %add3A_620, %mul3A_619 : vector<16xi32>
    %add3A_622 = arith.addi %add3A_621, %and3A_614 : vector<16xi32>
    %swap3A_623 = arith.constant 2 : i32
    %swap3A_624 = arith.index_cast %swap3A_623 : i32 to index
    %swap3A_625 = arith.constant 64 : index
    %swap3A_626 = tpu.vector_load %arg6[%swap3A_624, %swap3A_625] {strides = array<i32>} : memref<4x128xi32, #tpu.memory_space<vmem>>, vector<1x16xi32>,
    %swap3A_627 = vector.shape_cast %swap3A_626 : vector<1x16xi32> to vector<16xi32>
    %swap3A_628 = vector.shape_cast %add3A_622 : vector<16xi32> to vector<1x16xi32>
    tpu.vector_store %arg6[%swap3A_624, %swap3A_625], %swap3A_628 {strides = array<i32>} : memref<4x128xi32, #tpu.memory_space<vmem>>, vector<1x16xi32>,
    %get3A_629 = arith.constant 336 : index
    %get3A_630 = tpu.vector_load %arg5[%get3A_629] {strides = array<i32>} : memref<512xi32, #tpu.memory_space<vmem>>, vector<16xi32>,
    %get3A_631 = vector.shape_cast %get3A_630 : vector<16xi32> to vector<16xi32>
    %min3A_632 = arith.constant 99999 : i32
    %min3A_633 = vector.broadcast %min3A_632 : i32 to vector<16xi32>
    %min3A_634 = arith.minsi %get3A_631, %min3A_633 : vector<16xi32>
    %add3A_635 = arith.constant 10 : i32
    %add3A_636 = arith.addi %mul3A_2, %add3A_635 : i32
    %div3A_637 = arith.constant 128 : i32
    %div3A_638 = arith.divsi %add3A_636, %div3A_637 : i32
    %shift_right_logical3A_639 = arith.constant 13 : i32
    %shift_right_logical3A_640 = vector.broadcast %shift_right_logical3A_639 : i32 to vector<16xi32>
    %shift_right_logical3A_641 = arith.shrui %min3A_634, %shift_right_logical3A_640 : vector<16xi32>
    %and3A_642 = arith.constant 4095 : i32
    %and3A_643 = vector.broadcast %and3A_642 : i32 to vector<16xi32>
    %and3A_644 = arith.andi %min3A_634, %and3A_643 : vector<16xi32>
    %mul3A_645 = arith.constant 53248 : i32
    %mul3A_646 = arith.muli %div3A_638, %mul3A_645 : i32
    %mul3A_647 = arith.constant 4096 : i32
    %mul3A_648 = vector.broadcast %mul3A_647 : i32 to vector<16xi32>
    %mul3A_649 = arith.muli %shift_right_logical3A_641, %mul3A_648 : vector<16xi32>
    %add3A_650 = vector.broadcast %mul3A_646 : i32 to vector<16xi32>
    %add3A_651 = arith.addi %add3A_650, %mul3A_649 : vector<16xi32>
    %add3A_652 = arith.addi %add3A_651, %and3A_644 : vector<16xi32>
    %swap3A_653 = arith.constant 2 : i32
    %swap3A_654 = arith.index_cast %swap3A_653 : i32 to index
    %swap3A_655 = arith.constant 80 : index
    %swap3A_656 = tpu.vector_load %arg6[%swap3A_654, %swap3A_655] {strides = array<i32>} : memref<4x128xi32, #tpu.memory_space<vmem>>, vector<1x16xi32>,
    %swap3A_657 = vector.shape_cast %swap3A_656 : vector<1x16xi32> to vector<16xi32>
    %swap3A_658 = vector.shape_cast %add3A_652 : vector<16xi32> to vector<1x16xi32>
    tpu.vector_store %arg6[%swap3A_654, %swap3A_655], %swap3A_658 {strides = array<i32>} : memref<4x128xi32, #tpu.memory_space<vmem>>, vector<1x16xi32>,
    %get3A_659 = arith.constant 352 : index
    %get3A_660 = tpu.vector_load %arg5[%get3A_659] {strides = array<i32>} : memref<512xi32, #tpu.memory_space<vmem>>, vector<16xi32>,
    %get3A_661 = vector.shape_cast %get3A_660 : vector<16xi32> to vector<16xi32>
    %min3A_662 = arith.constant 99999 : i32
    %min3A_663 = vector.broadcast %min3A_662 : i32 to vector<16xi32>
    %min3A_664 = arith.minsi %get3A_661, %min3A_663 : vector<16xi32>
    %add3A_665 = arith.constant 11 : i32
    %add3A_666 = arith.addi %mul3A_2, %add3A_665 : i32
    %div3A_667 = arith.constant 128 : i32
    %div3A_668 = arith.divsi %add3A_666, %div3A_667 : i32
    %shift_right_logical3A_669 = arith.constant 13 : i32
    %shift_right_logical3A_670 = vector.broadcast %shift_right_logical3A_669 : i32 to vector<16xi32>
    %shift_right_logical3A_671 = arith.shrui %min3A_664, %shift_right_logical3A_670 : vector<16xi32>
    %and3A_672 = arith.constant 4095 : i32
    %and3A_673 = vector.broadcast %and3A_672 : i32 to vector<16xi32>
    %and3A_674 = arith.andi %min3A_664, %and3A_673 : vector<16xi32>
    %mul3A_675 = arith.constant 53248 : i32
    %mul3A_676 = arith.muli %div3A_668, %mul3A_675 : i32
    %mul3A_677 = arith.constant 4096 : i32
    %mul3A_678 = vector.broadcast %mul3A_677 : i32 to vector<16xi32>
    %mul3A_679 = arith.muli %shift_right_logical3A_671, %mul3A_678 : vector<16xi32>
    %add3A_680 = vector.broadcast %mul3A_676 : i32 to vector<16xi32>
    %add3A_681 = arith.addi %add3A_680, %mul3A_679 : vector<16xi32>
    %add3A_682 = arith.addi %add3A_681, %and3A_674 : vector<16xi32>
    %swap3A_683 = arith.constant 2 : i32
    %swap3A_684 = arith.index_cast %swap3A_683 : i32 to index
    %swap3A_685 = arith.constant 96 : index
    %swap3A_686 = tpu.vector_load %arg6[%swap3A_684, %swap3A_685] {strides = array<i32>} : memref<4x128xi32, #tpu.memory_space<vmem>>, vector<1x16xi32>,
    %swap3A_687 = vector.shape_cast %swap3A_686 : vector<1x16xi32> to vector<16xi32>
    %swap3A_688 = vector.shape_cast %add3A_682 : vector<16xi32> to vector<1x16xi32>
    tpu.vector_store %arg6[%swap3A_684, %swap3A_685], %swap3A_688 {strides = array<i32>} : memref<4x128xi32, #tpu.memory_space<vmem>>, vector<1x16xi32>,
    %get3A_689 = arith.constant 368 : index
    %get3A_690 = tpu.vector_load %arg5[%get3A_689] {strides = array<i32>} : memref<512xi32, #tpu.memory_space<vmem>>, vector<16xi32>,
    %get3A_691 = vector.shape_cast %get3A_690 : vector<16xi32> to vector<16xi32>
    %min3A_692 = arith.constant 99999 : i32
    %min3A_693 = vector.broadcast %min3A_692 : i32 to vector<16xi32>
    %min3A_694 = arith.minsi %get3A_691, %min3A_693 : vector<16xi32>
    %add3A_695 = arith.constant 11 : i32
    %add3A_696 = arith.addi %mul3A_2, %add3A_695 : i32
    %div3A_697 = arith.constant 128 : i32
    %div3A_698 = arith.divsi %add3A_696, %div3A_697 : i32
    %shift_right_logical3A_699 = arith.constant 13 : i32
    %shift_right_logical3A_700 = vector.broadcast %shift_right_logical3A_699 : i32 to vector<16xi32>
    %shift_right_logical3A_701 = arith.shrui %min3A_694, %shift_right_logical3A_700 : vector<16xi32>
    %and3A_702 = arith.constant 4095 : i32
    %and3A_703 = vector.broadcast %and3A_702 : i32 to vector<16xi32>
    %and3A_704 = arith.andi %min3A_694, %and3A_703 : vector<16xi32>
    %mul3A_705 = arith.constant 53248 : i32
    %mul3A_706 = arith.muli %div3A_698, %mul3A_705 : i32
    %mul3A_707 = arith.constant 4096 : i32
    %mul3A_708 = vector.broadcast %mul3A_707 : i32 to vector<16xi32>
    %mul3A_709 = arith.muli %shift_right_logical3A_701, %mul3A_708 : vector<16xi32>
    %add3A_710 = vector.broadcast %mul3A_706 : i32 to vector<16xi32>
    %add3A_711 = arith.addi %add3A_710, %mul3A_709 : vector<16xi32>
    %add3A_712 = arith.addi %add3A_711, %and3A_704 : vector<16xi32>
    %swap3A_713 = arith.constant 2 : i32
    %swap3A_714 = arith.index_cast %swap3A_713 : i32 to index
    %swap3A_715 = arith.constant 112 : index
    %swap3A_716 = tpu.vector_load %arg6[%swap3A_714, %swap3A_715] {strides = array<i32>} : memref<4x128xi32, #tpu.memory_space<vmem>>, vector<1x16xi32>,
    %swap3A_717 = vector.shape_cast %swap3A_716 : vector<1x16xi32> to vector<16xi32>
    %swap3A_718 = vector.shape_cast %add3A_712 : vector<16xi32> to vector<1x16xi32>
    tpu.vector_store %arg6[%swap3A_714, %swap3A_715], %swap3A_718 {strides = array<i32>} : memref<4x128xi32, #tpu.memory_space<vmem>>, vector<1x16xi32>,
    %get3A_719 = arith.constant 384 : index
    %get3A_720 = tpu.vector_load %arg5[%get3A_719] {strides = array<i32>} : memref<512xi32, #tpu.memory_space<vmem>>, vector<16xi32>,
    %get3A_721 = vector.shape_cast %get3A_720 : vector<16xi32> to vector<16xi32>
    %min3A_722 = arith.constant 99999 : i32
    %min3A_723 = vector.broadcast %min3A_722 : i32 to vector<16xi32>
    %min3A_724 = arith.minsi %get3A_721, %min3A_723 : vector<16xi32>
    %add3A_725 = arith.constant 12 : i32
    %add3A_726 = arith.addi %mul3A_2, %add3A_725 : i32
    %div3A_727 = arith.constant 128 : i32
    %div3A_728 = arith.divsi %add3A_726, %div3A_727 : i32
    %shift_right_logical3A_729 = arith.constant 13 : i32
    %shift_right_logical3A_730 = vector.broadcast %shift_right_logical3A_729 : i32 to vector<16xi32>
    %shift_right_logical3A_731 = arith.shrui %min3A_724, %shift_right_logical3A_730 : vector<16xi32>
    %and3A_732 = arith.constant 4095 : i32
    %and3A_733 = vector.broadcast %and3A_732 : i32 to vector<16xi32>
    %and3A_734 = arith.andi %min3A_724, %and3A_733 : vector<16xi32>
    %mul3A_735 = arith.constant 53248 : i32
    %mul3A_736 = arith.muli %div3A_728, %mul3A_735 : i32
    %mul3A_737 = arith.constant 4096 : i32
    %mul3A_738 = vector.broadcast %mul3A_737 : i32 to vector<16xi32>
    %mul3A_739 = arith.muli %shift_right_logical3A_731, %mul3A_738 : vector<16xi32>
    %add3A_740 = vector.broadcast %mul3A_736 : i32 to vector<16xi32>
    %add3A_741 = arith.addi %add3A_740, %mul3A_739 : vector<16xi32>
    %add3A_742 = arith.addi %add3A_741, %and3A_734 : vector<16xi32>
    %swap3A_743 = arith.constant 3 : i32
    %swap3A_744 = arith.index_cast %swap3A_743 : i32 to index
    %swap3A_745 = arith.constant 0 : index
    %swap3A_746 = tpu.vector_load %arg6[%swap3A_744, %swap3A_745] {strides = array<i32>} : memref<4x128xi32, #tpu.memory_space<vmem>>, vector<1x16xi32>,
    %swap3A_747 = vector.shape_cast %swap3A_746 : vector<1x16xi32> to vector<16xi32>
    %swap3A_748 = vector.shape_cast %add3A_742 : vector<16xi32> to vector<1x16xi32>
    tpu.vector_store %arg6[%swap3A_744, %swap3A_745], %swap3A_748 {strides = array<i32>} : memref<4x128xi32, #tpu.memory_space<vmem>>, vector<1x16xi32>,
    %get3A_749 = arith.constant 400 : index
    %get3A_750 = tpu.vector_load %arg5[%get3A_749] {strides = array<i32>} : memref<512xi32, #tpu.memory_space<vmem>>, vector<16xi32>,
    %get3A_751 = vector.shape_cast %get3A_750 : vector<16xi32> to vector<16xi32>
    %min3A_752 = arith.constant 99999 : i32
    %min3A_753 = vector.broadcast %min3A_752 : i32 to vector<16xi32>
    %min3A_754 = arith.minsi %get3A_751, %min3A_753 : vector<16xi32>
    %add3A_755 = arith.constant 12 : i32
    %add3A_756 = arith.addi %mul3A_2, %add3A_755 : i32
    %div3A_757 = arith.constant 128 : i32
    %div3A_758 = arith.divsi %add3A_756, %div3A_757 : i32
    %shift_right_logical3A_759 = arith.constant 13 : i32
    %shift_right_logical3A_760 = vector.broadcast %shift_right_logical3A_759 : i32 to vector<16xi32>
    %shift_right_logical3A_761 = arith.shrui %min3A_754, %shift_right_logical3A_760 : vector<16xi32>
    %and3A_762 = arith.constant 4095 : i32
    %and3A_763 = vector.broadcast %and3A_762 : i32 to vector<16xi32>
    %and3A_764 = arith.andi %min3A_754, %and3A_763 : vector<16xi32>
    %mul3A_765 = arith.constant 53248 : i32
    %mul3A_766 = arith.muli %div3A_758, %mul3A_765 : i32
    %mul3A_767 = arith.constant 4096 : i32
    %mul3A_768 = vector.broadcast %mul3A_767 : i32 to vector<16xi32>
    %mul3A_769 = arith.muli %shift_right_logical3A_761, %mul3A_768 : vector<16xi32>
    %add3A_770 = vector.broadcast %mul3A_766 : i32 to vector<16xi32>
    %add3A_771 = arith.addi %add3A_770, %mul3A_769 : vector<16xi32>
    %add3A_772 = arith.addi %add3A_771, %and3A_764 : vector<16xi32>
    %swap3A_773 = arith.constant 3 : i32
    %swap3A_774 = arith.index_cast %swap3A_773 : i32 to index
    %swap3A_775 = arith.constant 16 : index
    %swap3A_776 = tpu.vector_load %arg6[%swap3A_774, %swap3A_775] {strides = array<i32>} : memref<4x128xi32, #tpu.memory_space<vmem>>, vector<1x16xi32>,
    %swap3A_777 = vector.shape_cast %swap3A_776 : vector<1x16xi32> to vector<16xi32>
    %swap3A_778 = vector.shape_cast %add3A_772 : vector<16xi32> to vector<1x16xi32>
    tpu.vector_store %arg6[%swap3A_774, %swap3A_775], %swap3A_778 {strides = array<i32>} : memref<4x128xi32, #tpu.memory_space<vmem>>, vector<1x16xi32>,
    %get3A_779 = arith.constant 416 : index
    %get3A_780 = tpu.vector_load %arg5[%get3A_779] {strides = array<i32>} : memref<512xi32, #tpu.memory_space<vmem>>, vector<16xi32>,
    %get3A_781 = vector.shape_cast %get3A_780 : vector<16xi32> to vector<16xi32>
    %min3A_782 = arith.constant 99999 : i32
    %min3A_783 = vector.broadcast %min3A_782 : i32 to vector<16xi32>
    %min3A_784 = arith.minsi %get3A_781, %min3A_783 : vector<16xi32>
    %add3A_785 = arith.constant 13 : i32
    %add3A_786 = arith.addi %mul3A_2, %add3A_785 : i32
    %div3A_787 = arith.constant 128 : i32
    %div3A_788 = arith.divsi %add3A_786, %div3A_787 : i32
    %shift_right_logical3A_789 = arith.constant 13 : i32
    %shift_right_logical3A_790 = vector.broadcast %shift_right_logical3A_789 : i32 to vector<16xi32>
    %shift_right_logical3A_791 = arith.shrui %min3A_784, %shift_right_logical3A_790 : vector<16xi32>
    %and3A_792 = arith.constant 4095 : i32
    %and3A_793 = vector.broadcast %and3A_792 : i32 to vector<16xi32>
    %and3A_794 = arith.andi %min3A_784, %and3A_793 : vector<16xi32>
    %mul3A_795 = arith.constant 53248 : i32
    %mul3A_796 = arith.muli %div3A_788, %mul3A_795 : i32
    %mul3A_797 = arith.constant 4096 : i32
    %mul3A_798 = vector.broadcast %mul3A_797 : i32 to vector<16xi32>
    %mul3A_799 = arith.muli %shift_right_logical3A_791, %mul3A_798 : vector<16xi32>
    %add3A_800 = vector.broadcast %mul3A_796 : i32 to vector<16xi32>
    %add3A_801 = arith.addi %add3A_800, %mul3A_799 : vector<16xi32>
    %add3A_802 = arith.addi %add3A_801, %and3A_794 : vector<16xi32>
    %swap3A_803 = arith.constant 3 : i32
    %swap3A_804 = arith.index_cast %swap3A_803 : i32 to index
    %swap3A_805 = arith.constant 32 : index
    %swap3A_806 = tpu.vector_load %arg6[%swap3A_804, %swap3A_805] {strides = array<i32>} : memref<4x128xi32, #tpu.memory_space<vmem>>, vector<1x16xi32>,
    %swap3A_807 = vector.shape_cast %swap3A_806 : vector<1x16xi32> to vector<16xi32>
    %swap3A_808 = vector.shape_cast %add3A_802 : vector<16xi32> to vector<1x16xi32>
    tpu.vector_store %arg6[%swap3A_804, %swap3A_805], %swap3A_808 {strides = array<i32>} : memref<4x128xi32, #tpu.memory_space<vmem>>, vector<1x16xi32>,
    %get3A_809 = arith.constant 432 : index
    %get3A_810 = tpu.vector_load %arg5[%get3A_809] {strides = array<i32>} : memref<512xi32, #tpu.memory_space<vmem>>, vector<16xi32>,
    %get3A_811 = vector.shape_cast %get3A_810 : vector<16xi32> to vector<16xi32>
    %min3A_812 = arith.constant 99999 : i32
    %min3A_813 = vector.broadcast %min3A_812 : i32 to vector<16xi32>
    %min3A_814 = arith.minsi %get3A_811, %min3A_813 : vector<16xi32>
    %add3A_815 = arith.constant 13 : i32
    %add3A_816 = arith.addi %mul3A_2, %add3A_815 : i32
    %div3A_817 = arith.constant 128 : i32
    %div3A_818 = arith.divsi %add3A_816, %div3A_817 : i32
    %shift_right_logical3A_819 = arith.constant 13 : i32
    %shift_right_logical3A_820 = vector.broadcast %shift_right_logical3A_819 : i32 to vector<16xi32>
    %shift_right_logical3A_821 = arith.shrui %min3A_814, %shift_right_logical3A_820 : vector<16xi32>
    %and3A_822 = arith.constant 4095 : i32
    %and3A_823 = vector.broadcast %and3A_822 : i32 to vector<16xi32>
    %and3A_824 = arith.andi %min3A_814, %and3A_823 : vector<16xi32>
    %mul3A_825 = arith.constant 53248 : i32
    %mul3A_826 = arith.muli %div3A_818, %mul3A_825 : i32
    %mul3A_827 = arith.constant 4096 : i32
    %mul3A_828 = vector.broadcast %mul3A_827 : i32 to vector<16xi32>
    %mul3A_829 = arith.muli %shift_right_logical3A_821, %mul3A_828 : vector<16xi32>
    %add3A_830 = vector.broadcast %mul3A_826 : i32 to vector<16xi32>
    %add3A_831 = arith.addi %add3A_830, %mul3A_829 : vector<16xi32>
    %add3A_832 = arith.addi %add3A_831, %and3A_824 : vector<16xi32>
    %swap3A_833 = arith.constant 3 : i32
    %swap3A_834 = arith.index_cast %swap3A_833 : i32 to index
    %swap3A_835 = arith.constant 48 : index
    %swap3A_836 = tpu.vector_load %arg6[%swap3A_834, %swap3A_835] {strides = array<i32>} : memref<4x128xi32, #tpu.memory_space<vmem>>, vector<1x16xi32>,
    %swap3A_837 = vector.shape_cast %swap3A_836 : vector<1x16xi32> to vector<16xi32>
    %swap3A_838 = vector.shape_cast %add3A_832 : vector<16xi32> to vector<1x16xi32>
    tpu.vector_store %arg6[%swap3A_834, %swap3A_835], %swap3A_838 {strides = array<i32>} : memref<4x128xi32, #tpu.memory_space<vmem>>, vector<1x16xi32>,
    %get3A_839 = arith.constant 448 : index
    %get3A_840 = tpu.vector_load %arg5[%get3A_839] {strides = array<i32>} : memref<512xi32, #tpu.memory_space<vmem>>, vector<16xi32>,
    %get3A_841 = vector.shape_cast %get3A_840 : vector<16xi32> to vector<16xi32>
    %min3A_842 = arith.constant 99999 : i32
    %min3A_843 = vector.broadcast %min3A_842 : i32 to vector<16xi32>
    %min3A_844 = arith.minsi %get3A_841, %min3A_843 : vector<16xi32>
    %add3A_845 = arith.constant 14 : i32
    %add3A_846 = arith.addi %mul3A_2, %add3A_845 : i32
    %div3A_847 = arith.constant 128 : i32
    %div3A_848 = arith.divsi %add3A_846, %div3A_847 : i32
    %shift_right_logical3A_849 = arith.constant 13 : i32
    %shift_right_logical3A_850 = vector.broadcast %shift_right_logical3A_849 : i32 to vector<16xi32>
    %shift_right_logical3A_851 = arith.shrui %min3A_844, %shift_right_logical3A_850 : vector<16xi32>
    %and3A_852 = arith.constant 4095 : i32
    %and3A_853 = vector.broadcast %and3A_852 : i32 to vector<16xi32>
    %and3A_854 = arith.andi %min3A_844, %and3A_853 : vector<16xi32>
    %mul3A_855 = arith.constant 53248 : i32
    %mul3A_856 = arith.muli %div3A_848, %mul3A_855 : i32
    %mul3A_857 = arith.constant 4096 : i32
    %mul3A_858 = vector.broadcast %mul3A_857 : i32 to vector<16xi32>
    %mul3A_859 = arith.muli %shift_right_logical3A_851, %mul3A_858 : vector<16xi32>
    %add3A_860 = vector.broadcast %mul3A_856 : i32 to vector<16xi32>
    %add3A_861 = arith.addi %add3A_860, %mul3A_859 : vector<16xi32>
    %add3A_862 = arith.addi %add3A_861, %and3A_854 : vector<16xi32>
    %swap3A_863 = arith.constant 3 : i32
    %swap3A_864 = arith.index_cast %swap3A_863 : i32 to index
    %swap3A_865 = arith.constant 64 : index
    %swap3A_866 = tpu.vector_load %arg6[%swap3A_864, %swap3A_865] {strides = array<i32>} : memref<4x128xi32, #tpu.memory_space<vmem>>, vector<1x16xi32>,
    %swap3A_867 = vector.shape_cast %swap3A_866 : vector<1x16xi32> to vector<16xi32>
    %swap3A_868 = vector.shape_cast %add3A_862 : vector<16xi32> to vector<1x16xi32>
    tpu.vector_store %arg6[%swap3A_864, %swap3A_865], %swap3A_868 {strides = array<i32>} : memref<4x128xi32, #tpu.memory_space<vmem>>, vector<1x16xi32>,
    %get3A_869 = arith.constant 464 : index
    %get3A_870 = tpu.vector_load %arg5[%get3A_869] {strides = array<i32>} : memref<512xi32, #tpu.memory_space<vmem>>, vector<16xi32>,
    %get3A_871 = vector.shape_cast %get3A_870 : vector<16xi32> to vector<16xi32>
    %min3A_872 = arith.constant 99999 : i32
    %min3A_873 = vector.broadcast %min3A_872 : i32 to vector<16xi32>
    %min3A_874 = arith.minsi %get3A_871, %min3A_873 : vector<16xi32>
    %add3A_875 = arith.constant 14 : i32
    %add3A_876 = arith.addi %mul3A_2, %add3A_875 : i32
    %div3A_877 = arith.constant 128 : i32
    %div3A_878 = arith.divsi %add3A_876, %div3A_877 : i32
    %shift_right_logical3A_879 = arith.constant 13 : i32
    %shift_right_logical3A_880 = vector.broadcast %shift_right_logical3A_879 : i32 to vector<16xi32>
    %shift_right_logical3A_881 = arith.shrui %min3A_874, %shift_right_logical3A_880 : vector<16xi32>
    %and3A_882 = arith.constant 4095 : i32
    %and3A_883 = vector.broadcast %and3A_882 : i32 to vector<16xi32>
    %and3A_884 = arith.andi %min3A_874, %and3A_883 : vector<16xi32>
    %mul3A_885 = arith.constant 53248 : i32
    %mul3A_886 = arith.muli %div3A_878, %mul3A_885 : i32
    %mul3A_887 = arith.constant 4096 : i32
    %mul3A_888 = vector.broadcast %mul3A_887 : i32 to vector<16xi32>
    %mul3A_889 = arith.muli %shift_right_logical3A_881, %mul3A_888 : vector<16xi32>
    %add3A_890 = vector.broadcast %mul3A_886 : i32 to vector<16xi32>
    %add3A_891 = arith.addi %add3A_890, %mul3A_889 : vector<16xi32>
    %add3A_892 = arith.addi %add3A_891, %and3A_884 : vector<16xi32>
    %swap3A_893 = arith.constant 3 : i32
    %swap3A_894 = arith.index_cast %swap3A_893 : i32 to index
    %swap3A_895 = arith.constant 80 : index
    %swap3A_896 = tpu.vector_load %arg6[%swap3A_894, %swap3A_895] {strides = array<i32>} : memref<4x128xi32, #tpu.memory_space<vmem>>, vector<1x16xi32>,
    %swap3A_897 = vector.shape_cast %swap3A_896 : vector<1x16xi32> to vector<16xi32>
    %swap3A_898 = vector.shape_cast %add3A_892 : vector<16xi32> to vector<1x16xi32>
    tpu.vector_store %arg6[%swap3A_894, %swap3A_895], %swap3A_898 {strides = array<i32>} : memref<4x128xi32, #tpu.memory_space<vmem>>, vector<1x16xi32>,
    %get3A_899 = arith.constant 480 : index
    %get3A_900 = tpu.vector_load %arg5[%get3A_899] {strides = array<i32>} : memref<512xi32, #tpu.memory_space<vmem>>, vector<16xi32>,
    %get3A_901 = vector.shape_cast %get3A_900 : vector<16xi32> to vector<16xi32>
    %min3A_902 = arith.constant 99999 : i32
    %min3A_903 = vector.broadcast %min3A_902 : i32 to vector<16xi32>
    %min3A_904 = arith.minsi %get3A_901, %min3A_903 : vector<16xi32>
    %add3A_905 = arith.constant 15 : i32
    %add3A_906 = arith.addi %mul3A_2, %add3A_905 : i32
    %div3A_907 = arith.constant 128 : i32
    %div3A_908 = arith.divsi %add3A_906, %div3A_907 : i32
    %shift_right_logical3A_909 = arith.constant 13 : i32
    %shift_right_logical3A_910 = vector.broadcast %shift_right_logical3A_909 : i32 to vector<16xi32>
    %shift_right_logical3A_911 = arith.shrui %min3A_904, %shift_right_logical3A_910 : vector<16xi32>
    %and3A_912 = arith.constant 4095 : i32
    %and3A_913 = vector.broadcast %and3A_912 : i32 to vector<16xi32>
    %and3A_914 = arith.andi %min3A_904, %and3A_913 : vector<16xi32>
    %mul3A_915 = arith.constant 53248 : i32
    %mul3A_916 = arith.muli %div3A_908, %mul3A_915 : i32
    %mul3A_917 = arith.constant 4096 : i32
    %mul3A_918 = vector.broadcast %mul3A_917 : i32 to vector<16xi32>
    %mul3A_919 = arith.muli %shift_right_logical3A_911, %mul3A_918 : vector<16xi32>
    %add3A_920 = vector.broadcast %mul3A_916 : i32 to vector<16xi32>
    %add3A_921 = arith.addi %add3A_920, %mul3A_919 : vector<16xi32>
    %add3A_922 = arith.addi %add3A_921, %and3A_914 : vector<16xi32>
    %swap3A_923 = arith.constant 3 : i32
    %swap3A_924 = arith.index_cast %swap3A_923 : i32 to index
    %swap3A_925 = arith.constant 96 : index
    %swap3A_926 = tpu.vector_load %arg6[%swap3A_924, %swap3A_925] {strides = array<i32>} : memref<4x128xi32, #tpu.memory_space<vmem>>, vector<1x16xi32>,
    %swap3A_927 = vector.shape_cast %swap3A_926 : vector<1x16xi32> to vector<16xi32>
    %swap3A_928 = vector.shape_cast %add3A_922 : vector<16xi32> to vector<1x16xi32>
    tpu.vector_store %arg6[%swap3A_924, %swap3A_925], %swap3A_928 {strides = array<i32>} : memref<4x128xi32, #tpu.memory_space<vmem>>, vector<1x16xi32>,
    %get3A_929 = arith.constant 496 : index
    %get3A_930 = tpu.vector_load %arg5[%get3A_929] {strides = array<i32>} : memref<512xi32, #tpu.memory_space<vmem>>, vector<16xi32>,
    %get3A_931 = vector.shape_cast %get3A_930 : vector<16xi32> to vector<16xi32>
    %min3A_932 = arith.constant 99999 : i32
    %min3A_933 = vector.broadcast %min3A_932 : i32 to vector<16xi32>
    %min3A_934 = arith.minsi %get3A_931, %min3A_933 : vector<16xi32>
    %add3A_935 = arith.constant 15 : i32
    %add3A_936 = arith.addi %mul3A_2, %add3A_935 : i32
    %div3A_937 = arith.constant 128 : i32
    %div3A_938 = arith.divsi %add3A_936, %div3A_937 : i32
    %shift_right_logical3A_939 = arith.constant 13 : i32
    %shift_right_logical3A_940 = vector.broadcast %shift_right_logical3A_939 : i32 to vector<16xi32>
    %shift_right_logical3A_941 = arith.shrui %min3A_934, %shift_right_logical3A_940 : vector<16xi32>
    %and3A_942 = arith.constant 4095 : i32
    %and3A_943 = vector.broadcast %and3A_942 : i32 to vector<16xi32>
    %and3A_944 = arith.andi %min3A_934, %and3A_943 : vector<16xi32>
    %mul3A_945 = arith.constant 53248 : i32
    %mul3A_946 = arith.muli %div3A_938, %mul3A_945 : i32
    %mul3A_947 = arith.constant 4096 : i32
    %mul3A_948 = vector.broadcast %mul3A_947 : i32 to vector<16xi32>
    %mul3A_949 = arith.muli %shift_right_logical3A_941, %mul3A_948 : vector<16xi32>
    %add3A_950 = vector.broadcast %mul3A_946 : i32 to vector<16xi32>
    %add3A_951 = arith.addi %add3A_950, %mul3A_949 : vector<16xi32>
    %add3A_952 = arith.addi %add3A_951, %and3A_944 : vector<16xi32>
    %swap3A_953 = arith.constant 3 : i32
    %swap3A_954 = arith.index_cast %swap3A_953 : i32 to index
    %swap3A_955 = arith.constant 112 : index
    %swap3A_956 = tpu.vector_load %arg6[%swap3A_954, %swap3A_955] {strides = array<i32>} : memref<4x128xi32, #tpu.memory_space<vmem>>, vector<1x16xi32>,
    %swap3A_957 = vector.shape_cast %swap3A_956 : vector<1x16xi32> to vector<16xi32>
    %swap3A_958 = vector.shape_cast %add3A_952 : vector<16xi32> to vector<1x16xi32>
    tpu.vector_store %arg6[%swap3A_954, %swap3A_955], %swap3A_958 {strides = array<i32>} : memref<4x128xi32, #tpu.memory_space<vmem>>, vector<1x16xi32>,
    %dma_start3A = arith.constant 0 : i32
    %dma_start3A_959 = arith.constant 0 : i32
    %dma_start3A_960 = arith.constant 0 : i32
    %dma_start3A_961 = tpu.memref_slice %arg7[%dma_start3A_959, %dma_start3A_960] : memref<512x128xf32, #tpu.memory_space<vmem>> -> memref<128x128xf32, #tpu.memory_space<vmem>>
    %dma_start3A_962 = arith.constant 0 : i32
    %dma_start3A_963 = tpu.memref_slice %arg6[%dma_start3A, %dma_start3A_962] : memref<4x128xi32, #tpu.memory_space<vmem>> -> memref<1x128xi32, #tpu.memory_space<vmem>>
    %dma_start3A_964 = tpu.memref_squeeze %dma_start3A_963 : memref<1x128xi32, #tpu.memory_space<vmem>> -> memref<128xi32, #tpu.memory_space<vmem>>
    %dma_start3A_965 = arith.constant 0 : i32
    %dma_start3A_966 = arith.constant 0 : i32
    %dma_start3A_967 = tpu.memref_slice %arg2[%dma_start3A_965, %dma_start3A_966] : memref<212992x128xf32, #tpu.memory_space<hbm>> -> memref<212992x128xf32, #tpu.memory_space<hbm>>
    tpu.enqueue_indirect_dma source(%dma_start3A_967 : memref<212992x128xf32, #tpu.memory_space<hbm>>) target(%dma_start3A_961 : memref<128x128xf32, #tpu.memory_space<vmem>>) offsets(%dma_start3A_964 : memref<128xi32, #tpu.memory_space<vmem>>) semaphore(%arg8 : memref<!tpu.dma_semaphore, #tpu.memory_space<semaphore_mem>>)
    %dma_start3A_968 = arith.constant 1 : i32
    %dma_start3A_969 = arith.constant 128 : i32
    %dma_start3A_970 = arith.constant 0 : i32
    %dma_start3A_971 = tpu.memref_slice %arg7[%dma_start3A_969, %dma_start3A_970] : memref<512x128xf32, #tpu.memory_space<vmem>> -> memref<128x128xf32, #tpu.memory_space<vmem>>
    %dma_start3A_972 = arith.constant 0 : i32
    %dma_start3A_973 = tpu.memref_slice %arg6[%dma_start3A_968, %dma_start3A_972] : memref<4x128xi32, #tpu.memory_space<vmem>> -> memref<1x128xi32, #tpu.memory_space<vmem>>
    %dma_start3A_974 = tpu.memref_squeeze %dma_start3A_973 : memref<1x128xi32, #tpu.memory_space<vmem>> -> memref<128xi32, #tpu.memory_space<vmem>>
    %dma_start3A_975 = arith.constant 0 : i32
    %dma_start3A_976 = arith.constant 0 : i32
    %dma_start3A_977 = tpu.memref_slice %arg2[%dma_start3A_975, %dma_start3A_976] : memref<212992x128xf32, #tpu.memory_space<hbm>> -> memref<212992x128xf32, #tpu.memory_space<hbm>>
    tpu.enqueue_indirect_dma source(%dma_start3A_977 : memref<212992x128xf32, #tpu.memory_space<hbm>>) target(%dma_start3A_971 : memref<128x128xf32, #tpu.memory_space<vmem>>) offsets(%dma_start3A_974 : memref<128xi32, #tpu.memory_space<vmem>>) semaphore(%arg8 : memref<!tpu.dma_semaphore, #tpu.memory_space<semaphore_mem>>)
    %dma_start3A_978 = arith.constant 2 : i32
    %dma_start3A_979 = arith.constant 256 : i32
    %dma_start3A_980 = arith.constant 0 : i32
    %dma_start3A_981 = tpu.memref_slice %arg7[%dma_start3A_979, %dma_start3A_980] : memref<512x128xf32, #tpu.memory_space<vmem>> -> memref<128x128xf32, #tpu.memory_space<vmem>>
    %dma_start3A_982 = arith.constant 0 : i32
    %dma_start3A_983 = tpu.memref_slice %arg6[%dma_start3A_978, %dma_start3A_982] : memref<4x128xi32, #tpu.memory_space<vmem>> -> memref<1x128xi32, #tpu.memory_space<vmem>>
    %dma_start3A_984 = tpu.memref_squeeze %dma_start3A_983 : memref<1x128xi32, #tpu.memory_space<vmem>> -> memref<128xi32, #tpu.memory_space<vmem>>
    %dma_start3A_985 = arith.constant 0 : i32
    %dma_start3A_986 = arith.constant 0 : i32
    %dma_start3A_987 = tpu.memref_slice %arg2[%dma_start3A_985, %dma_start3A_986] : memref<212992x128xf32, #tpu.memory_space<hbm>> -> memref<212992x128xf32, #tpu.memory_space<hbm>>
    tpu.enqueue_indirect_dma source(%dma_start3A_987 : memref<212992x128xf32, #tpu.memory_space<hbm>>) target(%dma_start3A_981 : memref<128x128xf32, #tpu.memory_space<vmem>>) offsets(%dma_start3A_984 : memref<128xi32, #tpu.memory_space<vmem>>) semaphore(%arg8 : memref<!tpu.dma_semaphore, #tpu.memory_space<semaphore_mem>>)
    %dma_start3A_988 = arith.constant 3 : i32
    %dma_start3A_989 = arith.constant 384 : i32
    %dma_start3A_990 = arith.constant 0 : i32
    %dma_start3A_991 = tpu.memref_slice %arg7[%dma_start3A_989, %dma_start3A_990] : memref<512x128xf32, #tpu.memory_space<vmem>> -> memref<128x128xf32, #tpu.memory_space<vmem>>
    %dma_start3A_992 = arith.constant 0 : i32
    %dma_start3A_993 = tpu.memref_slice %arg6[%dma_start3A_988, %dma_start3A_992] : memref<4x128xi32, #tpu.memory_space<vmem>> -> memref<1x128xi32, #tpu.memory_space<vmem>>
    %dma_start3A_994 = tpu.memref_squeeze %dma_start3A_993 : memref<1x128xi32, #tpu.memory_space<vmem>> -> memref<128xi32, #tpu.memory_space<vmem>>
    %dma_start3A_995 = arith.constant 0 : i32
    %dma_start3A_996 = arith.constant 0 : i32
    %dma_start3A_997 = tpu.memref_slice %arg2[%dma_start3A_995, %dma_start3A_996] : memref<212992x128xf32, #tpu.memory_space<hbm>> -> memref<212992x128xf32, #tpu.memory_space<hbm>>
    tpu.enqueue_indirect_dma source(%dma_start3A_997 : memref<212992x128xf32, #tpu.memory_space<hbm>>) target(%dma_start3A_991 : memref<128x128xf32, #tpu.memory_space<vmem>>) offsets(%dma_start3A_994 : memref<128xi32, #tpu.memory_space<vmem>>) semaphore(%arg8 : memref<!tpu.dma_semaphore, #tpu.memory_space<semaphore_mem>>)
    %dma_wait3A = arith.constant 0 : i32
    %dma_wait3A_998 = arith.constant 0 : i32
    %dma_wait3A_999 = arith.constant 0 : i32
    %dma_wait3A_1000 = tpu.memref_slice %arg7[%dma_wait3A_998, %dma_wait3A_999] : memref<512x128xf32, #tpu.memory_space<vmem>> -> memref<128x128xf32, #tpu.memory_space<vmem>>
    %dma_wait3A_1001 = arith.constant 0 : i32
    %dma_wait3A_1002 = tpu.memref_slice %arg6[%dma_wait3A, %dma_wait3A_1001] : memref<4x128xi32, #tpu.memory_space<vmem>> -> memref<1x128xi32, #tpu.memory_space<vmem>>
    %dma_wait3A_1003 = tpu.memref_squeeze %dma_wait3A_1002 : memref<1x128xi32, #tpu.memory_space<vmem>> -> memref<128xi32, #tpu.memory_space<vmem>>
    %dma_wait3A_1004 = arith.constant 0 : i32
    %dma_wait3A_1005 = arith.constant 0 : i32
    %dma_wait3A_1006 = tpu.memref_slice %arg2[%dma_wait3A_1004, %dma_wait3A_1005] : memref<212992x128xf32, #tpu.memory_space<hbm>> -> memref<212992x128xf32, #tpu.memory_space<hbm>>
    tpu.wait_indirect_dma semaphore(%arg8 : memref<!tpu.dma_semaphore, #tpu.memory_space<semaphore_mem>>) src(%dma_wait3A_1006 : memref<212992x128xf32, #tpu.memory_space<hbm>>) dst(%dma_wait3A_1000 : memref<128x128xf32, #tpu.memory_space<vmem>>)
    %dma_wait3A_1007 = arith.constant 1 : i32
    %dma_wait3A_1008 = arith.constant 128 : i32
    %dma_wait3A_1009 = arith.constant 0 : i32
    %dma_wait3A_1010 = tpu.memref_slice %arg7[%dma_wait3A_1008, %dma_wait3A_1009] : memref<512x128xf32, #tpu.memory_space<vmem>> -> memref<128x128xf32, #tpu.memory_space<vmem>>
    %dma_wait3A_1011 = arith.constant 0 : i32
    %dma_wait3A_1012 = tpu.memref_slice %arg6[%dma_wait3A_1007, %dma_wait3A_1011] : memref<4x128xi32, #tpu.memory_space<vmem>> -> memref<1x128xi32, #tpu.memory_space<vmem>>
    %dma_wait3A_1013 = tpu.memref_squeeze %dma_wait3A_1012 : memref<1x128xi32, #tpu.memory_space<vmem>> -> memref<128xi32, #tpu.memory_space<vmem>>
    %dma_wait3A_1014 = arith.constant 0 : i32
    %dma_wait3A_1015 = arith.constant 0 : i32
    %dma_wait3A_1016 = tpu.memref_slice %arg2[%dma_wait3A_1014, %dma_wait3A_1015] : memref<212992x128xf32, #tpu.memory_space<hbm>> -> memref<212992x128xf32, #tpu.memory_space<hbm>>
    tpu.wait_indirect_dma semaphore(%arg8 : memref<!tpu.dma_semaphore, #tpu.memory_space<semaphore_mem>>) src(%dma_wait3A_1016 : memref<212992x128xf32, #tpu.memory_space<hbm>>) dst(%dma_wait3A_1010 : memref<128x128xf32, #tpu.memory_space<vmem>>)
    %dma_wait3A_1017 = arith.constant 2 : i32
    %dma_wait3A_1018 = arith.constant 256 : i32
    %dma_wait3A_1019 = arith.constant 0 : i32
    %dma_wait3A_1020 = tpu.memref_slice %arg7[%dma_wait3A_1018, %dma_wait3A_1019] : memref<512x128xf32, #tpu.memory_space<vmem>> -> memref<128x128xf32, #tpu.memory_space<vmem>>
    %dma_wait3A_1021 = arith.constant 0 : i32
    %dma_wait3A_1022 = tpu.memref_slice %arg6[%dma_wait3A_1017, %dma_wait3A_1021] : memref<4x128xi32, #tpu.memory_space<vmem>> -> memref<1x128xi32, #tpu.memory_space<vmem>>
    %dma_wait3A_1023 = tpu.memref_squeeze %dma_wait3A_1022 : memref<1x128xi32, #tpu.memory_space<vmem>> -> memref<128xi32, #tpu.memory_space<vmem>>
    %dma_wait3A_1024 = arith.constant 0 : i32
    %dma_wait3A_1025 = arith.constant 0 : i32
    %dma_wait3A_1026 = tpu.memref_slice %arg2[%dma_wait3A_1024, %dma_wait3A_1025] : memref<212992x128xf32, #tpu.memory_space<hbm>> -> memref<212992x128xf32, #tpu.memory_space<hbm>>
    tpu.wait_indirect_dma semaphore(%arg8 : memref<!tpu.dma_semaphore, #tpu.memory_space<semaphore_mem>>) src(%dma_wait3A_1026 : memref<212992x128xf32, #tpu.memory_space<hbm>>) dst(%dma_wait3A_1020 : memref<128x128xf32, #tpu.memory_space<vmem>>)
    %dma_wait3A_1027 = arith.constant 3 : i32
    %dma_wait3A_1028 = arith.constant 384 : i32
    %dma_wait3A_1029 = arith.constant 0 : i32
    %dma_wait3A_1030 = tpu.memref_slice %arg7[%dma_wait3A_1028, %dma_wait3A_1029] : memref<512x128xf32, #tpu.memory_space<vmem>> -> memref<128x128xf32, #tpu.memory_space<vmem>>
    %dma_wait3A_1031 = arith.constant 0 : i32
    %dma_wait3A_1032 = tpu.memref_slice %arg6[%dma_wait3A_1027, %dma_wait3A_1031] : memref<4x128xi32, #tpu.memory_space<vmem>> -> memref<1x128xi32, #tpu.memory_space<vmem>>
    %dma_wait3A_1033 = tpu.memref_squeeze %dma_wait3A_1032 : memref<1x128xi32, #tpu.memory_space<vmem>> -> memref<128xi32, #tpu.memory_space<vmem>>
    %dma_wait3A_1034 = arith.constant 0 : i32
    %dma_wait3A_1035 = arith.constant 0 : i32
    %dma_wait3A_1036 = tpu.memref_slice %arg2[%dma_wait3A_1034, %dma_wait3A_1035] : memref<212992x128xf32, #tpu.memory_space<hbm>> -> memref<212992x128xf32, #tpu.memory_space<hbm>>
    tpu.wait_indirect_dma semaphore(%arg8 : memref<!tpu.dma_semaphore, #tpu.memory_space<semaphore_mem>>) src(%dma_wait3A_1036 : memref<212992x128xf32, #tpu.memory_space<hbm>>) dst(%dma_wait3A_1030 : memref<128x128xf32, #tpu.memory_space<vmem>>)
    %mul3A_1037 = arith.constant 32 : i32
    %mul3A_1038 = arith.muli %mul3A_2, %mul3A_1037 : i32
    "tpu.region"() ({
      %run_scoped3A = tpu.sem_alloc : memref<!tpu.dma_semaphore, #tpu.memory_space<semaphore_mem>>
      %dma_start3A_1039 = arith.constant 0 : i32
      %dma_start3A_1040 = tpu.memref_slice %arg4[%mul3A_1038, %dma_start3A_1039] : memref<16384x128xf32, #tpu.memory_space<hbm>> -> memref<512x128xf32, #tpu.memory_space<hbm>>
      %dma_start3A_1041 = arith.constant 0 : i32
      %dma_start3A_1042 = tpu.memref_slice %arg4[%mul3A_1038, %dma_start3A_1041] : memref<16384x128xf32, #tpu.memory_space<hbm>> -> memref<512x128xf32, #tpu.memory_space<hbm>>
      tpu.enqueue_dma source(%arg7 : memref<512x128xf32, #tpu.memory_space<vmem>>) target(%dma_start3A_1042 : memref<512x128xf32, #tpu.memory_space<hbm>>) target_semaphore(%run_scoped3A : memref<!tpu.dma_semaphore, #tpu.memory_space<semaphore_mem>>)
      %dma_wait3A_1043 = arith.constant 0 : i32
      %dma_wait3A_1044 = tpu.memref_slice %arg4[%mul3A_1038, %dma_wait3A_1043] : memref<16384x128xf32, #tpu.memory_space<hbm>> -> memref<512x128xf32, #tpu.memory_space<hbm>>
      %dma_wait3A_1045 = arith.constant 0 : i32
      %dma_wait3A_1046 = tpu.memref_slice %arg4[%mul3A_1038, %dma_wait3A_1045] : memref<16384x128xf32, #tpu.memory_space<hbm>> -> memref<512x128xf32, #tpu.memory_space<hbm>>
      tpu.wait_dma2 semaphore(%run_scoped3A : memref<!tpu.dma_semaphore, #tpu.memory_space<semaphore_mem>>) src(%arg7 : memref<512x128xf32, #tpu.memory_space<vmem>>) dst(%dma_wait3A_1046 : memref<512x128xf32, #tpu.memory_space<hbm>>)
      tpu.yield
    }) : () -> ()
    return
  }
}

#map = affine_map<(d0, d1) -> (0, 0)>
#map1 = affine_map<(d0, d1) -> (0)>
module attributes {stable_mosaic.version = 14 : i64} {
  func.func @k(%arg0: i32, %arg1: i32, %arg2: memref<458752x128xf32, #tpu.memory_space<hbm>>, %arg3: memref<16384xi32, #tpu.memory_space<hbm>>, %arg4: memref<16384x128xf32, #tpu.memory_space<hbm>>, %arg5: memref<512xi32, #tpu.memory_space<vmem>>, %arg6: memref<4x128xi32, #tpu.memory_space<vmem>>, %arg7: memref<512x128xf32, #tpu.memory_space<vmem>>, %arg8: memref<!tpu.dma_semaphore, #tpu.memory_space<semaphore_mem>>) attributes {dimension_semantics = [#tpu.dimension_semantics<core_parallel>, #tpu.dimension_semantics<subcore_parallel>], iteration_bounds = array<i64: 2, 16>, scalar_prefetch = 0 : i64, scratch_operands = 4 : i64, tpu.core_type = #tpu.core_type<sc_vector_subcore>, window_params = [{transform_indices = #map}, {transform_indices = #map1}, {transform_indices = #map}]} {
    %mul3A = arith.constant 2 : i32
    %mul3A_0 = arith.muli %arg1, %mul3A : i32
    %add3A = arith.addi %mul3A_0, %arg0 : i32
    %mul3A_1 = arith.constant 16 : i32
    %mul3A_2 = arith.muli %add3A, %mul3A_1 : i32
    %mul3A_3 = arith.constant 32 : i32
    %mul3A_4 = arith.muli %mul3A_2, %mul3A_3 : i32
    "tpu.region"() ({
      %run_scoped3A = tpu.sem_alloc : memref<!tpu.dma_semaphore, #tpu.memory_space<semaphore_mem>>
      %dma_start3A_563 = tpu.memref_slice %arg3[%mul3A_4] : memref<16384xi32, #tpu.memory_space<hbm>> -> memref<512xi32, #tpu.memory_space<hbm>>
      %dma_start3A_564 = tpu.memref_slice %arg3[%mul3A_4] : memref<16384xi32, #tpu.memory_space<hbm>> -> memref<512xi32, #tpu.memory_space<hbm>>
      tpu.enqueue_dma source(%dma_start3A_564 : memref<512xi32, #tpu.memory_space<hbm>>) target(%arg5 : memref<512xi32, #tpu.memory_space<vmem>>) target_semaphore(%run_scoped3A : memref<!tpu.dma_semaphore, #tpu.memory_space<semaphore_mem>>)
      %dma_wait3A_565 = tpu.memref_slice %arg3[%mul3A_4] : memref<16384xi32, #tpu.memory_space<hbm>> -> memref<512xi32, #tpu.memory_space<hbm>>
      %dma_wait3A_566 = tpu.memref_slice %arg3[%mul3A_4] : memref<16384xi32, #tpu.memory_space<hbm>> -> memref<512xi32, #tpu.memory_space<hbm>>
      tpu.wait_dma2 semaphore(%run_scoped3A : memref<!tpu.dma_semaphore, #tpu.memory_space<semaphore_mem>>) src(%dma_wait3A_566 : memref<512xi32, #tpu.memory_space<hbm>>) dst(%arg5 : memref<512xi32, #tpu.memory_space<vmem>>)
      tpu.yield
    }) : () -> ()
    %get3A = arith.constant 0 : index
    %get3A_5 = tpu.vector_load %arg5[%get3A] {strides = array<i32>} : memref<512xi32, #tpu.memory_space<vmem>>, vector<16xi32>,
    %get3A_6 = vector.shape_cast %get3A_5 : vector<16xi32> to vector<16xi32>
    %add3A_7 = arith.constant 0 : i32
    %add3A_8 = arith.addi %mul3A_2, %add3A_7 : i32
    %mul3A_9 = arith.constant 896 : i32
    %mul3A_10 = arith.muli %add3A_8, %mul3A_9 : i32
    %add3A_11 = vector.broadcast %mul3A_10 : i32 to vector<16xi32>
    %add3A_12 = arith.addi %get3A_6, %add3A_11 : vector<16xi32>
    %swap3A = arith.constant 0 : i32
    %swap3A_13 = arith.index_cast %swap3A : i32 to index
    %swap3A_14 = arith.constant 0 : index
    %swap3A_15 = tpu.vector_load %arg6[%swap3A_13, %swap3A_14] {strides = array<i32>} : memref<4x128xi32, #tpu.memory_space<vmem>>, vector<1x16xi32>,
    %swap3A_16 = vector.shape_cast %swap3A_15 : vector<1x16xi32> to vector<16xi32>
    %swap3A_17 = vector.shape_cast %add3A_12 : vector<16xi32> to vector<1x16xi32>
    tpu.vector_store %arg6[%swap3A_13, %swap3A_14], %swap3A_17 {strides = array<i32>} : memref<4x128xi32, #tpu.memory_space<vmem>>, vector<1x16xi32>,
    %get3A_18 = arith.constant 16 : index
    %get3A_19 = tpu.vector_load %arg5[%get3A_18] {strides = array<i32>} : memref<512xi32, #tpu.memory_space<vmem>>, vector<16xi32>,
    %get3A_20 = vector.shape_cast %get3A_19 : vector<16xi32> to vector<16xi32>
    %add3A_21 = arith.constant 0 : i32
    %add3A_22 = arith.addi %mul3A_2, %add3A_21 : i32
    %mul3A_23 = arith.constant 896 : i32
    %mul3A_24 = arith.muli %add3A_22, %mul3A_23 : i32
    %add3A_25 = vector.broadcast %mul3A_24 : i32 to vector<16xi32>
    %add3A_26 = arith.addi %get3A_20, %add3A_25 : vector<16xi32>
    %swap3A_27 = arith.constant 0 : i32
    %swap3A_28 = arith.index_cast %swap3A_27 : i32 to index
    %swap3A_29 = arith.constant 16 : index
    %swap3A_30 = tpu.vector_load %arg6[%swap3A_28, %swap3A_29] {strides = array<i32>} : memref<4x128xi32, #tpu.memory_space<vmem>>, vector<1x16xi32>,
    %swap3A_31 = vector.shape_cast %swap3A_30 : vector<1x16xi32> to vector<16xi32>
    %swap3A_32 = vector.shape_cast %add3A_26 : vector<16xi32> to vector<1x16xi32>
    tpu.vector_store %arg6[%swap3A_28, %swap3A_29], %swap3A_32 {strides = array<i32>} : memref<4x128xi32, #tpu.memory_space<vmem>>, vector<1x16xi32>,
    %get3A_33 = arith.constant 32 : index
    %get3A_34 = tpu.vector_load %arg5[%get3A_33] {strides = array<i32>} : memref<512xi32, #tpu.memory_space<vmem>>, vector<16xi32>,
    %get3A_35 = vector.shape_cast %get3A_34 : vector<16xi32> to vector<16xi32>
    %add3A_36 = arith.constant 1 : i32
    %add3A_37 = arith.addi %mul3A_2, %add3A_36 : i32
    %mul3A_38 = arith.constant 896 : i32
    %mul3A_39 = arith.muli %add3A_37, %mul3A_38 : i32
    %add3A_40 = vector.broadcast %mul3A_39 : i32 to vector<16xi32>
    %add3A_41 = arith.addi %get3A_35, %add3A_40 : vector<16xi32>
    %swap3A_42 = arith.constant 0 : i32
    %swap3A_43 = arith.index_cast %swap3A_42 : i32 to index
    %swap3A_44 = arith.constant 32 : index
    %swap3A_45 = tpu.vector_load %arg6[%swap3A_43, %swap3A_44] {strides = array<i32>} : memref<4x128xi32, #tpu.memory_space<vmem>>, vector<1x16xi32>,
    %swap3A_46 = vector.shape_cast %swap3A_45 : vector<1x16xi32> to vector<16xi32>
    %swap3A_47 = vector.shape_cast %add3A_41 : vector<16xi32> to vector<1x16xi32>
    tpu.vector_store %arg6[%swap3A_43, %swap3A_44], %swap3A_47 {strides = array<i32>} : memref<4x128xi32, #tpu.memory_space<vmem>>, vector<1x16xi32>,
    %get3A_48 = arith.constant 48 : index
    %get3A_49 = tpu.vector_load %arg5[%get3A_48] {strides = array<i32>} : memref<512xi32, #tpu.memory_space<vmem>>, vector<16xi32>,
    %get3A_50 = vector.shape_cast %get3A_49 : vector<16xi32> to vector<16xi32>
    %add3A_51 = arith.constant 1 : i32
    %add3A_52 = arith.addi %mul3A_2, %add3A_51 : i32
    %mul3A_53 = arith.constant 896 : i32
    %mul3A_54 = arith.muli %add3A_52, %mul3A_53 : i32
    %add3A_55 = vector.broadcast %mul3A_54 : i32 to vector<16xi32>
    %add3A_56 = arith.addi %get3A_50, %add3A_55 : vector<16xi32>
    %swap3A_57 = arith.constant 0 : i32
    %swap3A_58 = arith.index_cast %swap3A_57 : i32 to index
    %swap3A_59 = arith.constant 48 : index
    %swap3A_60 = tpu.vector_load %arg6[%swap3A_58, %swap3A_59] {strides = array<i32>} : memref<4x128xi32, #tpu.memory_space<vmem>>, vector<1x16xi32>,
    %swap3A_61 = vector.shape_cast %swap3A_60 : vector<1x16xi32> to vector<16xi32>
    %swap3A_62 = vector.shape_cast %add3A_56 : vector<16xi32> to vector<1x16xi32>
    tpu.vector_store %arg6[%swap3A_58, %swap3A_59], %swap3A_62 {strides = array<i32>} : memref<4x128xi32, #tpu.memory_space<vmem>>, vector<1x16xi32>,
    %get3A_63 = arith.constant 64 : index
    %get3A_64 = tpu.vector_load %arg5[%get3A_63] {strides = array<i32>} : memref<512xi32, #tpu.memory_space<vmem>>, vector<16xi32>,
    %get3A_65 = vector.shape_cast %get3A_64 : vector<16xi32> to vector<16xi32>
    %add3A_66 = arith.constant 2 : i32
    %add3A_67 = arith.addi %mul3A_2, %add3A_66 : i32
    %mul3A_68 = arith.constant 896 : i32
    %mul3A_69 = arith.muli %add3A_67, %mul3A_68 : i32
    %add3A_70 = vector.broadcast %mul3A_69 : i32 to vector<16xi32>
    %add3A_71 = arith.addi %get3A_65, %add3A_70 : vector<16xi32>
    %swap3A_72 = arith.constant 0 : i32
    %swap3A_73 = arith.index_cast %swap3A_72 : i32 to index
    %swap3A_74 = arith.constant 64 : index
    %swap3A_75 = tpu.vector_load %arg6[%swap3A_73, %swap3A_74] {strides = array<i32>} : memref<4x128xi32, #tpu.memory_space<vmem>>, vector<1x16xi32>,
    %swap3A_76 = vector.shape_cast %swap3A_75 : vector<1x16xi32> to vector<16xi32>
    %swap3A_77 = vector.shape_cast %add3A_71 : vector<16xi32> to vector<1x16xi32>
    tpu.vector_store %arg6[%swap3A_73, %swap3A_74], %swap3A_77 {strides = array<i32>} : memref<4x128xi32, #tpu.memory_space<vmem>>, vector<1x16xi32>,
    %get3A_78 = arith.constant 80 : index
    %get3A_79 = tpu.vector_load %arg5[%get3A_78] {strides = array<i32>} : memref<512xi32, #tpu.memory_space<vmem>>, vector<16xi32>,
    %get3A_80 = vector.shape_cast %get3A_79 : vector<16xi32> to vector<16xi32>
    %add3A_81 = arith.constant 2 : i32
    %add3A_82 = arith.addi %mul3A_2, %add3A_81 : i32
    %mul3A_83 = arith.constant 896 : i32
    %mul3A_84 = arith.muli %add3A_82, %mul3A_83 : i32
    %add3A_85 = vector.broadcast %mul3A_84 : i32 to vector<16xi32>
    %add3A_86 = arith.addi %get3A_80, %add3A_85 : vector<16xi32>
    %swap3A_87 = arith.constant 0 : i32
    %swap3A_88 = arith.index_cast %swap3A_87 : i32 to index
    %swap3A_89 = arith.constant 80 : index
    %swap3A_90 = tpu.vector_load %arg6[%swap3A_88, %swap3A_89] {strides = array<i32>} : memref<4x128xi32, #tpu.memory_space<vmem>>, vector<1x16xi32>,
    %swap3A_91 = vector.shape_cast %swap3A_90 : vector<1x16xi32> to vector<16xi32>
    %swap3A_92 = vector.shape_cast %add3A_86 : vector<16xi32> to vector<1x16xi32>
    tpu.vector_store %arg6[%swap3A_88, %swap3A_89], %swap3A_92 {strides = array<i32>} : memref<4x128xi32, #tpu.memory_space<vmem>>, vector<1x16xi32>,
    %get3A_93 = arith.constant 96 : index
    %get3A_94 = tpu.vector_load %arg5[%get3A_93] {strides = array<i32>} : memref<512xi32, #tpu.memory_space<vmem>>, vector<16xi32>,
    %get3A_95 = vector.shape_cast %get3A_94 : vector<16xi32> to vector<16xi32>
    %add3A_96 = arith.constant 3 : i32
    %add3A_97 = arith.addi %mul3A_2, %add3A_96 : i32
    %mul3A_98 = arith.constant 896 : i32
    %mul3A_99 = arith.muli %add3A_97, %mul3A_98 : i32
    %add3A_100 = vector.broadcast %mul3A_99 : i32 to vector<16xi32>
    %add3A_101 = arith.addi %get3A_95, %add3A_100 : vector<16xi32>
    %swap3A_102 = arith.constant 0 : i32
    %swap3A_103 = arith.index_cast %swap3A_102 : i32 to index
    %swap3A_104 = arith.constant 96 : index
    %swap3A_105 = tpu.vector_load %arg6[%swap3A_103, %swap3A_104] {strides = array<i32>} : memref<4x128xi32, #tpu.memory_space<vmem>>, vector<1x16xi32>,
    %swap3A_106 = vector.shape_cast %swap3A_105 : vector<1x16xi32> to vector<16xi32>
    %swap3A_107 = vector.shape_cast %add3A_101 : vector<16xi32> to vector<1x16xi32>
    tpu.vector_store %arg6[%swap3A_103, %swap3A_104], %swap3A_107 {strides = array<i32>} : memref<4x128xi32, #tpu.memory_space<vmem>>, vector<1x16xi32>,
    %get3A_108 = arith.constant 112 : index
    %get3A_109 = tpu.vector_load %arg5[%get3A_108] {strides = array<i32>} : memref<512xi32, #tpu.memory_space<vmem>>, vector<16xi32>,
    %get3A_110 = vector.shape_cast %get3A_109 : vector<16xi32> to vector<16xi32>
    %add3A_111 = arith.constant 3 : i32
    %add3A_112 = arith.addi %mul3A_2, %add3A_111 : i32
    %mul3A_113 = arith.constant 896 : i32
    %mul3A_114 = arith.muli %add3A_112, %mul3A_113 : i32
    %add3A_115 = vector.broadcast %mul3A_114 : i32 to vector<16xi32>
    %add3A_116 = arith.addi %get3A_110, %add3A_115 : vector<16xi32>
    %swap3A_117 = arith.constant 0 : i32
    %swap3A_118 = arith.index_cast %swap3A_117 : i32 to index
    %swap3A_119 = arith.constant 112 : index
    %swap3A_120 = tpu.vector_load %arg6[%swap3A_118, %swap3A_119] {strides = array<i32>} : memref<4x128xi32, #tpu.memory_space<vmem>>, vector<1x16xi32>,
    %swap3A_121 = vector.shape_cast %swap3A_120 : vector<1x16xi32> to vector<16xi32>
    %swap3A_122 = vector.shape_cast %add3A_116 : vector<16xi32> to vector<1x16xi32>
    tpu.vector_store %arg6[%swap3A_118, %swap3A_119], %swap3A_122 {strides = array<i32>} : memref<4x128xi32, #tpu.memory_space<vmem>>, vector<1x16xi32>,
    %get3A_123 = arith.constant 128 : index
    %get3A_124 = tpu.vector_load %arg5[%get3A_123] {strides = array<i32>} : memref<512xi32, #tpu.memory_space<vmem>>, vector<16xi32>,
    %get3A_125 = vector.shape_cast %get3A_124 : vector<16xi32> to vector<16xi32>
    %add3A_126 = arith.constant 4 : i32
    %add3A_127 = arith.addi %mul3A_2, %add3A_126 : i32
    %mul3A_128 = arith.constant 896 : i32
    %mul3A_129 = arith.muli %add3A_127, %mul3A_128 : i32
    %add3A_130 = vector.broadcast %mul3A_129 : i32 to vector<16xi32>
    %add3A_131 = arith.addi %get3A_125, %add3A_130 : vector<16xi32>
    %swap3A_132 = arith.constant 1 : i32
    %swap3A_133 = arith.index_cast %swap3A_132 : i32 to index
    %swap3A_134 = arith.constant 0 : index
    %swap3A_135 = tpu.vector_load %arg6[%swap3A_133, %swap3A_134] {strides = array<i32>} : memref<4x128xi32, #tpu.memory_space<vmem>>, vector<1x16xi32>,
    %swap3A_136 = vector.shape_cast %swap3A_135 : vector<1x16xi32> to vector<16xi32>
    %swap3A_137 = vector.shape_cast %add3A_131 : vector<16xi32> to vector<1x16xi32>
    tpu.vector_store %arg6[%swap3A_133, %swap3A_134], %swap3A_137 {strides = array<i32>} : memref<4x128xi32, #tpu.memory_space<vmem>>, vector<1x16xi32>,
    %get3A_138 = arith.constant 144 : index
    %get3A_139 = tpu.vector_load %arg5[%get3A_138] {strides = array<i32>} : memref<512xi32, #tpu.memory_space<vmem>>, vector<16xi32>,
    %get3A_140 = vector.shape_cast %get3A_139 : vector<16xi32> to vector<16xi32>
    %add3A_141 = arith.constant 4 : i32
    %add3A_142 = arith.addi %mul3A_2, %add3A_141 : i32
    %mul3A_143 = arith.constant 896 : i32
    %mul3A_144 = arith.muli %add3A_142, %mul3A_143 : i32
    %add3A_145 = vector.broadcast %mul3A_144 : i32 to vector<16xi32>
    %add3A_146 = arith.addi %get3A_140, %add3A_145 : vector<16xi32>
    %swap3A_147 = arith.constant 1 : i32
    %swap3A_148 = arith.index_cast %swap3A_147 : i32 to index
    %swap3A_149 = arith.constant 16 : index
    %swap3A_150 = tpu.vector_load %arg6[%swap3A_148, %swap3A_149] {strides = array<i32>} : memref<4x128xi32, #tpu.memory_space<vmem>>, vector<1x16xi32>,
    %swap3A_151 = vector.shape_cast %swap3A_150 : vector<1x16xi32> to vector<16xi32>
    %swap3A_152 = vector.shape_cast %add3A_146 : vector<16xi32> to vector<1x16xi32>
    tpu.vector_store %arg6[%swap3A_148, %swap3A_149], %swap3A_152 {strides = array<i32>} : memref<4x128xi32, #tpu.memory_space<vmem>>, vector<1x16xi32>,
    %get3A_153 = arith.constant 160 : index
    %get3A_154 = tpu.vector_load %arg5[%get3A_153] {strides = array<i32>} : memref<512xi32, #tpu.memory_space<vmem>>, vector<16xi32>,
    %get3A_155 = vector.shape_cast %get3A_154 : vector<16xi32> to vector<16xi32>
    %add3A_156 = arith.constant 5 : i32
    %add3A_157 = arith.addi %mul3A_2, %add3A_156 : i32
    %mul3A_158 = arith.constant 896 : i32
    %mul3A_159 = arith.muli %add3A_157, %mul3A_158 : i32
    %add3A_160 = vector.broadcast %mul3A_159 : i32 to vector<16xi32>
    %add3A_161 = arith.addi %get3A_155, %add3A_160 : vector<16xi32>
    %swap3A_162 = arith.constant 1 : i32
    %swap3A_163 = arith.index_cast %swap3A_162 : i32 to index
    %swap3A_164 = arith.constant 32 : index
    %swap3A_165 = tpu.vector_load %arg6[%swap3A_163, %swap3A_164] {strides = array<i32>} : memref<4x128xi32, #tpu.memory_space<vmem>>, vector<1x16xi32>,
    %swap3A_166 = vector.shape_cast %swap3A_165 : vector<1x16xi32> to vector<16xi32>
    %swap3A_167 = vector.shape_cast %add3A_161 : vector<16xi32> to vector<1x16xi32>
    tpu.vector_store %arg6[%swap3A_163, %swap3A_164], %swap3A_167 {strides = array<i32>} : memref<4x128xi32, #tpu.memory_space<vmem>>, vector<1x16xi32>,
    %get3A_168 = arith.constant 176 : index
    %get3A_169 = tpu.vector_load %arg5[%get3A_168] {strides = array<i32>} : memref<512xi32, #tpu.memory_space<vmem>>, vector<16xi32>,
    %get3A_170 = vector.shape_cast %get3A_169 : vector<16xi32> to vector<16xi32>
    %add3A_171 = arith.constant 5 : i32
    %add3A_172 = arith.addi %mul3A_2, %add3A_171 : i32
    %mul3A_173 = arith.constant 896 : i32
    %mul3A_174 = arith.muli %add3A_172, %mul3A_173 : i32
    %add3A_175 = vector.broadcast %mul3A_174 : i32 to vector<16xi32>
    %add3A_176 = arith.addi %get3A_170, %add3A_175 : vector<16xi32>
    %swap3A_177 = arith.constant 1 : i32
    %swap3A_178 = arith.index_cast %swap3A_177 : i32 to index
    %swap3A_179 = arith.constant 48 : index
    %swap3A_180 = tpu.vector_load %arg6[%swap3A_178, %swap3A_179] {strides = array<i32>} : memref<4x128xi32, #tpu.memory_space<vmem>>, vector<1x16xi32>,
    %swap3A_181 = vector.shape_cast %swap3A_180 : vector<1x16xi32> to vector<16xi32>
    %swap3A_182 = vector.shape_cast %add3A_176 : vector<16xi32> to vector<1x16xi32>
    tpu.vector_store %arg6[%swap3A_178, %swap3A_179], %swap3A_182 {strides = array<i32>} : memref<4x128xi32, #tpu.memory_space<vmem>>, vector<1x16xi32>,
    %get3A_183 = arith.constant 192 : index
    %get3A_184 = tpu.vector_load %arg5[%get3A_183] {strides = array<i32>} : memref<512xi32, #tpu.memory_space<vmem>>, vector<16xi32>,
    %get3A_185 = vector.shape_cast %get3A_184 : vector<16xi32> to vector<16xi32>
    %add3A_186 = arith.constant 6 : i32
    %add3A_187 = arith.addi %mul3A_2, %add3A_186 : i32
    %mul3A_188 = arith.constant 896 : i32
    %mul3A_189 = arith.muli %add3A_187, %mul3A_188 : i32
    %add3A_190 = vector.broadcast %mul3A_189 : i32 to vector<16xi32>
    %add3A_191 = arith.addi %get3A_185, %add3A_190 : vector<16xi32>
    %swap3A_192 = arith.constant 1 : i32
    %swap3A_193 = arith.index_cast %swap3A_192 : i32 to index
    %swap3A_194 = arith.constant 64 : index
    %swap3A_195 = tpu.vector_load %arg6[%swap3A_193, %swap3A_194] {strides = array<i32>} : memref<4x128xi32, #tpu.memory_space<vmem>>, vector<1x16xi32>,
    %swap3A_196 = vector.shape_cast %swap3A_195 : vector<1x16xi32> to vector<16xi32>
    %swap3A_197 = vector.shape_cast %add3A_191 : vector<16xi32> to vector<1x16xi32>
    tpu.vector_store %arg6[%swap3A_193, %swap3A_194], %swap3A_197 {strides = array<i32>} : memref<4x128xi32, #tpu.memory_space<vmem>>, vector<1x16xi32>,
    %get3A_198 = arith.constant 208 : index
    %get3A_199 = tpu.vector_load %arg5[%get3A_198] {strides = array<i32>} : memref<512xi32, #tpu.memory_space<vmem>>, vector<16xi32>,
    %get3A_200 = vector.shape_cast %get3A_199 : vector<16xi32> to vector<16xi32>
    %add3A_201 = arith.constant 6 : i32
    %add3A_202 = arith.addi %mul3A_2, %add3A_201 : i32
    %mul3A_203 = arith.constant 896 : i32
    %mul3A_204 = arith.muli %add3A_202, %mul3A_203 : i32
    %add3A_205 = vector.broadcast %mul3A_204 : i32 to vector<16xi32>
    %add3A_206 = arith.addi %get3A_200, %add3A_205 : vector<16xi32>
    %swap3A_207 = arith.constant 1 : i32
    %swap3A_208 = arith.index_cast %swap3A_207 : i32 to index
    %swap3A_209 = arith.constant 80 : index
    %swap3A_210 = tpu.vector_load %arg6[%swap3A_208, %swap3A_209] {strides = array<i32>} : memref<4x128xi32, #tpu.memory_space<vmem>>, vector<1x16xi32>,
    %swap3A_211 = vector.shape_cast %swap3A_210 : vector<1x16xi32> to vector<16xi32>
    %swap3A_212 = vector.shape_cast %add3A_206 : vector<16xi32> to vector<1x16xi32>
    tpu.vector_store %arg6[%swap3A_208, %swap3A_209], %swap3A_212 {strides = array<i32>} : memref<4x128xi32, #tpu.memory_space<vmem>>, vector<1x16xi32>,
    %get3A_213 = arith.constant 224 : index
    %get3A_214 = tpu.vector_load %arg5[%get3A_213] {strides = array<i32>} : memref<512xi32, #tpu.memory_space<vmem>>, vector<16xi32>,
    %get3A_215 = vector.shape_cast %get3A_214 : vector<16xi32> to vector<16xi32>
    %add3A_216 = arith.constant 7 : i32
    %add3A_217 = arith.addi %mul3A_2, %add3A_216 : i32
    %mul3A_218 = arith.constant 896 : i32
    %mul3A_219 = arith.muli %add3A_217, %mul3A_218 : i32
    %add3A_220 = vector.broadcast %mul3A_219 : i32 to vector<16xi32>
    %add3A_221 = arith.addi %get3A_215, %add3A_220 : vector<16xi32>
    %swap3A_222 = arith.constant 1 : i32
    %swap3A_223 = arith.index_cast %swap3A_222 : i32 to index
    %swap3A_224 = arith.constant 96 : index
    %swap3A_225 = tpu.vector_load %arg6[%swap3A_223, %swap3A_224] {strides = array<i32>} : memref<4x128xi32, #tpu.memory_space<vmem>>, vector<1x16xi32>,
    %swap3A_226 = vector.shape_cast %swap3A_225 : vector<1x16xi32> to vector<16xi32>
    %swap3A_227 = vector.shape_cast %add3A_221 : vector<16xi32> to vector<1x16xi32>
    tpu.vector_store %arg6[%swap3A_223, %swap3A_224], %swap3A_227 {strides = array<i32>} : memref<4x128xi32, #tpu.memory_space<vmem>>, vector<1x16xi32>,
    %get3A_228 = arith.constant 240 : index
    %get3A_229 = tpu.vector_load %arg5[%get3A_228] {strides = array<i32>} : memref<512xi32, #tpu.memory_space<vmem>>, vector<16xi32>,
    %get3A_230 = vector.shape_cast %get3A_229 : vector<16xi32> to vector<16xi32>
    %add3A_231 = arith.constant 7 : i32
    %add3A_232 = arith.addi %mul3A_2, %add3A_231 : i32
    %mul3A_233 = arith.constant 896 : i32
    %mul3A_234 = arith.muli %add3A_232, %mul3A_233 : i32
    %add3A_235 = vector.broadcast %mul3A_234 : i32 to vector<16xi32>
    %add3A_236 = arith.addi %get3A_230, %add3A_235 : vector<16xi32>
    %swap3A_237 = arith.constant 1 : i32
    %swap3A_238 = arith.index_cast %swap3A_237 : i32 to index
    %swap3A_239 = arith.constant 112 : index
    %swap3A_240 = tpu.vector_load %arg6[%swap3A_238, %swap3A_239] {strides = array<i32>} : memref<4x128xi32, #tpu.memory_space<vmem>>, vector<1x16xi32>,
    %swap3A_241 = vector.shape_cast %swap3A_240 : vector<1x16xi32> to vector<16xi32>
    %swap3A_242 = vector.shape_cast %add3A_236 : vector<16xi32> to vector<1x16xi32>
    tpu.vector_store %arg6[%swap3A_238, %swap3A_239], %swap3A_242 {strides = array<i32>} : memref<4x128xi32, #tpu.memory_space<vmem>>, vector<1x16xi32>,
    %get3A_243 = arith.constant 256 : index
    %get3A_244 = tpu.vector_load %arg5[%get3A_243] {strides = array<i32>} : memref<512xi32, #tpu.memory_space<vmem>>, vector<16xi32>,
    %get3A_245 = vector.shape_cast %get3A_244 : vector<16xi32> to vector<16xi32>
    %add3A_246 = arith.constant 8 : i32
    %add3A_247 = arith.addi %mul3A_2, %add3A_246 : i32
    %mul3A_248 = arith.constant 896 : i32
    %mul3A_249 = arith.muli %add3A_247, %mul3A_248 : i32
    %add3A_250 = vector.broadcast %mul3A_249 : i32 to vector<16xi32>
    %add3A_251 = arith.addi %get3A_245, %add3A_250 : vector<16xi32>
    %swap3A_252 = arith.constant 2 : i32
    %swap3A_253 = arith.index_cast %swap3A_252 : i32 to index
    %swap3A_254 = arith.constant 0 : index
    %swap3A_255 = tpu.vector_load %arg6[%swap3A_253, %swap3A_254] {strides = array<i32>} : memref<4x128xi32, #tpu.memory_space<vmem>>, vector<1x16xi32>,
    %swap3A_256 = vector.shape_cast %swap3A_255 : vector<1x16xi32> to vector<16xi32>
    %swap3A_257 = vector.shape_cast %add3A_251 : vector<16xi32> to vector<1x16xi32>
    tpu.vector_store %arg6[%swap3A_253, %swap3A_254], %swap3A_257 {strides = array<i32>} : memref<4x128xi32, #tpu.memory_space<vmem>>, vector<1x16xi32>,
    %get3A_258 = arith.constant 272 : index
    %get3A_259 = tpu.vector_load %arg5[%get3A_258] {strides = array<i32>} : memref<512xi32, #tpu.memory_space<vmem>>, vector<16xi32>,
    %get3A_260 = vector.shape_cast %get3A_259 : vector<16xi32> to vector<16xi32>
    %add3A_261 = arith.constant 8 : i32
    %add3A_262 = arith.addi %mul3A_2, %add3A_261 : i32
    %mul3A_263 = arith.constant 896 : i32
    %mul3A_264 = arith.muli %add3A_262, %mul3A_263 : i32
    %add3A_265 = vector.broadcast %mul3A_264 : i32 to vector<16xi32>
    %add3A_266 = arith.addi %get3A_260, %add3A_265 : vector<16xi32>
    %swap3A_267 = arith.constant 2 : i32
    %swap3A_268 = arith.index_cast %swap3A_267 : i32 to index
    %swap3A_269 = arith.constant 16 : index
    %swap3A_270 = tpu.vector_load %arg6[%swap3A_268, %swap3A_269] {strides = array<i32>} : memref<4x128xi32, #tpu.memory_space<vmem>>, vector<1x16xi32>,
    %swap3A_271 = vector.shape_cast %swap3A_270 : vector<1x16xi32> to vector<16xi32>
    %swap3A_272 = vector.shape_cast %add3A_266 : vector<16xi32> to vector<1x16xi32>
    tpu.vector_store %arg6[%swap3A_268, %swap3A_269], %swap3A_272 {strides = array<i32>} : memref<4x128xi32, #tpu.memory_space<vmem>>, vector<1x16xi32>,
    %get3A_273 = arith.constant 288 : index
    %get3A_274 = tpu.vector_load %arg5[%get3A_273] {strides = array<i32>} : memref<512xi32, #tpu.memory_space<vmem>>, vector<16xi32>,
    %get3A_275 = vector.shape_cast %get3A_274 : vector<16xi32> to vector<16xi32>
    %add3A_276 = arith.constant 9 : i32
    %add3A_277 = arith.addi %mul3A_2, %add3A_276 : i32
    %mul3A_278 = arith.constant 896 : i32
    %mul3A_279 = arith.muli %add3A_277, %mul3A_278 : i32
    %add3A_280 = vector.broadcast %mul3A_279 : i32 to vector<16xi32>
    %add3A_281 = arith.addi %get3A_275, %add3A_280 : vector<16xi32>
    %swap3A_282 = arith.constant 2 : i32
    %swap3A_283 = arith.index_cast %swap3A_282 : i32 to index
    %swap3A_284 = arith.constant 32 : index
    %swap3A_285 = tpu.vector_load %arg6[%swap3A_283, %swap3A_284] {strides = array<i32>} : memref<4x128xi32, #tpu.memory_space<vmem>>, vector<1x16xi32>,
    %swap3A_286 = vector.shape_cast %swap3A_285 : vector<1x16xi32> to vector<16xi32>
    %swap3A_287 = vector.shape_cast %add3A_281 : vector<16xi32> to vector<1x16xi32>
    tpu.vector_store %arg6[%swap3A_283, %swap3A_284], %swap3A_287 {strides = array<i32>} : memref<4x128xi32, #tpu.memory_space<vmem>>, vector<1x16xi32>,
    %get3A_288 = arith.constant 304 : index
    %get3A_289 = tpu.vector_load %arg5[%get3A_288] {strides = array<i32>} : memref<512xi32, #tpu.memory_space<vmem>>, vector<16xi32>,
    %get3A_290 = vector.shape_cast %get3A_289 : vector<16xi32> to vector<16xi32>
    %add3A_291 = arith.constant 9 : i32
    %add3A_292 = arith.addi %mul3A_2, %add3A_291 : i32
    %mul3A_293 = arith.constant 896 : i32
    %mul3A_294 = arith.muli %add3A_292, %mul3A_293 : i32
    %add3A_295 = vector.broadcast %mul3A_294 : i32 to vector<16xi32>
    %add3A_296 = arith.addi %get3A_290, %add3A_295 : vector<16xi32>
    %swap3A_297 = arith.constant 2 : i32
    %swap3A_298 = arith.index_cast %swap3A_297 : i32 to index
    %swap3A_299 = arith.constant 48 : index
    %swap3A_300 = tpu.vector_load %arg6[%swap3A_298, %swap3A_299] {strides = array<i32>} : memref<4x128xi32, #tpu.memory_space<vmem>>, vector<1x16xi32>,
    %swap3A_301 = vector.shape_cast %swap3A_300 : vector<1x16xi32> to vector<16xi32>
    %swap3A_302 = vector.shape_cast %add3A_296 : vector<16xi32> to vector<1x16xi32>
    tpu.vector_store %arg6[%swap3A_298, %swap3A_299], %swap3A_302 {strides = array<i32>} : memref<4x128xi32, #tpu.memory_space<vmem>>, vector<1x16xi32>,
    %get3A_303 = arith.constant 320 : index
    %get3A_304 = tpu.vector_load %arg5[%get3A_303] {strides = array<i32>} : memref<512xi32, #tpu.memory_space<vmem>>, vector<16xi32>,
    %get3A_305 = vector.shape_cast %get3A_304 : vector<16xi32> to vector<16xi32>
    %add3A_306 = arith.constant 10 : i32
    %add3A_307 = arith.addi %mul3A_2, %add3A_306 : i32
    %mul3A_308 = arith.constant 896 : i32
    %mul3A_309 = arith.muli %add3A_307, %mul3A_308 : i32
    %add3A_310 = vector.broadcast %mul3A_309 : i32 to vector<16xi32>
    %add3A_311 = arith.addi %get3A_305, %add3A_310 : vector<16xi32>
    %swap3A_312 = arith.constant 2 : i32
    %swap3A_313 = arith.index_cast %swap3A_312 : i32 to index
    %swap3A_314 = arith.constant 64 : index
    %swap3A_315 = tpu.vector_load %arg6[%swap3A_313, %swap3A_314] {strides = array<i32>} : memref<4x128xi32, #tpu.memory_space<vmem>>, vector<1x16xi32>,
    %swap3A_316 = vector.shape_cast %swap3A_315 : vector<1x16xi32> to vector<16xi32>
    %swap3A_317 = vector.shape_cast %add3A_311 : vector<16xi32> to vector<1x16xi32>
    tpu.vector_store %arg6[%swap3A_313, %swap3A_314], %swap3A_317 {strides = array<i32>} : memref<4x128xi32, #tpu.memory_space<vmem>>, vector<1x16xi32>,
    %get3A_318 = arith.constant 336 : index
    %get3A_319 = tpu.vector_load %arg5[%get3A_318] {strides = array<i32>} : memref<512xi32, #tpu.memory_space<vmem>>, vector<16xi32>,
    %get3A_320 = vector.shape_cast %get3A_319 : vector<16xi32> to vector<16xi32>
    %add3A_321 = arith.constant 10 : i32
    %add3A_322 = arith.addi %mul3A_2, %add3A_321 : i32
    %mul3A_323 = arith.constant 896 : i32
    %mul3A_324 = arith.muli %add3A_322, %mul3A_323 : i32
    %add3A_325 = vector.broadcast %mul3A_324 : i32 to vector<16xi32>
    %add3A_326 = arith.addi %get3A_320, %add3A_325 : vector<16xi32>
    %swap3A_327 = arith.constant 2 : i32
    %swap3A_328 = arith.index_cast %swap3A_327 : i32 to index
    %swap3A_329 = arith.constant 80 : index
    %swap3A_330 = tpu.vector_load %arg6[%swap3A_328, %swap3A_329] {strides = array<i32>} : memref<4x128xi32, #tpu.memory_space<vmem>>, vector<1x16xi32>,
    %swap3A_331 = vector.shape_cast %swap3A_330 : vector<1x16xi32> to vector<16xi32>
    %swap3A_332 = vector.shape_cast %add3A_326 : vector<16xi32> to vector<1x16xi32>
    tpu.vector_store %arg6[%swap3A_328, %swap3A_329], %swap3A_332 {strides = array<i32>} : memref<4x128xi32, #tpu.memory_space<vmem>>, vector<1x16xi32>,
    %get3A_333 = arith.constant 352 : index
    %get3A_334 = tpu.vector_load %arg5[%get3A_333] {strides = array<i32>} : memref<512xi32, #tpu.memory_space<vmem>>, vector<16xi32>,
    %get3A_335 = vector.shape_cast %get3A_334 : vector<16xi32> to vector<16xi32>
    %add3A_336 = arith.constant 11 : i32
    %add3A_337 = arith.addi %mul3A_2, %add3A_336 : i32
    %mul3A_338 = arith.constant 896 : i32
    %mul3A_339 = arith.muli %add3A_337, %mul3A_338 : i32
    %add3A_340 = vector.broadcast %mul3A_339 : i32 to vector<16xi32>
    %add3A_341 = arith.addi %get3A_335, %add3A_340 : vector<16xi32>
    %swap3A_342 = arith.constant 2 : i32
    %swap3A_343 = arith.index_cast %swap3A_342 : i32 to index
    %swap3A_344 = arith.constant 96 : index
    %swap3A_345 = tpu.vector_load %arg6[%swap3A_343, %swap3A_344] {strides = array<i32>} : memref<4x128xi32, #tpu.memory_space<vmem>>, vector<1x16xi32>,
    %swap3A_346 = vector.shape_cast %swap3A_345 : vector<1x16xi32> to vector<16xi32>
    %swap3A_347 = vector.shape_cast %add3A_341 : vector<16xi32> to vector<1x16xi32>
    tpu.vector_store %arg6[%swap3A_343, %swap3A_344], %swap3A_347 {strides = array<i32>} : memref<4x128xi32, #tpu.memory_space<vmem>>, vector<1x16xi32>,
    %get3A_348 = arith.constant 368 : index
    %get3A_349 = tpu.vector_load %arg5[%get3A_348] {strides = array<i32>} : memref<512xi32, #tpu.memory_space<vmem>>, vector<16xi32>,
    %get3A_350 = vector.shape_cast %get3A_349 : vector<16xi32> to vector<16xi32>
    %add3A_351 = arith.constant 11 : i32
    %add3A_352 = arith.addi %mul3A_2, %add3A_351 : i32
    %mul3A_353 = arith.constant 896 : i32
    %mul3A_354 = arith.muli %add3A_352, %mul3A_353 : i32
    %add3A_355 = vector.broadcast %mul3A_354 : i32 to vector<16xi32>
    %add3A_356 = arith.addi %get3A_350, %add3A_355 : vector<16xi32>
    %swap3A_357 = arith.constant 2 : i32
    %swap3A_358 = arith.index_cast %swap3A_357 : i32 to index
    %swap3A_359 = arith.constant 112 : index
    %swap3A_360 = tpu.vector_load %arg6[%swap3A_358, %swap3A_359] {strides = array<i32>} : memref<4x128xi32, #tpu.memory_space<vmem>>, vector<1x16xi32>,
    %swap3A_361 = vector.shape_cast %swap3A_360 : vector<1x16xi32> to vector<16xi32>
    %swap3A_362 = vector.shape_cast %add3A_356 : vector<16xi32> to vector<1x16xi32>
    tpu.vector_store %arg6[%swap3A_358, %swap3A_359], %swap3A_362 {strides = array<i32>} : memref<4x128xi32, #tpu.memory_space<vmem>>, vector<1x16xi32>,
    %get3A_363 = arith.constant 384 : index
    %get3A_364 = tpu.vector_load %arg5[%get3A_363] {strides = array<i32>} : memref<512xi32, #tpu.memory_space<vmem>>, vector<16xi32>,
    %get3A_365 = vector.shape_cast %get3A_364 : vector<16xi32> to vector<16xi32>
    %add3A_366 = arith.constant 12 : i32
    %add3A_367 = arith.addi %mul3A_2, %add3A_366 : i32
    %mul3A_368 = arith.constant 896 : i32
    %mul3A_369 = arith.muli %add3A_367, %mul3A_368 : i32
    %add3A_370 = vector.broadcast %mul3A_369 : i32 to vector<16xi32>
    %add3A_371 = arith.addi %get3A_365, %add3A_370 : vector<16xi32>
    %swap3A_372 = arith.constant 3 : i32
    %swap3A_373 = arith.index_cast %swap3A_372 : i32 to index
    %swap3A_374 = arith.constant 0 : index
    %swap3A_375 = tpu.vector_load %arg6[%swap3A_373, %swap3A_374] {strides = array<i32>} : memref<4x128xi32, #tpu.memory_space<vmem>>, vector<1x16xi32>,
    %swap3A_376 = vector.shape_cast %swap3A_375 : vector<1x16xi32> to vector<16xi32>
    %swap3A_377 = vector.shape_cast %add3A_371 : vector<16xi32> to vector<1x16xi32>
    tpu.vector_store %arg6[%swap3A_373, %swap3A_374], %swap3A_377 {strides = array<i32>} : memref<4x128xi32, #tpu.memory_space<vmem>>, vector<1x16xi32>,
    %get3A_378 = arith.constant 400 : index
    %get3A_379 = tpu.vector_load %arg5[%get3A_378] {strides = array<i32>} : memref<512xi32, #tpu.memory_space<vmem>>, vector<16xi32>,
    %get3A_380 = vector.shape_cast %get3A_379 : vector<16xi32> to vector<16xi32>
    %add3A_381 = arith.constant 12 : i32
    %add3A_382 = arith.addi %mul3A_2, %add3A_381 : i32
    %mul3A_383 = arith.constant 896 : i32
    %mul3A_384 = arith.muli %add3A_382, %mul3A_383 : i32
    %add3A_385 = vector.broadcast %mul3A_384 : i32 to vector<16xi32>
    %add3A_386 = arith.addi %get3A_380, %add3A_385 : vector<16xi32>
    %swap3A_387 = arith.constant 3 : i32
    %swap3A_388 = arith.index_cast %swap3A_387 : i32 to index
    %swap3A_389 = arith.constant 16 : index
    %swap3A_390 = tpu.vector_load %arg6[%swap3A_388, %swap3A_389] {strides = array<i32>} : memref<4x128xi32, #tpu.memory_space<vmem>>, vector<1x16xi32>,
    %swap3A_391 = vector.shape_cast %swap3A_390 : vector<1x16xi32> to vector<16xi32>
    %swap3A_392 = vector.shape_cast %add3A_386 : vector<16xi32> to vector<1x16xi32>
    tpu.vector_store %arg6[%swap3A_388, %swap3A_389], %swap3A_392 {strides = array<i32>} : memref<4x128xi32, #tpu.memory_space<vmem>>, vector<1x16xi32>,
    %get3A_393 = arith.constant 416 : index
    %get3A_394 = tpu.vector_load %arg5[%get3A_393] {strides = array<i32>} : memref<512xi32, #tpu.memory_space<vmem>>, vector<16xi32>,
    %get3A_395 = vector.shape_cast %get3A_394 : vector<16xi32> to vector<16xi32>
    %add3A_396 = arith.constant 13 : i32
    %add3A_397 = arith.addi %mul3A_2, %add3A_396 : i32
    %mul3A_398 = arith.constant 896 : i32
    %mul3A_399 = arith.muli %add3A_397, %mul3A_398 : i32
    %add3A_400 = vector.broadcast %mul3A_399 : i32 to vector<16xi32>
    %add3A_401 = arith.addi %get3A_395, %add3A_400 : vector<16xi32>
    %swap3A_402 = arith.constant 3 : i32
    %swap3A_403 = arith.index_cast %swap3A_402 : i32 to index
    %swap3A_404 = arith.constant 32 : index
    %swap3A_405 = tpu.vector_load %arg6[%swap3A_403, %swap3A_404] {strides = array<i32>} : memref<4x128xi32, #tpu.memory_space<vmem>>, vector<1x16xi32>,
    %swap3A_406 = vector.shape_cast %swap3A_405 : vector<1x16xi32> to vector<16xi32>
    %swap3A_407 = vector.shape_cast %add3A_401 : vector<16xi32> to vector<1x16xi32>
    tpu.vector_store %arg6[%swap3A_403, %swap3A_404], %swap3A_407 {strides = array<i32>} : memref<4x128xi32, #tpu.memory_space<vmem>>, vector<1x16xi32>,
    %get3A_408 = arith.constant 432 : index
    %get3A_409 = tpu.vector_load %arg5[%get3A_408] {strides = array<i32>} : memref<512xi32, #tpu.memory_space<vmem>>, vector<16xi32>,
    %get3A_410 = vector.shape_cast %get3A_409 : vector<16xi32> to vector<16xi32>
    %add3A_411 = arith.constant 13 : i32
    %add3A_412 = arith.addi %mul3A_2, %add3A_411 : i32
    %mul3A_413 = arith.constant 896 : i32
    %mul3A_414 = arith.muli %add3A_412, %mul3A_413 : i32
    %add3A_415 = vector.broadcast %mul3A_414 : i32 to vector<16xi32>
    %add3A_416 = arith.addi %get3A_410, %add3A_415 : vector<16xi32>
    %swap3A_417 = arith.constant 3 : i32
    %swap3A_418 = arith.index_cast %swap3A_417 : i32 to index
    %swap3A_419 = arith.constant 48 : index
    %swap3A_420 = tpu.vector_load %arg6[%swap3A_418, %swap3A_419] {strides = array<i32>} : memref<4x128xi32, #tpu.memory_space<vmem>>, vector<1x16xi32>,
    %swap3A_421 = vector.shape_cast %swap3A_420 : vector<1x16xi32> to vector<16xi32>
    %swap3A_422 = vector.shape_cast %add3A_416 : vector<16xi32> to vector<1x16xi32>
    tpu.vector_store %arg6[%swap3A_418, %swap3A_419], %swap3A_422 {strides = array<i32>} : memref<4x128xi32, #tpu.memory_space<vmem>>, vector<1x16xi32>,
    %get3A_423 = arith.constant 448 : index
    %get3A_424 = tpu.vector_load %arg5[%get3A_423] {strides = array<i32>} : memref<512xi32, #tpu.memory_space<vmem>>, vector<16xi32>,
    %get3A_425 = vector.shape_cast %get3A_424 : vector<16xi32> to vector<16xi32>
    %add3A_426 = arith.constant 14 : i32
    %add3A_427 = arith.addi %mul3A_2, %add3A_426 : i32
    %mul3A_428 = arith.constant 896 : i32
    %mul3A_429 = arith.muli %add3A_427, %mul3A_428 : i32
    %add3A_430 = vector.broadcast %mul3A_429 : i32 to vector<16xi32>
    %add3A_431 = arith.addi %get3A_425, %add3A_430 : vector<16xi32>
    %swap3A_432 = arith.constant 3 : i32
    %swap3A_433 = arith.index_cast %swap3A_432 : i32 to index
    %swap3A_434 = arith.constant 64 : index
    %swap3A_435 = tpu.vector_load %arg6[%swap3A_433, %swap3A_434] {strides = array<i32>} : memref<4x128xi32, #tpu.memory_space<vmem>>, vector<1x16xi32>,
    %swap3A_436 = vector.shape_cast %swap3A_435 : vector<1x16xi32> to vector<16xi32>
    %swap3A_437 = vector.shape_cast %add3A_431 : vector<16xi32> to vector<1x16xi32>
    tpu.vector_store %arg6[%swap3A_433, %swap3A_434], %swap3A_437 {strides = array<i32>} : memref<4x128xi32, #tpu.memory_space<vmem>>, vector<1x16xi32>,
    %get3A_438 = arith.constant 464 : index
    %get3A_439 = tpu.vector_load %arg5[%get3A_438] {strides = array<i32>} : memref<512xi32, #tpu.memory_space<vmem>>, vector<16xi32>,
    %get3A_440 = vector.shape_cast %get3A_439 : vector<16xi32> to vector<16xi32>
    %add3A_441 = arith.constant 14 : i32
    %add3A_442 = arith.addi %mul3A_2, %add3A_441 : i32
    %mul3A_443 = arith.constant 896 : i32
    %mul3A_444 = arith.muli %add3A_442, %mul3A_443 : i32
    %add3A_445 = vector.broadcast %mul3A_444 : i32 to vector<16xi32>
    %add3A_446 = arith.addi %get3A_440, %add3A_445 : vector<16xi32>
    %swap3A_447 = arith.constant 3 : i32
    %swap3A_448 = arith.index_cast %swap3A_447 : i32 to index
    %swap3A_449 = arith.constant 80 : index
    %swap3A_450 = tpu.vector_load %arg6[%swap3A_448, %swap3A_449] {strides = array<i32>} : memref<4x128xi32, #tpu.memory_space<vmem>>, vector<1x16xi32>,
    %swap3A_451 = vector.shape_cast %swap3A_450 : vector<1x16xi32> to vector<16xi32>
    %swap3A_452 = vector.shape_cast %add3A_446 : vector<16xi32> to vector<1x16xi32>
    tpu.vector_store %arg6[%swap3A_448, %swap3A_449], %swap3A_452 {strides = array<i32>} : memref<4x128xi32, #tpu.memory_space<vmem>>, vector<1x16xi32>,
    %get3A_453 = arith.constant 480 : index
    %get3A_454 = tpu.vector_load %arg5[%get3A_453] {strides = array<i32>} : memref<512xi32, #tpu.memory_space<vmem>>, vector<16xi32>,
    %get3A_455 = vector.shape_cast %get3A_454 : vector<16xi32> to vector<16xi32>
    %add3A_456 = arith.constant 15 : i32
    %add3A_457 = arith.addi %mul3A_2, %add3A_456 : i32
    %mul3A_458 = arith.constant 896 : i32
    %mul3A_459 = arith.muli %add3A_457, %mul3A_458 : i32
    %add3A_460 = vector.broadcast %mul3A_459 : i32 to vector<16xi32>
    %add3A_461 = arith.addi %get3A_455, %add3A_460 : vector<16xi32>
    %swap3A_462 = arith.constant 3 : i32
    %swap3A_463 = arith.index_cast %swap3A_462 : i32 to index
    %swap3A_464 = arith.constant 96 : index
    %swap3A_465 = tpu.vector_load %arg6[%swap3A_463, %swap3A_464] {strides = array<i32>} : memref<4x128xi32, #tpu.memory_space<vmem>>, vector<1x16xi32>,
    %swap3A_466 = vector.shape_cast %swap3A_465 : vector<1x16xi32> to vector<16xi32>
    %swap3A_467 = vector.shape_cast %add3A_461 : vector<16xi32> to vector<1x16xi32>
    tpu.vector_store %arg6[%swap3A_463, %swap3A_464], %swap3A_467 {strides = array<i32>} : memref<4x128xi32, #tpu.memory_space<vmem>>, vector<1x16xi32>,
    %get3A_468 = arith.constant 496 : index
    %get3A_469 = tpu.vector_load %arg5[%get3A_468] {strides = array<i32>} : memref<512xi32, #tpu.memory_space<vmem>>, vector<16xi32>,
    %get3A_470 = vector.shape_cast %get3A_469 : vector<16xi32> to vector<16xi32>
    %add3A_471 = arith.constant 15 : i32
    %add3A_472 = arith.addi %mul3A_2, %add3A_471 : i32
    %mul3A_473 = arith.constant 896 : i32
    %mul3A_474 = arith.muli %add3A_472, %mul3A_473 : i32
    %add3A_475 = vector.broadcast %mul3A_474 : i32 to vector<16xi32>
    %add3A_476 = arith.addi %get3A_470, %add3A_475 : vector<16xi32>
    %swap3A_477 = arith.constant 3 : i32
    %swap3A_478 = arith.index_cast %swap3A_477 : i32 to index
    %swap3A_479 = arith.constant 112 : index
    %swap3A_480 = tpu.vector_load %arg6[%swap3A_478, %swap3A_479] {strides = array<i32>} : memref<4x128xi32, #tpu.memory_space<vmem>>, vector<1x16xi32>,
    %swap3A_481 = vector.shape_cast %swap3A_480 : vector<1x16xi32> to vector<16xi32>
    %swap3A_482 = vector.shape_cast %add3A_476 : vector<16xi32> to vector<1x16xi32>
    tpu.vector_store %arg6[%swap3A_478, %swap3A_479], %swap3A_482 {strides = array<i32>} : memref<4x128xi32, #tpu.memory_space<vmem>>, vector<1x16xi32>,
    %dma_start3A = arith.constant 0 : i32
    %dma_start3A_483 = arith.constant 0 : i32
    %dma_start3A_484 = arith.constant 0 : i32
    %dma_start3A_485 = tpu.memref_slice %arg7[%dma_start3A_483, %dma_start3A_484] : memref<512x128xf32, #tpu.memory_space<vmem>> -> memref<128x128xf32, #tpu.memory_space<vmem>>
    %dma_start3A_486 = arith.constant 0 : i32
    %dma_start3A_487 = tpu.memref_slice %arg6[%dma_start3A, %dma_start3A_486] : memref<4x128xi32, #tpu.memory_space<vmem>> -> memref<1x128xi32, #tpu.memory_space<vmem>>
    %dma_start3A_488 = tpu.memref_squeeze %dma_start3A_487 : memref<1x128xi32, #tpu.memory_space<vmem>> -> memref<128xi32, #tpu.memory_space<vmem>>
    %dma_start3A_489 = arith.constant 0 : i32
    %dma_start3A_490 = arith.constant 0 : i32
    %dma_start3A_491 = tpu.memref_slice %arg2[%dma_start3A_489, %dma_start3A_490] : memref<458752x128xf32, #tpu.memory_space<hbm>> -> memref<458752x128xf32, #tpu.memory_space<hbm>>
    tpu.enqueue_indirect_dma source(%dma_start3A_491 : memref<458752x128xf32, #tpu.memory_space<hbm>>) target(%dma_start3A_485 : memref<128x128xf32, #tpu.memory_space<vmem>>) offsets(%dma_start3A_488 : memref<128xi32, #tpu.memory_space<vmem>>) semaphore(%arg8 : memref<!tpu.dma_semaphore, #tpu.memory_space<semaphore_mem>>)
    %dma_start3A_492 = arith.constant 1 : i32
    %dma_start3A_493 = arith.constant 128 : i32
    %dma_start3A_494 = arith.constant 0 : i32
    %dma_start3A_495 = tpu.memref_slice %arg7[%dma_start3A_493, %dma_start3A_494] : memref<512x128xf32, #tpu.memory_space<vmem>> -> memref<128x128xf32, #tpu.memory_space<vmem>>
    %dma_start3A_496 = arith.constant 0 : i32
    %dma_start3A_497 = tpu.memref_slice %arg6[%dma_start3A_492, %dma_start3A_496] : memref<4x128xi32, #tpu.memory_space<vmem>> -> memref<1x128xi32, #tpu.memory_space<vmem>>
    %dma_start3A_498 = tpu.memref_squeeze %dma_start3A_497 : memref<1x128xi32, #tpu.memory_space<vmem>> -> memref<128xi32, #tpu.memory_space<vmem>>
    %dma_start3A_499 = arith.constant 0 : i32
    %dma_start3A_500 = arith.constant 0 : i32
    %dma_start3A_501 = tpu.memref_slice %arg2[%dma_start3A_499, %dma_start3A_500] : memref<458752x128xf32, #tpu.memory_space<hbm>> -> memref<458752x128xf32, #tpu.memory_space<hbm>>
    tpu.enqueue_indirect_dma source(%dma_start3A_501 : memref<458752x128xf32, #tpu.memory_space<hbm>>) target(%dma_start3A_495 : memref<128x128xf32, #tpu.memory_space<vmem>>) offsets(%dma_start3A_498 : memref<128xi32, #tpu.memory_space<vmem>>) semaphore(%arg8 : memref<!tpu.dma_semaphore, #tpu.memory_space<semaphore_mem>>)
    %dma_start3A_502 = arith.constant 2 : i32
    %dma_start3A_503 = arith.constant 256 : i32
    %dma_start3A_504 = arith.constant 0 : i32
    %dma_start3A_505 = tpu.memref_slice %arg7[%dma_start3A_503, %dma_start3A_504] : memref<512x128xf32, #tpu.memory_space<vmem>> -> memref<128x128xf32, #tpu.memory_space<vmem>>
    %dma_start3A_506 = arith.constant 0 : i32
    %dma_start3A_507 = tpu.memref_slice %arg6[%dma_start3A_502, %dma_start3A_506] : memref<4x128xi32, #tpu.memory_space<vmem>> -> memref<1x128xi32, #tpu.memory_space<vmem>>
    %dma_start3A_508 = tpu.memref_squeeze %dma_start3A_507 : memref<1x128xi32, #tpu.memory_space<vmem>> -> memref<128xi32, #tpu.memory_space<vmem>>
    %dma_start3A_509 = arith.constant 0 : i32
    %dma_start3A_510 = arith.constant 0 : i32
    %dma_start3A_511 = tpu.memref_slice %arg2[%dma_start3A_509, %dma_start3A_510] : memref<458752x128xf32, #tpu.memory_space<hbm>> -> memref<458752x128xf32, #tpu.memory_space<hbm>>
    tpu.enqueue_indirect_dma source(%dma_start3A_511 : memref<458752x128xf32, #tpu.memory_space<hbm>>) target(%dma_start3A_505 : memref<128x128xf32, #tpu.memory_space<vmem>>) offsets(%dma_start3A_508 : memref<128xi32, #tpu.memory_space<vmem>>) semaphore(%arg8 : memref<!tpu.dma_semaphore, #tpu.memory_space<semaphore_mem>>)
    %dma_start3A_512 = arith.constant 3 : i32
    %dma_start3A_513 = arith.constant 384 : i32
    %dma_start3A_514 = arith.constant 0 : i32
    %dma_start3A_515 = tpu.memref_slice %arg7[%dma_start3A_513, %dma_start3A_514] : memref<512x128xf32, #tpu.memory_space<vmem>> -> memref<128x128xf32, #tpu.memory_space<vmem>>
    %dma_start3A_516 = arith.constant 0 : i32
    %dma_start3A_517 = tpu.memref_slice %arg6[%dma_start3A_512, %dma_start3A_516] : memref<4x128xi32, #tpu.memory_space<vmem>> -> memref<1x128xi32, #tpu.memory_space<vmem>>
    %dma_start3A_518 = tpu.memref_squeeze %dma_start3A_517 : memref<1x128xi32, #tpu.memory_space<vmem>> -> memref<128xi32, #tpu.memory_space<vmem>>
    %dma_start3A_519 = arith.constant 0 : i32
    %dma_start3A_520 = arith.constant 0 : i32
    %dma_start3A_521 = tpu.memref_slice %arg2[%dma_start3A_519, %dma_start3A_520] : memref<458752x128xf32, #tpu.memory_space<hbm>> -> memref<458752x128xf32, #tpu.memory_space<hbm>>
    tpu.enqueue_indirect_dma source(%dma_start3A_521 : memref<458752x128xf32, #tpu.memory_space<hbm>>) target(%dma_start3A_515 : memref<128x128xf32, #tpu.memory_space<vmem>>) offsets(%dma_start3A_518 : memref<128xi32, #tpu.memory_space<vmem>>) semaphore(%arg8 : memref<!tpu.dma_semaphore, #tpu.memory_space<semaphore_mem>>)
    %dma_wait3A = arith.constant 0 : i32
    %dma_wait3A_522 = arith.constant 0 : i32
    %dma_wait3A_523 = arith.constant 0 : i32
    %dma_wait3A_524 = tpu.memref_slice %arg7[%dma_wait3A_522, %dma_wait3A_523] : memref<512x128xf32, #tpu.memory_space<vmem>> -> memref<128x128xf32, #tpu.memory_space<vmem>>
    %dma_wait3A_525 = arith.constant 0 : i32
    %dma_wait3A_526 = tpu.memref_slice %arg6[%dma_wait3A, %dma_wait3A_525] : memref<4x128xi32, #tpu.memory_space<vmem>> -> memref<1x128xi32, #tpu.memory_space<vmem>>
    %dma_wait3A_527 = tpu.memref_squeeze %dma_wait3A_526 : memref<1x128xi32, #tpu.memory_space<vmem>> -> memref<128xi32, #tpu.memory_space<vmem>>
    %dma_wait3A_528 = arith.constant 0 : i32
    %dma_wait3A_529 = arith.constant 0 : i32
    %dma_wait3A_530 = tpu.memref_slice %arg2[%dma_wait3A_528, %dma_wait3A_529] : memref<458752x128xf32, #tpu.memory_space<hbm>> -> memref<458752x128xf32, #tpu.memory_space<hbm>>
    tpu.wait_indirect_dma semaphore(%arg8 : memref<!tpu.dma_semaphore, #tpu.memory_space<semaphore_mem>>) src(%dma_wait3A_530 : memref<458752x128xf32, #tpu.memory_space<hbm>>) dst(%dma_wait3A_524 : memref<128x128xf32, #tpu.memory_space<vmem>>)
    %dma_wait3A_531 = arith.constant 1 : i32
    %dma_wait3A_532 = arith.constant 128 : i32
    %dma_wait3A_533 = arith.constant 0 : i32
    %dma_wait3A_534 = tpu.memref_slice %arg7[%dma_wait3A_532, %dma_wait3A_533] : memref<512x128xf32, #tpu.memory_space<vmem>> -> memref<128x128xf32, #tpu.memory_space<vmem>>
    %dma_wait3A_535 = arith.constant 0 : i32
    %dma_wait3A_536 = tpu.memref_slice %arg6[%dma_wait3A_531, %dma_wait3A_535] : memref<4x128xi32, #tpu.memory_space<vmem>> -> memref<1x128xi32, #tpu.memory_space<vmem>>
    %dma_wait3A_537 = tpu.memref_squeeze %dma_wait3A_536 : memref<1x128xi32, #tpu.memory_space<vmem>> -> memref<128xi32, #tpu.memory_space<vmem>>
    %dma_wait3A_538 = arith.constant 0 : i32
    %dma_wait3A_539 = arith.constant 0 : i32
    %dma_wait3A_540 = tpu.memref_slice %arg2[%dma_wait3A_538, %dma_wait3A_539] : memref<458752x128xf32, #tpu.memory_space<hbm>> -> memref<458752x128xf32, #tpu.memory_space<hbm>>
    tpu.wait_indirect_dma semaphore(%arg8 : memref<!tpu.dma_semaphore, #tpu.memory_space<semaphore_mem>>) src(%dma_wait3A_540 : memref<458752x128xf32, #tpu.memory_space<hbm>>) dst(%dma_wait3A_534 : memref<128x128xf32, #tpu.memory_space<vmem>>)
    %dma_wait3A_541 = arith.constant 2 : i32
    %dma_wait3A_542 = arith.constant 256 : i32
    %dma_wait3A_543 = arith.constant 0 : i32
    %dma_wait3A_544 = tpu.memref_slice %arg7[%dma_wait3A_542, %dma_wait3A_543] : memref<512x128xf32, #tpu.memory_space<vmem>> -> memref<128x128xf32, #tpu.memory_space<vmem>>
    %dma_wait3A_545 = arith.constant 0 : i32
    %dma_wait3A_546 = tpu.memref_slice %arg6[%dma_wait3A_541, %dma_wait3A_545] : memref<4x128xi32, #tpu.memory_space<vmem>> -> memref<1x128xi32, #tpu.memory_space<vmem>>
    %dma_wait3A_547 = tpu.memref_squeeze %dma_wait3A_546 : memref<1x128xi32, #tpu.memory_space<vmem>> -> memref<128xi32, #tpu.memory_space<vmem>>
    %dma_wait3A_548 = arith.constant 0 : i32
    %dma_wait3A_549 = arith.constant 0 : i32
    %dma_wait3A_550 = tpu.memref_slice %arg2[%dma_wait3A_548, %dma_wait3A_549] : memref<458752x128xf32, #tpu.memory_space<hbm>> -> memref<458752x128xf32, #tpu.memory_space<hbm>>
    tpu.wait_indirect_dma semaphore(%arg8 : memref<!tpu.dma_semaphore, #tpu.memory_space<semaphore_mem>>) src(%dma_wait3A_550 : memref<458752x128xf32, #tpu.memory_space<hbm>>) dst(%dma_wait3A_544 : memref<128x128xf32, #tpu.memory_space<vmem>>)
    %dma_wait3A_551 = arith.constant 3 : i32
    %dma_wait3A_552 = arith.constant 384 : i32
    %dma_wait3A_553 = arith.constant 0 : i32
    %dma_wait3A_554 = tpu.memref_slice %arg7[%dma_wait3A_552, %dma_wait3A_553] : memref<512x128xf32, #tpu.memory_space<vmem>> -> memref<128x128xf32, #tpu.memory_space<vmem>>
    %dma_wait3A_555 = arith.constant 0 : i32
    %dma_wait3A_556 = tpu.memref_slice %arg6[%dma_wait3A_551, %dma_wait3A_555] : memref<4x128xi32, #tpu.memory_space<vmem>> -> memref<1x128xi32, #tpu.memory_space<vmem>>
    %dma_wait3A_557 = tpu.memref_squeeze %dma_wait3A_556 : memref<1x128xi32, #tpu.memory_space<vmem>> -> memref<128xi32, #tpu.memory_space<vmem>>
    %dma_wait3A_558 = arith.constant 0 : i32
    %dma_wait3A_559 = arith.constant 0 : i32
    %dma_wait3A_560 = tpu.memref_slice %arg2[%dma_wait3A_558, %dma_wait3A_559] : memref<458752x128xf32, #tpu.memory_space<hbm>> -> memref<458752x128xf32, #tpu.memory_space<hbm>>
    tpu.wait_indirect_dma semaphore(%arg8 : memref<!tpu.dma_semaphore, #tpu.memory_space<semaphore_mem>>) src(%dma_wait3A_560 : memref<458752x128xf32, #tpu.memory_space<hbm>>) dst(%dma_wait3A_554 : memref<128x128xf32, #tpu.memory_space<vmem>>)
    %mul3A_561 = arith.constant 32 : i32
    %mul3A_562 = arith.muli %mul3A_2, %mul3A_561 : i32
    "tpu.region"() ({
      %run_scoped3A = tpu.sem_alloc : memref<!tpu.dma_semaphore, #tpu.memory_space<semaphore_mem>>
      %dma_start3A_563 = arith.constant 0 : i32
      %dma_start3A_564 = tpu.memref_slice %arg4[%mul3A_562, %dma_start3A_563] : memref<16384x128xf32, #tpu.memory_space<hbm>> -> memref<512x128xf32, #tpu.memory_space<hbm>>
      %dma_start3A_565 = arith.constant 0 : i32
      %dma_start3A_566 = tpu.memref_slice %arg4[%mul3A_562, %dma_start3A_565] : memref<16384x128xf32, #tpu.memory_space<hbm>> -> memref<512x128xf32, #tpu.memory_space<hbm>>
      tpu.enqueue_dma source(%arg7 : memref<512x128xf32, #tpu.memory_space<vmem>>) target(%dma_start3A_566 : memref<512x128xf32, #tpu.memory_space<hbm>>) target_semaphore(%run_scoped3A : memref<!tpu.dma_semaphore, #tpu.memory_space<semaphore_mem>>)
      %dma_wait3A_567 = arith.constant 0 : i32
      %dma_wait3A_568 = tpu.memref_slice %arg4[%mul3A_562, %dma_wait3A_567] : memref<16384x128xf32, #tpu.memory_space<hbm>> -> memref<512x128xf32, #tpu.memory_space<hbm>>
      %dma_wait3A_569 = arith.constant 0 : i32
      %dma_wait3A_570 = tpu.memref_slice %arg4[%mul3A_562, %dma_wait3A_569] : memref<16384x128xf32, #tpu.memory_space<hbm>> -> memref<512x128xf32, #tpu.memory_space<hbm>>
      tpu.wait_dma2 semaphore(%run_scoped3A : memref<!tpu.dma_semaphore, #tpu.memory_space<semaphore_mem>>) src(%arg7 : memref<512x128xf32, #tpu.memory_space<vmem>>) dst(%dma_wait3A_570 : memref<512x128xf32, #tpu.memory_space<hbm>>)
      tpu.yield
    }) : () -> ()
    return
  }
}

module attributes {stable_mosaic.version = 14 : i64} {
  func.func @_scores_body(%arg0: i32, %arg1: i32, %arg2: memref<1x128x64xf32, #tpu.memory_space<vmem>>, %arg3: memref<1x64x16384xf32, #tpu.memory_space<vmem>>, %arg4: memref<1x1x16384xf32, #tpu.memory_space<vmem>>, %arg5: memref<1x128x128x128xf32, #tpu.memory_space<vmem>>, %arg6: memref<1x128x128xf32, #tpu.memory_space<vmem>>) attributes {dimension_semantics = [#tpu.dimension_semantics<arbitrary>, #tpu.dimension_semantics<arbitrary>], iteration_bounds = array<i64: 4, 7>, scalar_prefetch = 0 : i64, scratch_operands = 0 : i64, tpu.core_type = #tpu.core_type<tc>, window_params = [{transform_indices = @transform_0, window_bounds = array<i64: 1, 128, 64>}, {transform_indices = @transform_1, window_bounds = array<i64: 1, 64, 16384>}, {transform_indices = @transform_2, window_bounds = array<i64: 1, 1, 16384>}, {transform_indices = @transform_3, window_bounds = array<i64: 1, 128, 128, 128>}, {transform_indices = @transform_4, window_bounds = array<i64: 1, 128, 128>}]} {
    %get3A = arith.constant 0 : index
    %get3A_0 = arith.constant 0 : index
    %get3A_1 = arith.constant 0 : index
    %get3A_2 = vector.load %arg2[%get3A, %get3A_0, %get3A_1] : memref<1x128x64xf32, #tpu.memory_space<vmem>>, vector<1x128x64xf32>
    %get3A_3 = vector.shape_cast %get3A_2 : vector<1x128x64xf32> to vector<128x64xf32>
    %get3A_4 = arith.constant 0 : index
    %get3A_5 = arith.constant 0 : index
    %get3A_6 = arith.constant 0 : index
    %get3A_7 = vector.load %arg3[%get3A_4, %get3A_5, %get3A_6] : memref<1x64x16384xf32, #tpu.memory_space<vmem>>, vector<1x64x16384xf32>
    %get3A_8 = vector.shape_cast %get3A_7 : vector<1x64x16384xf32> to vector<64x16384xf32>
    %dot_general3A = arith.constant dense<0.000000e+00> : vector<128x16384xf32>
    %dot_general3A_9 = tpu.matmul %get3A_3, %get3A_8, %dot_general3A {dimension_numbers = #tpu.dot_dimension_numbers<[1], [0], [0], [1], [0, 0, 1, 1], [], []>, transpose_lhs_hint = false} : vector<128x64xf32>, vector<64x16384xf32>, vector<128x16384xf32> -> vector<128x16384xf32>
    %mul3A = arith.constant 16384 : i32
    %mul3A_10 = arith.muli %arg1, %mul3A : i32
    %iota3A = tpu.iota {dimensions = array<i32: 1>} : vector<128x16384xi32>
    %add3A = vector.broadcast %mul3A_10 : i32 to vector<128x16384xi32>
    %add3A_11 = arith.addi %add3A, %iota3A : vector<128x16384xi32>
    %get3A_12 = arith.constant 0 : index
    %get3A_13 = arith.constant 0 : index
    %get3A_14 = arith.constant 0 : index
    %get3A_15 = vector.load %arg4[%get3A_12, %get3A_13, %get3A_14] : memref<1x1x16384xf32, #tpu.memory_space<vmem>>, vector<1x1x16384xf32>
    %get3A_16 = vector.shape_cast %get3A_15 : vector<1x1x16384xf32> to vector<16384xf32>
    %broadcast_in_dim3A = vector.shape_cast %get3A_16 : vector<16384xf32> to vector<1x16384xf32>
    %gt3A = arith.constant 0.000000e+00 : f32
    %gt3A_17 = vector.broadcast %gt3A : f32 to vector<1x16384xf32>
    %gt3A_18 = arith.cmpf ogt, %broadcast_in_dim3A, %gt3A_17 : vector<1x16384xf32>
    %lt3A = arith.constant 100000 : i32
    %lt3A_19 = vector.broadcast %lt3A : i32 to vector<128x16384xi32>
    %lt3A_20 = arith.cmpi slt, %add3A_11, %lt3A_19 : vector<128x16384xi32>
    %and3A = vector.broadcast %gt3A_18 : vector<1x16384xi1> to vector<128x16384xi1>
    %and3A_21 = arith.andi %and3A, %lt3A_20 : vector<128x16384xi1>
    %jit3A = arith.constant -1.000000e+30 : f32
    %broadcast_in_dim3A_22 = vector.broadcast %jit3A : f32 to vector<128x16384xf32>
    %select_n3A = arith.select %and3A_21, %dot_general3A_9, %broadcast_in_dim3A_22 : vector<128x16384xi1>, vector<128x16384xf32>
    %reshape3A = vector.shape_cast %select_n3A : vector<128x16384xf32> to vector<128x128x128xf32>
    %swap3A = arith.constant 0 : index
    %swap3A_23 = arith.constant 0 : index
    %swap3A_24 = arith.constant 0 : index
    %swap3A_25 = arith.constant 0 : index
    %swap3A_26 = vector.load %arg5[%swap3A, %swap3A_23, %swap3A_24, %swap3A_25] : memref<1x128x128x128xf32, #tpu.memory_space<vmem>>, vector<1x128x128x128xf32>
    %swap3A_27 = vector.shape_cast %swap3A_26 : vector<1x128x128x128xf32> to vector<128x128x128xf32>
    %swap3A_28 = vector.shape_cast %reshape3A : vector<128x128x128xf32> to vector<1x128x128x128xf32>
    tpu.vector_store %arg5[%swap3A, %swap3A_23, %swap3A_24, %swap3A_25], %swap3A_28 {strides = array<i32>} : memref<1x128x128x128xf32, #tpu.memory_space<vmem>>, vector<1x128x128x128xf32>,
    %reduce_max3A = arith.constant dense<0xFF800000> : vector<128x128xf32>
    %reduce_max3A_29 = vector.multi_reduction <maximumf>, %reshape3A, %reduce_max3A [2] : vector<128x128x128xf32> to vector<128x128xf32>
    %swap3A_30 = arith.constant 0 : index
    %swap3A_31 = arith.constant 0 : index
    %swap3A_32 = arith.constant 0 : index
    %swap3A_33 = vector.load %arg6[%swap3A_30, %swap3A_31, %swap3A_32] : memref<1x128x128xf32, #tpu.memory_space<vmem>>, vector<1x128x128xf32>
    %swap3A_34 = vector.shape_cast %swap3A_33 : vector<1x128x128xf32> to vector<128x128xf32>
    %swap3A_35 = vector.shape_cast %reduce_max3A_29 : vector<128x128xf32> to vector<1x128x128xf32>
    tpu.vector_store %arg6[%swap3A_30, %swap3A_31, %swap3A_32], %swap3A_35 {strides = array<i32>} : memref<1x128x128xf32, #tpu.memory_space<vmem>>, vector<1x128x128xf32>,
    return
  }
  func.func @transform_0(%arg0: i32, %arg1: i32) -> (i32, i32, i32) {
    %c0_i32 = arith.constant 0 : i32
    %c0_i32_0 = arith.constant 0 : i32
    %c0_i32_1 = arith.constant 0 : i32
    return %arg0, %c0_i32, %c0_i32_0 : i32, i32, i32
  }
  func.func @transform_1(%arg0: i32, %arg1: i32) -> (i32, i32, i32) {
    %c0_i32 = arith.constant 0 : i32
    %c0_i32_0 = arith.constant 0 : i32
    return %arg0, %c0_i32, %arg1 : i32, i32, i32
  }
  func.func @transform_2(%arg0: i32, %arg1: i32) -> (i32, i32, i32) {
    %mul3A = arith.constant 7 : i32
    %mul3A_0 = arith.muli %arg0, %mul3A : i32
    %add3A = arith.addi %mul3A_0, %arg1 : i32
    %c0_i32 = arith.constant 0 : i32
    %c0_i32_1 = arith.constant 0 : i32
    %c0_i32_2 = arith.constant 0 : i32
    return %add3A, %c0_i32, %c0_i32_1 : i32, i32, i32
  }
  func.func @transform_3(%arg0: i32, %arg1: i32) -> (i32, i32, i32, i32) {
    %c0_i32 = arith.constant 0 : i32
    %c0_i32_0 = arith.constant 0 : i32
    %c0_i32_1 = arith.constant 0 : i32
    return %arg0, %c0_i32, %arg1, %c0_i32_0 : i32, i32, i32, i32
  }
  func.func @transform_4(%arg0: i32, %arg1: i32) -> (i32, i32, i32) {
    %c0_i32 = arith.constant 0 : i32
    %c0_i32_0 = arith.constant 0 : i32
    return %arg0, %c0_i32, %arg1 : i32, i32, i32
  }
}

module attributes {stable_mosaic.version = 14 : i64} {
  func.func @_q_body(%arg0: i32, %arg1: memref<1x128x1024xf32, #tpu.memory_space<vmem>>, %arg2: memref<1x128x1024xf32, #tpu.memory_space<vmem>>, %arg3: memref<64x2048xf32, #tpu.memory_space<vmem>>, %arg4: memref<64xf32, #tpu.memory_space<vmem>>, %arg5: memref<64x1024xf32, #tpu.memory_space<vmem>>, %arg6: memref<64xf32, #tpu.memory_space<vmem>>, %arg7: memref<1x128x64xf32, #tpu.memory_space<vmem>>, %arg8: memref<1x128x64xf32, #tpu.memory_space<vmem>>) attributes {dimension_semantics = [#tpu.dimension_semantics<arbitrary>], iteration_bounds = array<i64: 4>, scalar_prefetch = 0 : i64, scratch_operands = 0 : i64, tpu.core_type = #tpu.core_type<tc>, window_params = [{transform_indices = @transform_0, window_bounds = array<i64: 1, 128, 1024>}, {transform_indices = @transform_1, window_bounds = array<i64: 1, 128, 1024>}, {pipeline_mode = #tpu.pipeline_mode<synchronous>, transform_indices = @transform_2, window_bounds = array<i64: 64, 2048>}, {pipeline_mode = #tpu.pipeline_mode<synchronous>, transform_indices = @transform_3, window_bounds = array<i64: 64>}, {pipeline_mode = #tpu.pipeline_mode<synchronous>, transform_indices = @transform_4, window_bounds = array<i64: 64, 1024>}, {pipeline_mode = #tpu.pipeline_mode<synchronous>, transform_indices = @transform_5, window_bounds = array<i64: 64>}, {transform_indices = @transform_6, window_bounds = array<i64: 1, 128, 64>}, {transform_indices = @transform_7, window_bounds = array<i64: 1, 128, 64>}]} {
    %get3A = arith.constant 0 : index
    %get3A_0 = arith.constant 0 : index
    %get3A_1 = arith.constant 0 : index
    %get3A_2 = vector.load %arg1[%get3A, %get3A_0, %get3A_1] : memref<1x128x1024xf32, #tpu.memory_space<vmem>>, vector<1x128x1024xf32>
    %get3A_3 = vector.shape_cast %get3A_2 : vector<1x128x1024xf32> to vector<128x1024xf32>
    %get3A_4 = arith.constant 0 : index
    %get3A_5 = arith.constant 0 : index
    %get3A_6 = arith.constant 0 : index
    %get3A_7 = vector.load %arg2[%get3A_4, %get3A_5, %get3A_6] : memref<1x128x1024xf32, #tpu.memory_space<vmem>>, vector<1x128x1024xf32>
    %get3A_8 = vector.shape_cast %get3A_7 : vector<1x128x1024xf32> to vector<128x1024xf32>
    %get3A_9 = arith.constant 0 : index
    %get3A_10 = arith.constant 0 : index
    %get3A_11 = vector.load %arg3[%get3A_9, %get3A_10] : memref<64x2048xf32, #tpu.memory_space<vmem>>, vector<64x2048xf32>
    %slice3A = vector.extract_strided_slice %get3A_11 {offsets = [0, 0], sizes = [64, 1024], strides = [1, 1]} : vector<64x2048xf32> to vector<64x1024xf32>
    %dot_general3A = arith.constant dense<0.000000e+00> : vector<128x64xf32>
    %dot_general3A_12 = tpu.matmul %get3A_3, %slice3A, %dot_general3A {dimension_numbers = #tpu.dot_dimension_numbers<[1], [1], [0], [0], [0, 0, 1, 0], [], []>, transpose_lhs_hint = false} : vector<128x1024xf32>, vector<64x1024xf32>, vector<128x64xf32> -> vector<128x64xf32>
    %slice3A_13 = vector.extract_strided_slice %get3A_11 {offsets = [0, 1024], sizes = [64, 1024], strides = [1, 1]} : vector<64x2048xf32> to vector<64x1024xf32>
    %dot_general3A_14 = arith.constant dense<0.000000e+00> : vector<128x64xf32>
    %dot_general3A_15 = tpu.matmul %get3A_8, %slice3A_13, %dot_general3A_14 {dimension_numbers = #tpu.dot_dimension_numbers<[1], [1], [0], [0], [0, 0, 1, 0], [], []>, transpose_lhs_hint = false} : vector<128x1024xf32>, vector<64x1024xf32>, vector<128x64xf32> -> vector<128x64xf32>
    %add3A = arith.addf %dot_general3A_12, %dot_general3A_15 : vector<128x64xf32>
    %get3A_16 = arith.constant 0 : index
    %get3A_17 = vector.load %arg4[%get3A_16] : memref<64xf32, #tpu.memory_space<vmem>>, vector<64xf32>
    %broadcast_in_dim3A = vector.shape_cast %get3A_17 : vector<64xf32> to vector<1x64xf32>
    %add3A_18 = vector.broadcast %broadcast_in_dim3A : vector<1x64xf32> to vector<128x64xf32>
    %add3A_19 = arith.addf %add3A, %add3A_18 : vector<128x64xf32>
    %mul3A = arith.mulf %add3A_19, %add3A_19 : vector<128x64xf32>
    %reduce_sum3A = arith.constant dense<0.000000e+00> : vector<128xf32>
    %reduce_sum3A_20 = vector.multi_reduction <add>, %mul3A, %reduce_sum3A [1] : vector<128x64xf32> to vector<128xf32>
    %broadcast_in_dim3A_21 = vector.shape_cast %reduce_sum3A_20 : vector<128xf32> to vector<128x1xf32>
    %add3A_22 = arith.constant 9.99999996E-13 : f32
    %add3A_23 = vector.broadcast %add3A_22 : f32 to vector<128x1xf32>
    %add3A_24 = arith.addf %broadcast_in_dim3A_21, %add3A_23 : vector<128x1xf32>
    %rsqrt3A = math.rsqrt %add3A_24 : vector<128x1xf32>
    %mul3A_25 = vector.broadcast %rsqrt3A : vector<128x1xf32> to vector<128x64xf32>
    %mul3A_26 = arith.mulf %add3A_19, %mul3A_25 : vector<128x64xf32>
    %swap3A = arith.constant 0 : index
    %swap3A_27 = arith.constant 0 : index
    %swap3A_28 = arith.constant 0 : index
    %swap3A_29 = vector.load %arg7[%swap3A, %swap3A_27, %swap3A_28] : memref<1x128x64xf32, #tpu.memory_space<vmem>>, vector<1x128x64xf32>
    %swap3A_30 = vector.shape_cast %swap3A_29 : vector<1x128x64xf32> to vector<128x64xf32>
    %swap3A_31 = vector.shape_cast %mul3A_26 : vector<128x64xf32> to vector<1x128x64xf32>
    tpu.vector_store %arg7[%swap3A, %swap3A_27, %swap3A_28], %swap3A_31 {strides = array<i32>} : memref<1x128x64xf32, #tpu.memory_space<vmem>>, vector<1x128x64xf32>,
    %get3A_32 = arith.constant 0 : index
    %get3A_33 = arith.constant 0 : index
    %get3A_34 = vector.load %arg5[%get3A_32, %get3A_33] : memref<64x1024xf32, #tpu.memory_space<vmem>>, vector<64x1024xf32>
    %dot_general3A_35 = arith.constant dense<0.000000e+00> : vector<128x64xf32>
    %dot_general3A_36 = tpu.matmul %get3A_3, %get3A_34, %dot_general3A_35 {dimension_numbers = #tpu.dot_dimension_numbers<[1], [1], [0], [0], [0, 0, 1, 0], [], []>, transpose_lhs_hint = false} : vector<128x1024xf32>, vector<64x1024xf32>, vector<128x64xf32> -> vector<128x64xf32>
    %get3A_37 = arith.constant 0 : index
    %get3A_38 = vector.load %arg6[%get3A_37] : memref<64xf32, #tpu.memory_space<vmem>>, vector<64xf32>
    %broadcast_in_dim3A_39 = vector.shape_cast %get3A_38 : vector<64xf32> to vector<1x64xf32>
    %add3A_40 = vector.broadcast %broadcast_in_dim3A_39 : vector<1x64xf32> to vector<128x64xf32>
    %add3A_41 = arith.addf %dot_general3A_36, %add3A_40 : vector<128x64xf32>
    %swap3A_42 = arith.constant 0 : index
    %swap3A_43 = arith.constant 0 : index
    %swap3A_44 = arith.constant 0 : index
    %swap3A_45 = vector.load %arg8[%swap3A_42, %swap3A_43, %swap3A_44] : memref<1x128x64xf32, #tpu.memory_space<vmem>>, vector<1x128x64xf32>
    %swap3A_46 = vector.shape_cast %swap3A_45 : vector<1x128x64xf32> to vector<128x64xf32>
    %swap3A_47 = vector.shape_cast %add3A_41 : vector<128x64xf32> to vector<1x128x64xf32>
    tpu.vector_store %arg8[%swap3A_42, %swap3A_43, %swap3A_44], %swap3A_47 {strides = array<i32>} : memref<1x128x64xf32, #tpu.memory_space<vmem>>, vector<1x128x64xf32>,
    return
  }
  func.func @transform_0(%arg0: i32) -> (i32, i32, i32) {
    %c0_i32 = arith.constant 0 : i32
    %c0_i32_0 = arith.constant 0 : i32
    %c0_i32_1 = arith.constant 0 : i32
    return %arg0, %c0_i32, %c0_i32_0 : i32, i32, i32
  }
  func.func @transform_1(%arg0: i32) -> (i32, i32, i32) {
    %c0_i32 = arith.constant 0 : i32
    %c0_i32_0 = arith.constant 0 : i32
    %c0_i32_1 = arith.constant 0 : i32
    return %arg0, %c0_i32, %c0_i32_0 : i32, i32, i32
  }
  func.func @transform_2(%arg0: i32) -> (i32, i32) {
    %c0_i32 = arith.constant 0 : i32
    %c0_i32_0 = arith.constant 0 : i32
    %c0_i32_1 = arith.constant 0 : i32
    return %c0_i32, %c0_i32_0 : i32, i32
  }
  func.func @transform_3(%arg0: i32) -> i32 {
    %c0_i32 = arith.constant 0 : i32
    %c0_i32_0 = arith.constant 0 : i32
    return %c0_i32 : i32
  }
  func.func @transform_4(%arg0: i32) -> (i32, i32) {
    %c0_i32 = arith.constant 0 : i32
    %c0_i32_0 = arith.constant 0 : i32
    %c0_i32_1 = arith.constant 0 : i32
    return %c0_i32, %c0_i32_0 : i32, i32
  }
  func.func @transform_5(%arg0: i32) -> i32 {
    %c0_i32 = arith.constant 0 : i32
    %c0_i32_0 = arith.constant 0 : i32
    return %c0_i32 : i32
  }
  func.func @transform_6(%arg0: i32) -> (i32, i32, i32) {
    %c0_i32 = arith.constant 0 : i32
    %c0_i32_0 = arith.constant 0 : i32
    %c0_i32_1 = arith.constant 0 : i32
    return %arg0, %c0_i32, %c0_i32_0 : i32, i32, i32
  }
  func.func @transform_7(%arg0: i32) -> (i32, i32, i32) {
    %c0_i32 = arith.constant 0 : i32
    %c0_i32_0 = arith.constant 0 : i32
    %c0_i32_1 = arith.constant 0 : i32
    return %arg0, %c0_i32, %c0_i32_0 : i32, i32, i32
  }
}

module attributes {stable_mosaic.version = 14 : i64} {
  func.func @_chunk_topk_body(%arg0: i32, %arg1: memref<1x128x896xf32, #tpu.memory_space<vmem>>, %arg2: memref<1x128x32xi32, #tpu.memory_space<vmem>>) attributes {dimension_semantics = [#tpu.dimension_semantics<arbitrary>], iteration_bounds = array<i64: 4>, scalar_prefetch = 0 : i64, scratch_operands = 0 : i64, tpu.core_type = #tpu.core_type<tc>, window_params = [{transform_indices = @transform_0, window_bounds = array<i64: 1, 128, 896>}, {transform_indices = @transform_1, window_bounds = array<i64: 1, 128, 32>}]} {
    %get3A = arith.constant 0 : index
    %get3A_0 = arith.constant 0 : index
    %get3A_1 = arith.constant 0 : index
    %get3A_2 = vector.load %arg1[%get3A, %get3A_0, %get3A_1] : memref<1x128x896xf32, #tpu.memory_space<vmem>>, vector<1x128x896xf32>
    %get3A_3 = vector.shape_cast %get3A_2 : vector<1x128x896xf32> to vector<128x896xf32>
    %iota3A = tpu.iota {dimensions = array<i32: 1>} : vector<128x896xi32>
    %iota3A_4 = tpu.iota {dimensions = array<i32: 1>} : vector<128x32xi32>
    %broadcast_in_dim3A = arith.constant 0 : i32
    %broadcast_in_dim3A_5 = vector.broadcast %broadcast_in_dim3A : i32 to vector<128x32xi32>
    %reduce_max3A = arith.constant dense<0xFF800000> : vector<128xf32>
    %reduce_max3A_6 = vector.multi_reduction <maximumf>, %get3A_3, %reduce_max3A [1] : vector<128x896xf32> to vector<128xf32>
    %broadcast_in_dim3A_7 = vector.shape_cast %reduce_max3A_6 : vector<128xf32> to vector<128x1xf32>
    %scan3A = arith.constant 0 : i32
    %scan3A_8 = arith.constant 32 : i32
    %scan3A_9 = arith.addi %scan3A, %scan3A_8 : i32
    %scan3A_10 = arith.constant 1 : i32
    %scan3A_11:3 = scf.for %scan3A_18 = %scan3A to %scan3A_9 step %scan3A_10 iter_args(%scan3A_19 = %get3A_3, %scan3A_20 = %broadcast_in_dim3A_7, %scan3A_21 = %broadcast_in_dim3A_5) -> (vector<128x896xf32>, vector<128x1xf32>, vector<128x32xi32>)  : i32 {
      %ge3A = vector.broadcast %scan3A_20 : vector<128x1xf32> to vector<128x896xf32>
      %ge3A_22 = arith.cmpf oge, %scan3A_19, %ge3A : vector<128x896xf32>
      %jit3A = arith.constant 2147483647 : i32
      %broadcast_in_dim3A_23 = vector.broadcast %jit3A : i32 to vector<128x896xi32>
      %select_n3A = arith.select %ge3A_22, %iota3A, %broadcast_in_dim3A_23 : vector<128x896xi1>, vector<128x896xi32>
      %reduce_min3A = arith.constant dense<2147483647> : vector<128xi32>
      %reduce_min3A_24 = vector.multi_reduction <minsi>, %select_n3A, %reduce_min3A [1] : vector<128x896xi32> to vector<128xi32>
      %broadcast_in_dim3A_25 = vector.shape_cast %reduce_min3A_24 : vector<128xi32> to vector<128x1xi32>
      %eq3A = vector.broadcast %broadcast_in_dim3A_25 : vector<128x1xi32> to vector<128x896xi32>
      %eq3A_26 = arith.cmpi eq, %iota3A, %eq3A : vector<128x896xi32>
      %jit3A_27 = arith.constant -3.000000e+38 : f32
      %broadcast_in_dim3A_28 = vector.broadcast %jit3A_27 : f32 to vector<128x896xf32>
      %select_n3A_29 = arith.select %eq3A_26, %broadcast_in_dim3A_28, %scan3A_19 : vector<128x896xi1>, vector<128x896xf32>
      %eq3A_30 = vector.broadcast %scan3A_18 : i32 to vector<128x32xi32>
      %eq3A_31 = arith.cmpi eq, %iota3A_4, %eq3A_30 : vector<128x32xi32>
      %broadcast_in_dim3A_32 = vector.shape_cast %broadcast_in_dim3A_25 : vector<128x1xi32> to vector<128x1xi32>
      %broadcast_in_dim3A_33 = vector.broadcast %broadcast_in_dim3A_32 : vector<128x1xi32> to vector<128x32xi32>
      %select_n3A_34 = arith.select %eq3A_31, %broadcast_in_dim3A_33, %scan3A_21 : vector<128x32xi1>, vector<128x32xi32>
      %reduce_max3A_35 = arith.constant dense<0xFF800000> : vector<128xf32>
      %reduce_max3A_36 = vector.multi_reduction <maximumf>, %select_n3A_29, %reduce_max3A_35 [1] : vector<128x896xf32> to vector<128xf32>
      %broadcast_in_dim3A_37 = vector.shape_cast %reduce_max3A_36 : vector<128xf32> to vector<128x1xf32>
      scf.yield %select_n3A_29, %broadcast_in_dim3A_37, %select_n3A_34 : vector<128x896xf32>, vector<128x1xf32>, vector<128x32xi32>
    }
    %scan3A_12 = arith.constant 32 : i32
    %swap3A = arith.constant 0 : index
    %swap3A_13 = arith.constant 0 : index
    %swap3A_14 = arith.constant 0 : index
    %swap3A_15 = vector.load %arg2[%swap3A, %swap3A_13, %swap3A_14] : memref<1x128x32xi32, #tpu.memory_space<vmem>>, vector<1x128x32xi32>
    %swap3A_16 = vector.shape_cast %swap3A_15 : vector<1x128x32xi32> to vector<128x32xi32>
    %swap3A_17 = vector.shape_cast %scan3A_11#2 : vector<128x32xi32> to vector<1x128x32xi32>
    tpu.vector_store %arg2[%swap3A, %swap3A_13, %swap3A_14], %swap3A_17 {strides = array<i32>} : memref<1x128x32xi32, #tpu.memory_space<vmem>>, vector<1x128x32xi32>,
    return
  }
  func.func @transform_0(%arg0: i32) -> (i32, i32, i32) {
    %c0_i32 = arith.constant 0 : i32
    %c0_i32_0 = arith.constant 0 : i32
    %c0_i32_1 = arith.constant 0 : i32
    return %arg0, %c0_i32, %c0_i32_0 : i32, i32, i32
  }
  func.func @transform_1(%arg0: i32) -> (i32, i32, i32) {
    %c0_i32 = arith.constant 0 : i32
    %c0_i32_0 = arith.constant 0 : i32
    %c0_i32_1 = arith.constant 0 : i32
    return %arg0, %c0_i32, %c0_i32_0 : i32, i32, i32
  }
}

module attributes {stable_mosaic.version = 14 : i64} {
  func.func @_repack_v_body(%arg0: i32, %arg1: i32, %arg2: memref<1x64x8192xf32, #tpu.memory_space<vmem>>, %arg3: memref<1x4096x128xf32, #tpu.memory_space<vmem>>) attributes {dimension_semantics = [#tpu.dimension_semantics<arbitrary>, #tpu.dimension_semantics<arbitrary>], iteration_bounds = array<i64: 4, 13>, scalar_prefetch = 0 : i64, scratch_operands = 0 : i64, tpu.core_type = #tpu.core_type<tc>, window_params = [{transform_indices = @transform_0, window_bounds = array<i64: 1, 64, 8192>}, {transform_indices = @transform_1, window_bounds = array<i64: 1, 4096, 128>}]} {
    %get3A = arith.constant 0 : index
    %get3A_0 = arith.constant 0 : index
    %get3A_1 = arith.constant 0 : index
    %get3A_2 = vector.load %arg2[%get3A, %get3A_0, %get3A_1] : memref<1x64x8192xf32, #tpu.memory_space<vmem>>, vector<1x64x8192xf32>
    %get3A_3 = vector.shape_cast %get3A_2 : vector<1x64x8192xf32> to vector<64x8192xf32>
    %transpose3A = tpu.transpose %get3A_3, [1, 0] : vector<64x8192xf32> -> vector<8192x64xf32>
    %slice3A = vector.extract_strided_slice %transpose3A {offsets = [0, 0], sizes = [4096, 64], strides = [1, 1]} : vector<8192x64xf32> to vector<4096x64xf32>
    %slice3A_4 = vector.extract_strided_slice %transpose3A {offsets = [4096, 0], sizes = [4096, 64], strides = [1, 1]} : vector<8192x64xf32> to vector<4096x64xf32>
    %concatenate3A = tpu.concatenate %slice3A, %slice3A_4 in 1 : vector<4096x64xf32>, vector<4096x64xf32> -> vector<4096x128xf32>
    %swap3A = arith.constant 0 : index
    %swap3A_5 = arith.constant 0 : index
    %swap3A_6 = arith.constant 0 : index
    %swap3A_7 = vector.load %arg3[%swap3A, %swap3A_5, %swap3A_6] : memref<1x4096x128xf32, #tpu.memory_space<vmem>>, vector<1x4096x128xf32>
    %swap3A_8 = vector.shape_cast %swap3A_7 : vector<1x4096x128xf32> to vector<4096x128xf32>
    %swap3A_9 = vector.shape_cast %concatenate3A : vector<4096x128xf32> to vector<1x4096x128xf32>
    tpu.vector_store %arg3[%swap3A, %swap3A_5, %swap3A_6], %swap3A_9 {strides = array<i32>} : memref<1x4096x128xf32, #tpu.memory_space<vmem>>, vector<1x4096x128xf32>,
    return
  }
  func.func @transform_0(%arg0: i32, %arg1: i32) -> (i32, i32, i32) {
    %c0_i32 = arith.constant 0 : i32
    %c0_i32_0 = arith.constant 0 : i32
    return %arg0, %c0_i32, %arg1 : i32, i32, i32
  }
  func.func @transform_1(%arg0: i32, %arg1: i32) -> (i32, i32, i32) {
    %c0_i32 = arith.constant 0 : i32
    %c0_i32_0 = arith.constant 0 : i32
    return %arg0, %arg1, %c0_i32 : i32, i32, i32
  }
}

module attributes {stable_mosaic.version = 14 : i64} {
  func.func @_cand_topk_body(%arg0: i32, %arg1: memref<1x128x32x128xf32, #tpu.memory_space<vmem>>, %arg2: memref<1x128x32xi32, #tpu.memory_space<vmem>>, %arg3: memref<1x128x32xf32, #tpu.memory_space<vmem>>, %arg4: memref<1x128x32xi32, #tpu.memory_space<vmem>>) attributes {dimension_semantics = [#tpu.dimension_semantics<arbitrary>], iteration_bounds = array<i64: 4>, scalar_prefetch = 0 : i64, scratch_operands = 0 : i64, tpu.core_type = #tpu.core_type<tc>, window_params = [{transform_indices = @transform_0, window_bounds = array<i64: 1, 128, 32, 128>}, {transform_indices = @transform_1, window_bounds = array<i64: 1, 128, 32>}, {transform_indices = @transform_2, window_bounds = array<i64: 1, 128, 32>}, {transform_indices = @transform_3, window_bounds = array<i64: 1, 128, 32>}]} {
    %get3A = arith.constant 0 : index
    %get3A_0 = arith.constant 0 : index
    %get3A_1 = arith.constant 0 : index
    %get3A_2 = arith.constant 0 : index
    %get3A_3 = vector.load %arg1[%get3A, %get3A_0, %get3A_1, %get3A_2] : memref<1x128x32x128xf32, #tpu.memory_space<vmem>>, vector<1x128x32x128xf32>
    %get3A_4 = vector.shape_cast %get3A_3 : vector<1x128x32x128xf32> to vector<128x32x128xf32>
    %get3A_5 = arith.constant 0 : index
    %get3A_6 = arith.constant 0 : index
    %get3A_7 = arith.constant 0 : index
    %get3A_8 = vector.load %arg2[%get3A_5, %get3A_6, %get3A_7] : memref<1x128x32xi32, #tpu.memory_space<vmem>>, vector<1x128x32xi32>
    %get3A_9 = vector.shape_cast %get3A_8 : vector<1x128x32xi32> to vector<128x32xi32>
    %broadcast_in_dim3A = vector.shape_cast %get3A_9 : vector<128x32xi32> to vector<128x32x1xi32>
    %mul3A = arith.constant 128 : i32
    %mul3A_10 = vector.broadcast %mul3A : i32 to vector<128x32x1xi32>
    %mul3A_11 = arith.muli %broadcast_in_dim3A, %mul3A_10 : vector<128x32x1xi32>
    %iota3A = tpu.iota {dimensions = array<i32: 2>} : vector<128x32x128xi32>
    %add3A = vector.broadcast %mul3A_11 : vector<128x32x1xi32> to vector<128x32x128xi32>
    %add3A_12 = arith.addi %add3A, %iota3A : vector<128x32x128xi32>
    %iota3A_13 = tpu.iota {dimensions = array<i32: 1>} : vector<128x32xi32>
    %broadcast_in_dim3A_14 = arith.constant -3.000000e+38 : f32
    %broadcast_in_dim3A_15 = vector.broadcast %broadcast_in_dim3A_14 : f32 to vector<128x32xf32>
    %broadcast_in_dim3A_16 = arith.constant 0 : i32
    %broadcast_in_dim3A_17 = vector.broadcast %broadcast_in_dim3A_16 : i32 to vector<128x32xi32>
    %reduce_max3A = arith.constant dense<0xFF800000> : vector<128xf32>
    %reduce_max3A_18 = vector.multi_reduction <maximumf>, %get3A_4, %reduce_max3A [1, 2] : vector<128x32x128xf32> to vector<128xf32>
    %broadcast_in_dim3A_19 = vector.shape_cast %reduce_max3A_18 : vector<128xf32> to vector<128x1x1xf32>
    %squeeze3A = vector.shape_cast %broadcast_in_dim3A_19 : vector<128x1x1xf32> to vector<128x1xf32>
    %scan3A = arith.constant 0 : i32
    %scan3A_20 = arith.constant 32 : i32
    %scan3A_21 = arith.addi %scan3A, %scan3A_20 : i32
    %scan3A_22 = arith.constant 1 : i32
    %scan3A_23:4 = scf.for %scan3A_36 = %scan3A to %scan3A_21 step %scan3A_22 iter_args(%scan3A_37 = %get3A_4, %scan3A_38 = %squeeze3A, %scan3A_39 = %broadcast_in_dim3A_15, %scan3A_40 = %broadcast_in_dim3A_17) -> (vector<128x32x128xf32>, vector<128x1xf32>, vector<128x32xf32>, vector<128x32xi32>)  : i32 {
      %broadcast_in_dim3A_41 = vector.shape_cast %scan3A_38 : vector<128x1xf32> to vector<128x1x1xf32>
      %ge3A = vector.broadcast %broadcast_in_dim3A_41 : vector<128x1x1xf32> to vector<128x32x128xf32>
      %ge3A_42 = arith.cmpf oge, %scan3A_37, %ge3A : vector<128x32x128xf32>
      %jit3A = arith.constant 2147483647 : i32
      %broadcast_in_dim3A_43 = vector.broadcast %jit3A : i32 to vector<128x32x128xi32>
      %select_n3A = arith.select %ge3A_42, %add3A_12, %broadcast_in_dim3A_43 : vector<128x32x128xi1>, vector<128x32x128xi32>
      %reduce_min3A = arith.constant dense<2147483647> : vector<128xi32>
      %reduce_min3A_44 = vector.multi_reduction <minsi>, %select_n3A, %reduce_min3A [1, 2] : vector<128x32x128xi32> to vector<128xi32>
      %broadcast_in_dim3A_45 = vector.shape_cast %reduce_min3A_44 : vector<128xi32> to vector<128x1x1xi32>
      %squeeze3A_46 = vector.shape_cast %broadcast_in_dim3A_45 : vector<128x1x1xi32> to vector<128x1xi32>
      %broadcast_in_dim3A_47 = vector.shape_cast %squeeze3A_46 : vector<128x1xi32> to vector<128x1x1xi32>
      %eq3A = vector.broadcast %broadcast_in_dim3A_47 : vector<128x1x1xi32> to vector<128x32x128xi32>
      %eq3A_48 = arith.cmpi eq, %add3A_12, %eq3A : vector<128x32x128xi32>
      %jit3A_49 = arith.constant -3.000000e+38 : f32
      %broadcast_in_dim3A_50 = vector.broadcast %jit3A_49 : f32 to vector<128x32x128xf32>
      %select_n3A_51 = arith.select %eq3A_48, %broadcast_in_dim3A_50, %scan3A_37 : vector<128x32x128xi1>, vector<128x32x128xf32>
      %eq3A_52 = vector.broadcast %scan3A_36 : i32 to vector<128x32xi32>
      %eq3A_53 = arith.cmpi eq, %iota3A_13, %eq3A_52 : vector<128x32xi32>
      %broadcast_in_dim3A_54 = vector.shape_cast %scan3A_38 : vector<128x1xf32> to vector<128x1xf32>
      %broadcast_in_dim3A_55 = vector.broadcast %broadcast_in_dim3A_54 : vector<128x1xf32> to vector<128x32xf32>
      %select_n3A_56 = arith.select %eq3A_53, %broadcast_in_dim3A_55, %scan3A_39 : vector<128x32xi1>, vector<128x32xf32>
      %broadcast_in_dim3A_57 = vector.shape_cast %squeeze3A_46 : vector<128x1xi32> to vector<128x1xi32>
      %broadcast_in_dim3A_58 = vector.broadcast %broadcast_in_dim3A_57 : vector<128x1xi32> to vector<128x32xi32>
      %select_n3A_59 = arith.select %eq3A_53, %broadcast_in_dim3A_58, %scan3A_40 : vector<128x32xi1>, vector<128x32xi32>
      %reduce_max3A_60 = arith.constant dense<0xFF800000> : vector<128xf32>
      %reduce_max3A_61 = vector.multi_reduction <maximumf>, %select_n3A_51, %reduce_max3A_60 [1, 2] : vector<128x32x128xf32> to vector<128xf32>
      %broadcast_in_dim3A_62 = vector.shape_cast %reduce_max3A_61 : vector<128xf32> to vector<128x1x1xf32>
      %squeeze3A_63 = vector.shape_cast %broadcast_in_dim3A_62 : vector<128x1x1xf32> to vector<128x1xf32>
      scf.yield %select_n3A_51, %squeeze3A_63, %select_n3A_56, %select_n3A_59 : vector<128x32x128xf32>, vector<128x1xf32>, vector<128x32xf32>, vector<128x32xi32>
    }
    %scan3A_24 = arith.constant 32 : i32
    %swap3A = arith.constant 0 : index
    %swap3A_25 = arith.constant 0 : index
    %swap3A_26 = arith.constant 0 : index
    %swap3A_27 = vector.load %arg3[%swap3A, %swap3A_25, %swap3A_26] : memref<1x128x32xf32, #tpu.memory_space<vmem>>, vector<1x128x32xf32>
    %swap3A_28 = vector.shape_cast %swap3A_27 : vector<1x128x32xf32> to vector<128x32xf32>
    %swap3A_29 = vector.shape_cast %scan3A_23#2 : vector<128x32xf32> to vector<1x128x32xf32>
    tpu.vector_store %arg3[%swap3A, %swap3A_25, %swap3A_26], %swap3A_29 {strides = array<i32>} : memref<1x128x32xf32, #tpu.memory_space<vmem>>, vector<1x128x32xf32>,
    %swap3A_30 = arith.constant 0 : index
    %swap3A_31 = arith.constant 0 : index
    %swap3A_32 = arith.constant 0 : index
    %swap3A_33 = vector.load %arg4[%swap3A_30, %swap3A_31, %swap3A_32] : memref<1x128x32xi32, #tpu.memory_space<vmem>>, vector<1x128x32xi32>
    %swap3A_34 = vector.shape_cast %swap3A_33 : vector<1x128x32xi32> to vector<128x32xi32>
    %swap3A_35 = vector.shape_cast %scan3A_23#3 : vector<128x32xi32> to vector<1x128x32xi32>
    tpu.vector_store %arg4[%swap3A_30, %swap3A_31, %swap3A_32], %swap3A_35 {strides = array<i32>} : memref<1x128x32xi32, #tpu.memory_space<vmem>>, vector<1x128x32xi32>,
    return
  }
  func.func @transform_0(%arg0: i32) -> (i32, i32, i32, i32) {
    %c0_i32 = arith.constant 0 : i32
    %c0_i32_0 = arith.constant 0 : i32
    %c0_i32_1 = arith.constant 0 : i32
    %c0_i32_2 = arith.constant 0 : i32
    return %arg0, %c0_i32, %c0_i32_0, %c0_i32_1 : i32, i32, i32, i32
  }
  func.func @transform_1(%arg0: i32) -> (i32, i32, i32) {
    %c0_i32 = arith.constant 0 : i32
    %c0_i32_0 = arith.constant 0 : i32
    %c0_i32_1 = arith.constant 0 : i32
    return %arg0, %c0_i32, %c0_i32_0 : i32, i32, i32
  }
  func.func @transform_2(%arg0: i32) -> (i32, i32, i32) {
    %c0_i32 = arith.constant 0 : i32
    %c0_i32_0 = arith.constant 0 : i32
    %c0_i32_1 = arith.constant 0 : i32
    return %arg0, %c0_i32, %c0_i32_0 : i32, i32, i32
  }
  func.func @transform_3(%arg0: i32) -> (i32, i32, i32) {
    %c0_i32 = arith.constant 0 : i32
    %c0_i32_0 = arith.constant 0 : i32
    %c0_i32_1 = arith.constant 0 : i32
    return %arg0, %c0_i32, %c0_i32_0 : i32, i32, i32
  }
}

module attributes {stable_mosaic.version = 14 : i64} {
  func.func @_combine_body(%arg0: i32, %arg1: memref<1x128x64xf32, #tpu.memory_space<vmem>>, %arg2: memref<1x128x32x128xf32, #tpu.memory_space<vmem>>, %arg3: memref<1x128x32xf32, #tpu.memory_space<vmem>>, %arg4: memref<1x128x32xi32, #tpu.memory_space<vmem>>, %arg5: memref<1024x64xf32, #tpu.memory_space<vmem>>, %arg6: memref<1024xf32, #tpu.memory_space<vmem>>, %arg7: memref<1x128x1024xf32, #tpu.memory_space<vmem>>) attributes {dimension_semantics = [#tpu.dimension_semantics<arbitrary>], iteration_bounds = array<i64: 4>, scalar_prefetch = 0 : i64, scratch_operands = 0 : i64, tpu.core_type = #tpu.core_type<tc>, window_params = [{transform_indices = @transform_0, window_bounds = array<i64: 1, 128, 64>}, {transform_indices = @transform_1, window_bounds = array<i64: 1, 128, 32, 128>}, {transform_indices = @transform_2, window_bounds = array<i64: 1, 128, 32>}, {transform_indices = @transform_3, window_bounds = array<i64: 1, 128, 32>}, {pipeline_mode = #tpu.pipeline_mode<synchronous>, transform_indices = @transform_4, window_bounds = array<i64: 1024, 64>}, {pipeline_mode = #tpu.pipeline_mode<synchronous>, transform_indices = @transform_5, window_bounds = array<i64: 1024>}, {transform_indices = @transform_6, window_bounds = array<i64: 1, 128, 1024>}]} {
    %get3A = arith.constant 0 : index
    %get3A_0 = arith.constant 0 : index
    %get3A_1 = arith.constant 0 : index
    %get3A_2 = vector.load %arg1[%get3A, %get3A_0, %get3A_1] : memref<1x128x64xf32, #tpu.memory_space<vmem>>, vector<1x128x64xf32>
    %get3A_3 = vector.shape_cast %get3A_2 : vector<1x128x64xf32> to vector<128x64xf32>
    %get3A_4 = arith.constant 0 : index
    %get3A_5 = arith.constant 0 : index
    %get3A_6 = arith.constant 0 : index
    %get3A_7 = arith.constant 0 : index
    %get3A_8 = vector.load %arg2[%get3A_4, %get3A_5, %get3A_6, %get3A_7] : memref<1x128x32x128xf32, #tpu.memory_space<vmem>>, vector<1x128x32x128xf32>
    %get3A_9 = vector.shape_cast %get3A_8 : vector<1x128x32x128xf32> to vector<128x32x128xf32>
    %get3A_10 = arith.constant 0 : index
    %get3A_11 = arith.constant 0 : index
    %get3A_12 = arith.constant 0 : index
    %get3A_13 = vector.load %arg3[%get3A_10, %get3A_11, %get3A_12] : memref<1x128x32xf32, #tpu.memory_space<vmem>>, vector<1x128x32xf32>
    %get3A_14 = vector.shape_cast %get3A_13 : vector<1x128x32xf32> to vector<128x32xf32>
    %get3A_15 = arith.constant 0 : index
    %get3A_16 = arith.constant 0 : index
    %get3A_17 = arith.constant 0 : index
    %get3A_18 = vector.load %arg4[%get3A_15, %get3A_16, %get3A_17] : memref<1x128x32xi32, #tpu.memory_space<vmem>>, vector<1x128x32xi32>
    %get3A_19 = vector.shape_cast %get3A_18 : vector<1x128x32xi32> to vector<128x32xi32>
    %shift_right_logical3A = arith.constant 12 : i32
    %shift_right_logical3A_20 = vector.broadcast %shift_right_logical3A : i32 to vector<128x32xi32>
    %shift_right_logical3A_21 = arith.shrui %get3A_19, %shift_right_logical3A_20 : vector<128x32xi32>
    %and3A = arith.constant 1 : i32
    %and3A_22 = vector.broadcast %and3A : i32 to vector<128x32xi32>
    %and3A_23 = arith.andi %shift_right_logical3A_21, %and3A_22 : vector<128x32xi32>
    %broadcast_in_dim3A = vector.shape_cast %and3A_23 : vector<128x32xi32> to vector<128x32x1xi32>
    %eq3A = arith.constant 1 : i32
    %eq3A_24 = vector.broadcast %eq3A : i32 to vector<128x32x1xi32>
    %eq3A_25 = arith.cmpi eq, %broadcast_in_dim3A, %eq3A_24 : vector<128x32x1xi32>
    %slice3A = vector.extract_strided_slice %get3A_9 {offsets = [0, 0, 64], sizes = [128, 32, 64], strides = [1, 1, 1]} : vector<128x32x128xf32> to vector<128x32x64xf32>
    %slice3A_26 = vector.extract_strided_slice %get3A_9 {offsets = [0, 0, 0], sizes = [128, 32, 64], strides = [1, 1, 1]} : vector<128x32x128xf32> to vector<128x32x64xf32>
    %broadcast_in_dim3A_27 = vector.shape_cast %eq3A_25 : vector<128x32x1xi1> to vector<128x32x1xi1>
    %broadcast_in_dim3A_28 = vector.broadcast %broadcast_in_dim3A_27 : vector<128x32x1xi1> to vector<128x32x64xi1>
    %select_n3A = arith.select %broadcast_in_dim3A_28, %slice3A, %slice3A_26 : vector<128x32x64xi1>, vector<128x32x64xf32>
    %broadcast_in_dim3A_29 = vector.shape_cast %get3A_3 : vector<128x64xf32> to vector<128x1x64xf32>
    %mul3A = vector.broadcast %broadcast_in_dim3A_29 : vector<128x1x64xf32> to vector<128x32x64xf32>
    %mul3A_30 = arith.mulf %mul3A, %select_n3A : vector<128x32x64xf32>
    %reduce_sum3A = arith.constant dense<0.000000e+00> : vector<128x32xf32>
    %reduce_sum3A_31 = vector.multi_reduction <add>, %mul3A_30, %reduce_sum3A [2] : vector<128x32x64xf32> to vector<128x32xf32>
    %mul3A_32 = arith.constant 1.250000e-01 : f32
    %mul3A_33 = vector.broadcast %mul3A_32 : f32 to vector<128x32xf32>
    %mul3A_34 = arith.mulf %reduce_sum3A_31, %mul3A_33 : vector<128x32xf32>
    %lt3A = arith.constant -1.000000e+29 : f32
    %lt3A_35 = vector.broadcast %lt3A : f32 to vector<128x32xf32>
    %lt3A_36 = arith.cmpf olt, %get3A_14, %lt3A_35 : vector<128x32xf32>
    %add3A = arith.addf %mul3A_34, %get3A_14 : vector<128x32xf32>
    %jit3A = arith.constant -3.000000e+38 : f32
    %broadcast_in_dim3A_37 = vector.broadcast %jit3A : f32 to vector<128x32xf32>
    %select_n3A_38 = arith.select %lt3A_36, %broadcast_in_dim3A_37, %add3A : vector<128x32xi1>, vector<128x32xf32>
    %reduce_max3A = arith.constant dense<0xFF800000> : vector<128xf32>
    %reduce_max3A_39 = vector.multi_reduction <maximumf>, %select_n3A_38, %reduce_max3A [1] : vector<128x32xf32> to vector<128xf32>
    %broadcast_in_dim3A_40 = vector.shape_cast %reduce_max3A_39 : vector<128xf32> to vector<128x1xf32>
    %sub3A = vector.broadcast %broadcast_in_dim3A_40 : vector<128x1xf32> to vector<128x32xf32>
    %sub3A_41 = arith.subf %select_n3A_38, %sub3A : vector<128x32xf32>
    %exp3A = math.exp %sub3A_41 : vector<128x32xf32>
    %jit3A_42 = arith.constant 0.000000e+00 : f32
    %broadcast_in_dim3A_43 = vector.broadcast %jit3A_42 : f32 to vector<128x32xf32>
    %select_n3A_44 = arith.select %lt3A_36, %broadcast_in_dim3A_43, %exp3A : vector<128x32xi1>, vector<128x32xf32>
    %reduce_sum3A_45 = arith.constant dense<0.000000e+00> : vector<128xf32>
    %reduce_sum3A_46 = vector.multi_reduction <add>, %select_n3A_44, %reduce_sum3A_45 [1] : vector<128x32xf32> to vector<128xf32>
    %broadcast_in_dim3A_47 = vector.shape_cast %reduce_sum3A_46 : vector<128xf32> to vector<128x1xf32>
    %max3A = arith.constant 1.000000e-30 : f32
    %max3A_48 = vector.broadcast %max3A : f32 to vector<128x1xf32>
    %max3A_49 = arith.maximumf %broadcast_in_dim3A_47, %max3A_48 : vector<128x1xf32>
    %div3A = vector.broadcast %max3A_49 : vector<128x1xf32> to vector<128x32xf32>
    %div3A_50 = arith.divf %select_n3A_44, %div3A : vector<128x32xf32>
    %broadcast_in_dim3A_51 = vector.shape_cast %div3A_50 : vector<128x32xf32> to vector<128x32x1xf32>
    %mul3A_52 = vector.broadcast %broadcast_in_dim3A_51 : vector<128x32x1xf32> to vector<128x32x64xf32>
    %mul3A_53 = arith.mulf %mul3A_52, %select_n3A : vector<128x32x64xf32>
    %reduce_sum3A_54 = arith.constant dense<0.000000e+00> : vector<128x64xf32>
    %reduce_sum3A_55 = vector.multi_reduction <add>, %mul3A_53, %reduce_sum3A_54 [1] : vector<128x32x64xf32> to vector<128x64xf32>
    %get3A_56 = arith.constant 0 : index
    %get3A_57 = arith.constant 0 : index
    %get3A_58 = vector.load %arg5[%get3A_56, %get3A_57] : memref<1024x64xf32, #tpu.memory_space<vmem>>, vector<1024x64xf32>
    %dot_general3A = arith.constant dense<0.000000e+00> : vector<128x1024xf32>
    %dot_general3A_59 = tpu.matmul %reduce_sum3A_55, %get3A_58, %dot_general3A {dimension_numbers = #tpu.dot_dimension_numbers<[1], [1], [0], [0], [0, 0, 1, 0], [], []>, transpose_lhs_hint = false} : vector<128x64xf32>, vector<1024x64xf32>, vector<128x1024xf32> -> vector<128x1024xf32>
    %get3A_60 = arith.constant 0 : index
    %get3A_61 = vector.load %arg6[%get3A_60] : memref<1024xf32, #tpu.memory_space<vmem>>, vector<1024xf32>
    %broadcast_in_dim3A_62 = vector.shape_cast %get3A_61 : vector<1024xf32> to vector<1x1024xf32>
    %add3A_63 = vector.broadcast %broadcast_in_dim3A_62 : vector<1x1024xf32> to vector<128x1024xf32>
    %add3A_64 = arith.addf %dot_general3A_59, %add3A_63 : vector<128x1024xf32>
    %swap3A = arith.constant 0 : index
    %swap3A_65 = arith.constant 0 : index
    %swap3A_66 = arith.constant 0 : index
    %swap3A_67 = vector.load %arg7[%swap3A, %swap3A_65, %swap3A_66] : memref<1x128x1024xf32, #tpu.memory_space<vmem>>, vector<1x128x1024xf32>
    %swap3A_68 = vector.shape_cast %swap3A_67 : vector<1x128x1024xf32> to vector<128x1024xf32>
    %swap3A_69 = vector.shape_cast %add3A_64 : vector<128x1024xf32> to vector<1x128x1024xf32>
    tpu.vector_store %arg7[%swap3A, %swap3A_65, %swap3A_66], %swap3A_69 {strides = array<i32>} : memref<1x128x1024xf32, #tpu.memory_space<vmem>>, vector<1x128x1024xf32>,
    return
  }
  func.func @transform_0(%arg0: i32) -> (i32, i32, i32) {
    %c0_i32 = arith.constant 0 : i32
    %c0_i32_0 = arith.constant 0 : i32
    %c0_i32_1 = arith.constant 0 : i32
    return %arg0, %c0_i32, %c0_i32_0 : i32, i32, i32
  }
  func.func @transform_1(%arg0: i32) -> (i32, i32, i32, i32) {
    %c0_i32 = arith.constant 0 : i32
    %c0_i32_0 = arith.constant 0 : i32
    %c0_i32_1 = arith.constant 0 : i32
    %c0_i32_2 = arith.constant 0 : i32
    return %arg0, %c0_i32, %c0_i32_0, %c0_i32_1 : i32, i32, i32, i32
  }
  func.func @transform_2(%arg0: i32) -> (i32, i32, i32) {
    %c0_i32 = arith.constant 0 : i32
    %c0_i32_0 = arith.constant 0 : i32
    %c0_i32_1 = arith.constant 0 : i32
    return %arg0, %c0_i32, %c0_i32_0 : i32, i32, i32
  }
  func.func @transform_3(%arg0: i32) -> (i32, i32, i32) {
    %c0_i32 = arith.constant 0 : i32
    %c0_i32_0 = arith.constant 0 : i32
    %c0_i32_1 = arith.constant 0 : i32
    return %arg0, %c0_i32, %c0_i32_0 : i32, i32, i32
  }
  func.func @transform_4(%arg0: i32) -> (i32, i32) {
    %c0_i32 = arith.constant 0 : i32
    %c0_i32_0 = arith.constant 0 : i32
    %c0_i32_1 = arith.constant 0 : i32
    return %c0_i32, %c0_i32_0 : i32, i32
  }
  func.func @transform_5(%arg0: i32) -> i32 {
    %c0_i32 = arith.constant 0 : i32
    %c0_i32_0 = arith.constant 0 : i32
    return %c0_i32 : i32
  }
  func.func @transform_6(%arg0: i32) -> (i32, i32, i32) {
    %c0_i32 = arith.constant 0 : i32
    %c0_i32_0 = arith.constant 0 : i32
    %c0_i32_1 = arith.constant 0 : i32
    return %arg0, %c0_i32, %c0_i32_0 : i32, i32, i32
  }
}

</mosaic_0001>

<sc_bundles>
// kernel: kernel.10.cloned.1.call-start
scs
__scs_entry_jumppad:
0x0: {  	(pc) =	sbr.rel $0x88, $3  }
0x1: {  	(tag) =	ssettag $0x0;
	lr =	simm.s32 $0x1  }
0x2: {  	[smem:$0x3F96] =	sst lr;
	_ =	strace $0xD0000000  }
0x3: {  	_ = 	snop  }
0x4: {  	_ = 	snop  }
0x5: {  	_ = 	snop  }
0x6: {  	_ = 	snop  }
0x7: {  	_ = 	snop  }
__scs_overlays_trampoline_lowered:
0x8: {  	[smem:$0x3FA5] =	sst s0  }
0x9: {  	[smem:$0x3FA6] =	sst s1  }
0xa: {  	[smem:$0x3FA7] =	sst s2  }
0xb: {  	[smem:$0x3FA8] =	sst s3  }
0xc: {  	[smem:$0x3FA9] =	sst s4  }
0xd: {  	[smem:$0x3FAA] =	sst s5  }
0xe: {  	[smem:$0x3FAB] =	sst s6  }
0xf: {  	[smem:$0x3FAC] =	sst s7  }
0x10: {  	[smem:$0x3FAD] =	sst s8  }
0x11: {  	[smem:$0x3FAE] =	sst s9;
	s0 =	simm.s32 @!p0 $0x0  }
0x12: {  	s1 =	sld [smem:$0x3F94];
	s0 =	simm.s32 @p0 $0x1  }
0x13: {  	[smem:$0x3FAF] =	sst s0;
	s0 =	simm.s32 @!p1 $0x0  }
0x14: {  	s2 =	sld [smem:$0x3F93];
	s0 =	simm.s32 @p1 $0x1  }
0x15: {  	[smem:$0x3FB0] =	sst s0;
	s0 =	simm.s32 @!p2 $0x0  }
0x16: {  	s3 =	sld [smem:$0x3FDB];
	s0 =	simm.s32 @p2 $0x1  }
0x17: {  	s4 =	simm.s32 $0x1BF5;
	[smem:$0x3FB2] =	sst s0  }
0x18: {  	s0 =	sld [smem:$0x3F95];
	_ =	swait.ge [sflag:s4], $0x0  }
0x19: {  	s7 =	sld [smem:$0x3F96]  }
0x1a: {  	s8 =	sadd.s32 $0xFFFFE003, lr  }
0x1b: {  	s9 =	sadd.s32 $0xFFFFFEF7, lr;
	s5 =	simm.s32 $0xFFFFFFFF;
	p2 =	slt.u32 s8, $0xFFFFF086  }
0x1c: {  	p1 =	slt.u32 s9, $0xF7A;
	s5 =	simm.s32 @!p2 $0x0  }
0x1d: {  	s5 =	simm.s32 @p1 $0x1;
	p0 =	seq.s32 s7, s2  }
0x1e: {  	s7 =	smul.u32 @!p0 $0xF7A, s2;
	p2 =	seq.s32 @!p0 s5, $0x0  }
0x1f: {  	s9 =	smul.u32 $0xF7A, s1;
	s8 =	simm.s32 @!p0 $0x1BF5;
	p2 =	por !p2, p0  }
0x20: {  	[sflag:s8] =	ssyncset.s32 @!p0 $0xFFFFF086;
	s6 =	sadd.s32 @!p0 s3, s7;
	s7 =	simm.s32 @!p0 $0x108  }
0x21: {  	s3 =	sadd.s32 s3, s9;
	s6 =	sadd.s32 @!p0 $0x88, s6;
	s7 =	simm.s32 @p2 $0x1082  }
0x22: {  	[simem:s7], [sflag:s8] =	dma.local @!p0 [hbm:s6], $0xF7A  }
0x23: {  	s9 =	sor.u32 $0xD0000000, s2;
	s6 =	simm.s32 $0x108;
	_ =	swait.ge @!p0 [sflag:s8], $0x0  }
0x24: {  	s3 =	sadd.s32 $0x88, s3;
	s6 =	simm.s32 @!p1 $0x1082;
	[sflag:s4] =	ssyncset.s32 $0xFFFFF086  }
0x25: {  	[simem:s6], [sflag:s4] =	dma.local [hbm:s3], $0xF7A  }
0x26: {  	[smem:$0x3F96] =	sst s1;
	(tag) =	ssettag s2;
	_ =	strace s9  }
0x27: {  	s1 =	sld [smem:$0x3FA6]  }
0x28: {  	s2 =	sld [smem:$0x3FA7]  }
0x29: {  	s4 =	sld [smem:$0x3FA9]  }
0x2a: {  	p0 =	seq.s32 s5, $0x0;
	s5 =	sld [smem:$0x3FAA]  }
0x2b: {  	s6 =	sld [smem:$0x3FAB]  }
0x2c: {  	s7 =	sld [smem:$0x3FAC]  }
0x2d: {  	s3 =	simm.s32 $0x108;
	s8 =	sld [smem:$0x3FAD]  }
0x2e: {  	s3 =	simm.s32 @!p0 $0x1082;
	s9 =	sld [smem:$0x3FAE]  }
0x2f: {  	lr =	sadd.s32 s0, s3;
	s0 =	sld [smem:$0x3FA5]  }
0x30: {  	s3 =	sld [smem:$0x3FA8]  }
0x31: {  	[smem:$0x3FB1] =	sst s10  }
0x32: {  	s10 =	sld [smem:$0x3FAF];
	_ =	sdelay $0x3  }
0x33: {  	p0 =	seq.s32 s10, $0x1;
	s10 =	sld [smem:$0x3FB1];
	_ =	sdelay $0x3  }
0x34: {  	[smem:$0x3FB1] =	sst s10  }
0x35: {  	s10 =	sld [smem:$0x3FB0];
	_ =	sdelay $0x3  }
0x36: {  	p1 =	seq.s32 s10, $0x1;
	s10 =	sld [smem:$0x3FB1];
	_ =	sdelay $0x3  }
0x37: {  	[smem:$0x3FB1] =	sst s10  }
0x38: {  	s10 =	sld [smem:$0x3FB2]  }
0x39: {  	_ = 	snop;
	(pc) =	sbr.ind lr, $3  }
0x3a: {  	_ = 	snop  }
0x3b: {  	_ = 	snop  }
0x3c: {  	p2 =	seq.s32 s10, $0x1;
	s10 =	sld [smem:$0x3FB1]  }
0x3d: {  	_ =	shalt  }
0x3e: {  	_ =	shalt  }
0x3f: {  	_ =	shalt  }
0x40: {  	_ =	shalt  }
0x41: {  	_ =	shalt  }
0x42: {  	_ =	shalt  }
0x43: {  	_ =	shalt  }
0x44: {  	_ =	shalt  }
0x45: {  	_ =	shalt  }
0x46: {  	_ =	shalt  }
0x47: {  	_ =	shalt  }
0x48: {  	_ =	shalt  }
0x49: {  	_ =	shalt  }
0x4a: {  	_ =	shalt  }
0x4b: {  	_ =	shalt  }
0x4c: {  	_ =	shalt  }
0x4d: {  	_ =	shalt  }
0x4e: {  	_ =	shalt  }
0x4f: {  	_ =	shalt  }
0x50: {  	_ =	shalt  }
0x51: {  	_ =	shalt  }
0x52: {  	_ =	shalt  }
0x53: {  	_ =	shalt  }
0x54: {  	_ =	shalt  }
0x55: {  	_ =	shalt  }
0x56: {  	_ =	shalt  }
0x57: {  	_ =	shalt  }
0x58: {  	_ =	shalt  }
0x59: {  	_ =	shalt  }
0x5a: {  	_ =	shalt  }
0x5b: {  	_ =	shalt  }
0x5c: {  	_ =	shalt  }
0x5d: {  	_ =	shalt  }
0x5e: {  	_ =	shalt  }
0x5f: {  	_ =	shalt  }
0x60: {  	_ =	shalt  }
0x61: {  	_ =	shalt  }
0x62: {  	_ =	shalt  }
0x63: {  	_ =	shalt  }
0x64: {  	_ =	shalt  }
0x65: {  	_ =	shalt  }
0x66: {  	_ =	shalt  }
0x67: {  	_ =	shalt  }
0x68: {  	_ =	shalt  }
0x69: {  	_ =	shalt  }
0x6a: {  	_ =	shalt  }
0x6b: {  	_ =	shalt  }
0x6c: {  	_ =	shalt  }
0x6d: {  	_ =	shalt  }
0x6e: {  	_ =	shalt  }
0x6f: {  	_ =	shalt  }
0x70: {  	_ =	shalt  }
0x71: {  	_ =	shalt  }
0x72: {  	_ =	shalt  }
0x73: {  	_ =	shalt  }
0x74: {  	_ =	shalt  }
0x75: {  	_ =	shalt  }
0x76: {  	_ =	shalt  }
0x77: {  	_ =	shalt  }
0x78: {  	_ =	shalt  }
0x79: {  	_ =	shalt  }
0x7a: {  	_ =	shalt  }
0x7b: {  	_ =	shalt  }
0x7c: {  	_ =	shalt  }
0x7d: {  	_ =	shalt  }
0x7e: {  	_ =	shalt  }
0x7f: {  	_ =	shalt  }
0x80: {  	_ =	shalt  }
0x81: {  	_ =	shalt  }
0x82: {  	_ =	shalt  }
0x83: {  	_ =	shalt  }
0x84: {  	_ =	shalt  }
0x85: {  	_ =	shalt  }
0x86: {  	_ =	shalt  }
0x87: {  	_ =	shalt  }
.Lfunc_end0:
.L_simem_size_0:
called_computation_lowered:
.L_overlay_start_0:
0x88: {  	s2 =	sld [smem:$0x3FD9]  }
0x89: {  	s3 =	sld [smem:$0x3FFE];
	_ =	sdelay $0x1  }
0x8a: {  	s1 =	srdreg.scid  }
0x8b: {  	s0 =	sand.u32 $0x1, s1  }
0x8c: {  	s16 =	sshll.u32 s0, $0xA;
	s2 =	sadd.s32 s3, s2  }
0x8d: {  	s2 =	sadd.s32 s2, s16  }
0x8e: {  	[smem:$0x3FBD] =	sst s2  }
0x8f: {  	_ = 	snop  }
0x90: {  	(tm) =	ssettm $0x1  }
0x91: {  	s17 =	sld [smem:$0x3FFB];
	_ =	sdelay $0x3  }
0x92: {  	_ =	strace s17  }
0x93: {  	s2 =	sld [smem:$0x3FFC];
	_ =	sdelay $0x3  }
0x94: {  	_ =	strace s2  }
0x95: {  	s2 =	sld [smem:$0x3FFD];
	_ =	sdelay $0x3  }
0x96: {  	_ =	strace s2  }
0x97: {  	_ =	strace $0x8FFFFFFF  }
0x98: {  	s18 =	sld [smem:$0x3FDB];
	_ =	sdelay $0x1  }
0x99: {  	s19 =	simm.s32 $_scs_section_size  }
0x9a: {  	s4 =	simm.s32 $_size__tile_overlayer_lowered;
	s5 =	simm.s32 $_tile_overlayer_lowered  }
0x9b: {  	s22 =	simm.s32 $0x1BFF;
	s21 =	sshll.u32 s5, $0x1;
	s2 =	sadd.s32 s19, s18  }
0x9c: {  	s6 =	simm.s32 $0x0;
	s20 =	sshll.u32 s4, $0x1;
	s4 =	sadd.s32 s21, s2  }
0x9d: {  	[timem:s6], [sflag:s22] =	dma.local [hbm:s4], s20  }
0x9e: {  	_ =	swait.ge [sflag:s22], s20  }
0x9f: {  	s3 =	ssub.s32 $0x0, s20;
	[sflag:s22] =	ssyncset.done $0x0  }
0xa0: {  	[sflag:s22] =	ssyncadd.s32 s3;
	_ =	sdelay $0x1  }
0xa1: {  	s23 =	simm.s32 $0x1B8B  }
0xa2: {  	_ =	swait.ge [sflag:s23], $0x1  }
0xa3: {  	[sflag:s23] =	ssyncset.done $0x0  }
0xa4: {  	s25 =	simm.s32 $0x1B8E;
	s24 =	sld [smem:$0x3FFE];
	[sflag:s23] =	ssyncadd.s32 $0xFFFFFFFF  }
0xa5: {  	s26 =	simm.s32 $execute0_lowered;
	[smem:$0x3FD2] =	sst s25  }
0xa6: {  	s4 =	sshll.u32 s26, $0x1;
	_ =	strace $0x80000046;
	[dreg:$0x1] =	wrdreg $0xFFFFFFFF  }
0xa7: {  	s28 =	simm.s32 $_size_execute0_lowered;
	s2 =	sadd.s32 s2, s4;
	[dreg:$0x0] =	wrdreg $0x0  }
0xa8: {  	s4 =	sshll.u32 s28, $0x1;
	[dreg:$0x2] =	wrdreg s2  }
0xa9: {  	[dreg:$0x3] =	wrdreg s4  }
0xaa: {  	[dreg:$0x4] =	wrdreg $0xC0  }
0xab: {  	_ =	task [dreg:s6], $0x5FFFF  }
0xac: {  	[dreg:$0x1] =	wrdreg $0xFFFFFFFF  }
0xad: {  	[dreg:$0x0] =	wrdreg $0x60  }
0xae: {  	[dreg:$0x2] =	wrdreg s24  }
0xaf: {  	[dreg:$0x3] =	wrdreg $0x9  }
0xb0: {  	_ =	task.clear_ibuf [dreg:s6], $0x4FFFF;
	_ =	strace $0x90000046  }
0xb1: {  	s29 =	simm.s32 $0x9;
	_ =	strace $0x80000048  }
0xb2: {  	_ =	swait.ge [sflag:s29], $0x1  }
0xb3: {  	[sflag:s29] =	ssyncadd.s32 $0xFFFFFFFF  }
0xb4: {  	_ =	strace $0x90000048  }
0xb5: {  	_ =	sfence  }
0xb6: {  	s30 =	sld [smem:$0x0];
	_ =	sdelay $0x2  }
0xb7: {  	s31 =	sshll.u32 s1, $0xD;
	s1 =	sshrl.u32 s1, $0x2  }
0xb8: {  	s3 =	sand.u32 $0x4000, s31;
	s1 =	sadd.s32 s1, s30  }
0xb9: {  	s0 =	sor.u32 s3, s0;
	s1 =	sshll.u32 s1, $0x11  }
0xba: {  	s0 =	sor.u32 s1, s0  }
0xbb: {  	s0 =	sadd.s32 $0x8F2B, s0  }
0xbc: {  	[sflag:s0] =	ssyncadd.remote.s32 $0x1  }
0xbd: {  	_ =	sfence.sel $0xFFFF  }
0xbe: {  	[dreg:$0x0] =	wrdreg $0xFFFFFFFF;
	(pc) =	sbr.abs _section_cstart, $3  }
0xbf: {  	[dreg:$0x1] =	wrdreg $0xFFFFFFFF  }
0xc0: {  	_ =	task.clear_ibuf [dreg:s6], $0x2FFFF;
	_ =	strace $0x9FFFFFFF  }
0xc1: {  	(tm) =	ssettm $0x7FFFFFFF  }
tec
execute0_lowered:
.L_overlay_start_1:
0x0: {  	(tag) =	ssettag $0x1  }
0x1: {  	s4 =	rddreg [dreg:$0x0]  }
0x2: {  	s0 =	rddreg [dreg:$0x1];
	s3 =	srdreg.scid  }
0x3: {  	s1 =	stileid.u32;
	s2 =	simm.s32 $0x0;
	s5 =	sand.u32 $0x1, s3  }
0x4: {  	s28 =	sshll.u32 s1, $0x1;
	[smem:$0x7FF] =	sst s2;
	s3 =	sadd.s32 $0x2A00, s4  }
0x5: {  	s6 =	sor.u32 s5, s28;
	_ =	strace $0x80000047;
	s5 =	ssub.s32 $0x2, s5  }
0x6: {  	s7 =	sshll.u32 s6, $0x6;
	s8 =	sshll.u32 s6, $0xD;
	s9 =	sshrl.u32 s5, $0x1  }
0x7: {  	s6 =	smul.u32 $0x3800, s6;
	s7 =	sadd.s32 s7, s4;
	s4 =	sadd.s32 s8, s4  }
0x8: {  	s29 =	ssub.s32 s5, s9;
	s8 =	simm.s32 $0x200;
	s9 =	simm.s32 $0x280  }
0x9: {  	s16 =	sadd.s32 $0x704A00, s7;
	s30 =	sor.u32 $0x380, s6;
	s31 =	sor.u32 $0x700, s6  }
0xa: {  	s10 =	sadd.s32 $0xA80, s6;
	s11 =	sadd.s32 $0xE00, s6;
	s12 =	sadd.s32 $0x1180, s6  }
0xb: {  	s13 =	sadd.s32 $0x1500, s6;
	s14 =	sadd.s32 $0x1880, s6;
	s15 =	sadd.s32 $0x1C00, s6  }
0xc: {  	s17 =	sadd.s32 $0x1F80, s6;
	s18 =	sadd.s32 $0x2300, s6;
	s19 =	sadd.s32 $0x2680, s6  }
0xd: {  	s20 =	sadd.s32 $0x2A00, s6;
	s21 =	sadd.s32 $0x2D80, s6;
	s24 =	smax.u32 s29, $0x1  }
0xe: {  	[tilespmem:s2], [sflag:$0x2] =	stream.linear.gather [hbm4b:s16+s2], $0x200, $0x38;
	[tilespmem:$0x10400] =	vst v63  }
0xf: {  	s5 =	sadd.s32 $0x705200, s4;
	s4 =	simm.s32 $0x2;
	v0 =	vmov s6;
	p0 =	sne.s32 s24, $0x1  }
.Ltmp0:
0x10: {  	s22 =	sadd.s32 $0x3100, s6;
	v6 =	vmov s30;
	v11 =	vmov s31;
	v9 =	vmov s10;
	_ =	swait.ge [sflag:s4], $0x200;
	(pc) =	sbr.rel @!p0 .LBB2_2-.Ltmp0, $4  }
0x11: {  	s23 =	sadd.s32 $0x3480, s6;
	s7 =	simm.s32 $0x80;
	v1 =	vmov s11;
	v7 =	vmov s12;
	v5 =	vmov s13;
	[sflag:s4] =	ssyncset.done $0x0  }
0x12: {  	s6 =	simm.s32 $0x400;
	v2 =	vmov s14;
	v3 =	vmov s15;
	v8 =	vmov s17;
	s10 =	simm.s32 $0x4400;
	[sflag:s4] =	ssyncadd.s32 $0xFFFFFE00  }
0x13: {  	s11 =	simm.s32 $0x300;
	v10 =	vmov s18;
	v12 =	vmov s19;
	v13 =	vmov s20;
	s13 =	simm.s32 $0x8400;
	s14 =	simm.s32 $0x380;
	v16 =	vld [tilespmem:$0x130]  }
0x14: {  	v4 =	vmov s21;
	v15 =	vmov s22;
	v14 =	vmov s23;
	s15 =	simm.s32 $0xC400;
	s12 =	simm.s32 $0x1;
	s17 =	sadd.s32 $0xFFFFFFFF, s24;
	v17 =	vld [tilespmem:$0x1C0]  }
.LBB2_1:
0x15: {  	p0 =	sne.s32 s17, $0x1;
	s17 =	sadd.s32 $0xFFFFFFFF, s17;
	v18 =	vld [tilespmem:$0x1D0]  }
0x16: {  	v19 =	vld [tilespmem:$0x1E0]  }
0x17: {  	v20 =	vld [tilespmem:$0x20]  }
0x18: {  	v21 =	vld [tilespmem:$0x0]  }
0x19: {  	v22 =	vld [tilespmem:$0x40]  }
0x1a: {  	v18 =	vadd.s32 v15, v18;
	v23 =	vld [tilespmem:$0x1F0]  }
0x1b: {  	v17 =	vadd.s32 v15, v17;
	v24 =	vld [tilespmem:$0x170];
	[tilespmem:$0x3D0] =	vst v18;
	v18 =	vadd.s32 v14, v19  }
0x1c: {  	v16 =	vadd.s32 v8, v16;
	v19 =	vadd.s32 v6, v20;
	v20 =	vld [tilespmem:$0x190];
	[tilespmem:$0x3E0] =	vst v18  }
0x1d: {  	v18 =	vadd.s32 v0, v21;
	[tilespmem:$0x220] =	vst v19;
	v19 =	vld [tilespmem:$0x180]  }
0x1e: {  	[tilespmem:$0x200] =	vst v18;
	v18 =	vld [tilespmem:$0x80]  }
0x1f: {  	v21 =	vld [tilespmem:$0x50];
	[tilespmem:$0x330] =	vst v16;
	v16 =	vadd.s32 v14, v23  }
0x20: {  	v23 =	vld [tilespmem:$0x60];
	v24 =	vadd.s32 v12, v24;
	[tilespmem:$0x3C0] =	vst v17  }
0x21: {  	v17 =	vld [tilespmem:$0x70];
	v20 =	vadd.s32 v13, v20;
	[tilespmem:$0x3F0] =	vst v16  }
0x22: {  	v16 =	vadd.s32 v11, v22;
	v22 =	vld [tilespmem:$0x160];
	[tilespmem:$0x370] =	vst v24;
	v19 =	vadd.s32 v13, v19  }
0x23: {  	v24 =	vld [tilespmem:$0x90];
	[tilespmem:$0x390] =	vst v20  }
0x24: {  	v20 =	vadd.s32 v11, v21;
	v21 =	vld [tilespmem:$0x150];
	[tilespmem:$0x380] =	vst v19  }
0x25: {  	[tilespmem:$0x240] =	vst v16;
	v16 =	vadd.s32 v9, v23;
	v19 =	vld [tilespmem:$0xA0]  }
0x26: {  	[tilespmem:$0x250] =	vst v20;
	v17 =	vadd.s32 v9, v17;
	v20 =	vld [tilespmem:$0x140]  }
0x27: {  	v23 =	vld [tilespmem:$0x30];
	[tilespmem:$0x260] =	vst v16;
	v16 =	vadd.s32 v1, v18;
	v18 =	vadd.s32 v12, v22  }
0x28: {  	[tilespmem:$0x270] =	vst v17;
	v17 =	vld [tilespmem:$0xB0]  }
0x29: {  	v22 =	vadd.s32 v1, v24;
	v24 =	vld [tilespmem:$0xC0];
	v21 =	vadd.s32 v10, v21;
	[tilespmem:$0x360] =	vst v18  }
0x2a: {  	[tilespmem:$0x280] =	vst v16;
	v16 =	vadd.s32 v7, v19;
	v18 =	vld [tilespmem:$0x120]  }
0x2b: {  	v19 =	vld [tilespmem:$0xD0];
	v20 =	vadd.s32 v10, v20;
	[tilespmem:$0x350] =	vst v21  }
0x2c: {  	v21 =	vadd.s32 v6, v23;
	[tilespmem:$0x2A0] =	vst v16;
	v16 =	vld [tilespmem:$0x110]  }
0x2d: {  	v17 =	vadd.s32 v7, v17;
	v23 =	vld [tilespmem:$0xE0];
	[tilespmem:$0x340] =	vst v20  }
0x2e: {  	[tilespmem:$0x230] =	vst v21;
	v20 =	vadd.s32 v5, v24;
	v21 =	vld [tilespmem:$0x100]  }
0x2f: {  	[tilespmem:$0x2B0] =	vst v17;
	v17 =	vadd.s32 v8, v18  }
0x30: {  	[tilespmem:$0x2C0] =	vst v20;
	v18 =	vadd.s32 v5, v19;
	v19 =	vld [tilespmem:$0xF0]  }
0x31: {  	v20 =	vld [tilespmem:$0x10];
	v16 =	vadd.s32 v3, v16;
	[tilespmem:$0x320] =	vst v17  }
0x32: {  	[tilespmem:$0x2D0] =	vst v18;
	v17 =	vadd.s32 v2, v23;
	v18 =	vld [tilespmem:$0x1A0]  }
0x33: {  	v21 =	vadd.s32 v3, v21;
	[tilespmem:$0x310] =	vst v16;
	v16 =	vld [tilespmem:$0x1B0]  }
0x34: {  	[tilespmem:$0x2E0] =	vst v17  }
0x35: {  	v17 =	vadd.s32 v2, v19;
	[tilespmem:$0x300] =	vst v21  }
0x36: {  	v19 =	vadd.s32 v0, v20;
	[tilespmem:$0x290] =	vst v22  }
0x37: {  	[tilespmem:$0x2F0] =	vst v17;
	v17 =	vadd.s32 v4, v18  }
0x38: {  	[tilespmem:$0x3A0] =	vst v17;
	v16 =	vadd.s32 v4, v16  }
0x39: {  	[tilespmem:$0x3B0] =	vst v16  }
0x3a: {  	[tilespmem:$0x210] =	vst v19  }
0x3b: {  	[tilespmem:s6], [sflag:$0x1] =	stream.indirect.gather [hbm4b:s3+s7], $0x80, s8, s7, $0xb8;
	[tilespmem:$0x10400] =	vst v63  }
0x3c: {  	_ = 	snop  }
0x3d: {  	[tilespmem:s10], [sflag:$0x1] =	stream.indirect.gather [hbm4b:s3+s7], $0x80, s9, s7, $0xb8;
	[tilespmem:$0x10400] =	vst v63  }
0x3e: {  	_ = 	snop  }
0x3f: {  	[tilespmem:s13], [sflag:$0x1] =	stream.indirect.gather [hbm4b:s3+s7], $0x80, s11, s7, $0xb8;
	[tilespmem:$0x10400] =	vst v63  }
0x40: {  	_ = 	snop  }
0x41: {  	[tilespmem:s15], [sflag:$0x1] =	stream.indirect.gather [hbm4b:s3+s7], $0x80, s14, s7, $0xb8;
	[tilespmem:$0x10400] =	vst v63  }
0x42: {  	_ =	swait.ge [sflag:s12], $0x4000  }
0x43: {  	[sflag:s12] =	ssyncset.done $0x0  }
0x44: {  	[sflag:s12] =	ssyncadd.s32 $0xFFFFC000  }
0x45: {  	_ =	swait.ge [sflag:s12], $0x4000  }
0x46: {  	[sflag:s12] =	ssyncset.done $0x0  }
0x47: {  	[sflag:s12] =	ssyncadd.s32 $0xFFFFC000  }
0x48: {  	_ =	swait.ge [sflag:s12], $0x4000  }
0x49: {  	[sflag:s12] =	ssyncset.done $0x0  }
0x4a: {  	[sflag:s12] =	ssyncadd.s32 $0xFFFFC000  }
0x4b: {  	_ =	swait.ge [sflag:s12], $0x4000  }
0x4c: {  	[sflag:s12] =	ssyncset.done $0x0  }
0x4d: {  	[sflag:s12] =	ssyncadd.s32 $0xFFFFC000  }
0x4e: {  	[hbm4b:s5+s2] =	stream.linear.scatter [tilespmem:s6], [sflag:$0x2], $0x10000, $0x38;
	[tilespmem:$0x10400] =	vst v63  }
0x4f: {  	_ =	swait.ge [sflag:s4], $0x10000  }
0x50: {  	[sflag:s4] =	ssyncset.done $0x0  }
0x51: {  	[sflag:s4] =	ssyncadd.s32 $0xFFFF0000  }
0x52: {  	[tilespmem:s2], [sflag:$0x2] =	stream.linear.gather [hbm4b:s16+s2], $0x200, $0x38;
	[tilespmem:$0x10400] =	vst v63  }
.Ltmp1:
0x53: {  	_ =	swait.ge [sflag:s4], $0x200;
	(pc) =	sbr.rel @p0 .LBB2_1-.Ltmp1, $4  }
0x54: {  	[sflag:s4] =	ssyncset.done $0x0  }
0x55: {  	[sflag:s4] =	ssyncadd.s32 $0xFFFFFE00  }
0x56: {  	v16 =	vld [tilespmem:$0x130]  }
0x57: {  	v17 =	vld [tilespmem:$0x1C0]  }
.LBB2_2:
0x58: {  	v18 =	vld [tilespmem:$0x1D0]  }
0x59: {  	v19 =	vld [tilespmem:$0x1E0]  }
0x5a: {  	v20 =	vld [tilespmem:$0x20]  }
0x5b: {  	v21 =	vld [tilespmem:$0x0];
	v16 =	vadd.s32 v8, v16  }
0x5c: {  	v22 =	vld [tilespmem:$0x1F0];
	v61 =	vadd.s32 v15, v17;
	[tilespmem:$0x330] =	vst v16  }
0x5d: {  	v57 =	vld [tilespmem:$0x170];
	v18 =	vadd.s32 v15, v18;
	[tilespmem:$0x3C0] =	vst v61  }
0x5e: {  	v59 =	vld [tilespmem:$0x180];
	v56 =	vadd.s32 v14, v19;
	[tilespmem:$0x3D0] =	vst v18  }
0x5f: {  	v60 =	vld [tilespmem:$0x40];
	v20 =	vadd.s32 v6, v20;
	[tilespmem:$0x3E0] =	vst v56  }
0x60: {  	v62 =	vld [tilespmem:$0x50];
	v21 =	vadd.s32 v0, v21;
	[tilespmem:$0x220] =	vst v20  }
0x61: {  	v24 =	vld [tilespmem:$0x70];
	v63 =	vadd.s32 v14, v22;
	[tilespmem:$0x200] =	vst v21  }
0x62: {  	v25 =	vld [tilespmem:$0x160];
	v23 =	vadd.s32 v12, v57;
	[tilespmem:$0x3F0] =	vst v63  }
0x63: {  	v27 =	vld [tilespmem:$0x80];
	v26 =	vadd.s32 v13, v59;
	[tilespmem:$0x370] =	vst v23  }
0x64: {  	v31 =	vld [tilespmem:$0xA0];
	v28 =	vadd.s32 v11, v60;
	[tilespmem:$0x380] =	vst v26  }
0x65: {  	v33 =	vld [tilespmem:$0x140];
	v29 =	vadd.s32 v11, v62;
	[tilespmem:$0x240] =	vst v28  }
0x66: {  	v34 =	vld [tilespmem:$0x30];
	v32 =	vadd.s32 v9, v24;
	[tilespmem:$0x250] =	vst v29  }
0x67: {  	v37 =	vld [tilespmem:$0xB0];
	v35 =	vadd.s32 v12, v25;
	[tilespmem:$0x270] =	vst v32  }
0x68: {  	v38 =	vld [tilespmem:$0xC0];
	v36 =	vadd.s32 v1, v27;
	[tilespmem:$0x360] =	vst v35  }
0x69: {  	v40 =	vld [tilespmem:$0x120];
	v39 =	vadd.s32 v7, v31;
	[tilespmem:$0x280] =	vst v36  }
0x6a: {  	v41 =	vld [tilespmem:$0xD0];
	v42 =	vadd.s32 v10, v33;
	[tilespmem:$0x2A0] =	vst v39  }
0x6b: {  	v44 =	vld [tilespmem:$0x110];
	v43 =	vadd.s32 v6, v34;
	[tilespmem:$0x340] =	vst v42  }
0x6c: {  	v46 =	vld [tilespmem:$0xE0];
	v45 =	vadd.s32 v7, v37;
	[tilespmem:$0x230] =	vst v43  }
0x6d: {  	v49 =	vld [tilespmem:$0x90];
	v47 =	vadd.s32 v5, v38;
	[tilespmem:$0x2B0] =	vst v45  }
0x6e: {  	v52 =	vld [tilespmem:$0xF0];
	v50 =	vadd.s32 v8, v40;
	[tilespmem:$0x2C0] =	vst v47  }
0x6f: {  	v54 =	vld [tilespmem:$0x1A0];
	v51 =	vadd.s32 v5, v41;
	[tilespmem:$0x320] =	vst v50  }
0x70: {  	v58 =	vld [tilespmem:$0x190];
	v53 =	vadd.s32 v3, v44;
	[tilespmem:$0x2D0] =	vst v51  }
0x71: {  	v30 =	vld [tilespmem:$0x150];
	v55 =	vadd.s32 v2, v46;
	[tilespmem:$0x310] =	vst v53  }
0x72: {  	v48 =	vld [tilespmem:$0x100];
	v59 =	vadd.s32 v1, v49;
	[tilespmem:$0x2E0] =	vst v55  }
0x73: {  	v22 =	vld [tilespmem:$0x60];
	v60 =	vadd.s32 v2, v52;
	[tilespmem:$0x290] =	vst v59  }
0x74: {  	v57 =	vld [tilespmem:$0x10];
	v61 =	vadd.s32 v4, v54;
	[tilespmem:$0x2F0] =	vst v60  }
0x75: {  	v18 =	vadd.s32 v13, v58;
	v56 =	vld [tilespmem:$0x1B0];
	[tilespmem:$0x3A0] =	vst v61  }
0x76: {  	v13 =	vadd.s32 v10, v30;
	[tilespmem:$0x390] =	vst v18  }
0x77: {  	v58 =	vadd.s32 v3, v48;
	[tilespmem:$0x350] =	vst v13  }
0x78: {  	[tilespmem:$0x300] =	vst v58;
	v15 =	vadd.s32 v9, v22  }
0x79: {  	v63 =	vadd.s32 v0, v57;
	[tilespmem:$0x260] =	vst v15  }
0x7a: {  	v62 =	vadd.s32 v4, v56;
	[tilespmem:$0x210] =	vst v63  }
0x7b: {  	[tilespmem:$0x3B0] =	vst v62  }
0x7c: {  	[tilespmem:s6], [sflag:$0x1] =	stream.indirect.gather [hbm4b:s3+s7], $0x80, s8, s7, $0xb8;
	[tilespmem:$0x10400] =	vst v63  }
0x7d: {  	_ = 	snop  }
0x7e: {  	[tilespmem:s10], [sflag:$0x1] =	stream.indirect.gather [hbm4b:s3+s7], $0x80, s9, s7, $0xb8;
	[tilespmem:$0x10400] =	vst v63  }
0x7f: {  	_ = 	snop  }
0x80: {  	[tilespmem:s13], [sflag:$0x1] =	stream.indirect.gather [hbm4b:s3+s7], $0x80, s11, s7, $0xb8;
	[tilespmem:$0x10400] =	vst v63  }
0x81: {  	_ = 	snop  }
0x82: {  	[tilespmem:s15], [sflag:$0x1] =	stream.indirect.gather [hbm4b:s3+s7], $0x80, s14, s7, $0xb8;
	[tilespmem:$0x10400] =	vst v63  }
0x83: {  	_ =	swait.ge [sflag:s12], $0x4000  }
0x84: {  	[sflag:s12] =	ssyncset.done $0x0  }
0x85: {  	[sflag:s12] =	ssyncadd.s32 $0xFFFFC000  }
0x86: {  	_ =	swait.ge [sflag:s12], $0x4000  }
0x87: {  	[sflag:s12] =	ssyncset.done $0x0  }
0x88: {  	[sflag:s12] =	ssyncadd.s32 $0xFFFFC000  }
0x89: {  	_ =	swait.ge [sflag:s12], $0x4000  }
0x8a: {  	[sflag:s12] =	ssyncset.done $0x0  }
0x8b: {  	[sflag:s12] =	ssyncadd.s32 $0xFFFFC000  }
0x8c: {  	_ =	swait.ge [sflag:s12], $0x4000  }
0x8d: {  	[sflag:s12] =	ssyncset.done $0x0  }
0x8e: {  	[sflag:s12] =	ssyncadd.s32 $0xFFFFC000  }
0x8f: {  	[hbm4b:s5+s2] =	stream.linear.scatter [tilespmem:s6], [sflag:$0x2], $0x10000, $0x38;
	[tilespmem:$0x10400] =	vst v63  }
0x90: {  	_ =	swait.ge [sflag:s4], $0x10000  }
0x91: {  	[sflag:s4] =	ssyncset.done $0x0  }
0x92: {  	[sflag:s4] =	ssyncadd.s32 $0xFFFF0000  }
0x93: {  	_ =	sfence.sel $0x180000  }
0x94: {  	[bflag:$0x0] =	sbarrier.arrive $0xFFFF  }
0x95: {  	p0 =	sne.s32 s1, $0x0;
	_ =	strace $0x90000047  }
0x96: {  	s0 =	sadd.s32 @!p0 $0x100000, s0;
	[bflag:$0x2] =	sbarrier.arrive $0xFFFF  }
0x97: {  	[sflag:s0] =	ssyncadd.tile.s32 @!p0 $0x1;
	_ =	shalt  }
.Lfunc_end2:
_tile_overlayer_lowered:
.L_overlay_start_2:
0x98: {  	(tag) =	ssettag $0x2  }
0x99: {  	s0 =	rddreg [dreg:$0x0];
	s2 =	stileid.u32  }
0x9a: {  	s1 =	rddreg [dreg:$0x1];
	p0 =	sne.s32 s2, $0x0  }
0x9b: {  	s3 =	rddreg [dreg:$0x2];
	[bflag:$0x3] =	sbarrier.arrive $0xFFFF;
	s2 =	simm.s32 @!p0 $0x1C02  }
0x9c: {  	[timem:s3], [sflag:s2] =	dma.local @!p0 [hbm:s0], s1  }
0x9d: {  	s0 =	simm.s32 @!p0 $0x2  }
0x9e: {  	_ =	swait.ge @!p0 [sflag:s0], s1  }
0x9f: {  	s1 =	ssub.s32 @!p0 $0x0, s1;
	[sflag:s0] =	ssyncset.done @!p0 $0x0  }
0xa0: {  	[sflag:s0] =	ssyncadd.s32 @!p0 s1  }
0xa1: {  	[bflag:$0x3] =	sbarrier.arrive $0xFFFF  }
0xa2: {  	_ =	shalt  }

// kernel: kernel.13.cloned.1.call-start
scs
__scs_entry_jumppad:
0x0: {  	(pc) =	sbr.rel $0x88, $3  }
0x1: {  	(tag) =	ssettag $0x0;
	lr =	simm.s32 $0x1  }
0x2: {  	[smem:$0x3F96] =	sst lr;
	_ =	strace $0xD0000000  }
0x3: {  	_ = 	snop  }
0x4: {  	_ = 	snop  }
0x5: {  	_ = 	snop  }
0x6: {  	_ = 	snop  }
0x7: {  	_ = 	snop  }
__scs_overlays_trampoline_lowered:
0x8: {  	[smem:$0x3FA5] =	sst s0  }
0x9: {  	[smem:$0x3FA6] =	sst s1  }
0xa: {  	[smem:$0x3FA7] =	sst s2  }
0xb: {  	[smem:$0x3FA8] =	sst s3  }
0xc: {  	[smem:$0x3FA9] =	sst s4  }
0xd: {  	[smem:$0x3FAA] =	sst s5  }
0xe: {  	[smem:$0x3FAB] =	sst s6  }
0xf: {  	[smem:$0x3FAC] =	sst s7  }
0x10: {  	[smem:$0x3FAD] =	sst s8  }
0x11: {  	[smem:$0x3FAE] =	sst s9;
	s0 =	simm.s32 @!p0 $0x0  }
0x12: {  	s1 =	sld [smem:$0x3F94];
	s0 =	simm.s32 @p0 $0x1  }
0x13: {  	[smem:$0x3FAF] =	sst s0;
	s0 =	simm.s32 @!p1 $0x0  }
0x14: {  	s2 =	sld [smem:$0x3F93];
	s0 =	simm.s32 @p1 $0x1  }
0x15: {  	[smem:$0x3FB0] =	sst s0;
	s0 =	simm.s32 @!p2 $0x0  }
0x16: {  	s3 =	sld [smem:$0x3FDB];
	s0 =	simm.s32 @p2 $0x1  }
0x17: {  	s4 =	simm.s32 $0x1BF5;
	[smem:$0x3FB2] =	sst s0  }
0x18: {  	s0 =	sld [smem:$0x3F95];
	_ =	swait.ge [sflag:s4], $0x0  }
0x19: {  	s7 =	sld [smem:$0x3F96]  }
0x1a: {  	s8 =	sadd.s32 $0xFFFFE003, lr  }
0x1b: {  	s9 =	sadd.s32 $0xFFFFFEF7, lr;
	s5 =	simm.s32 $0xFFFFFFFF;
	p2 =	slt.u32 s8, $0xFFFFF086  }
0x1c: {  	p1 =	slt.u32 s9, $0xF7A;
	s5 =	simm.s32 @!p2 $0x0  }
0x1d: {  	s5 =	simm.s32 @p1 $0x1;
	p0 =	seq.s32 s7, s2  }
0x1e: {  	s7 =	smul.u32 @!p0 $0xF7A, s2;
	p2 =	seq.s32 @!p0 s5, $0x0  }
0x1f: {  	s9 =	smul.u32 $0xF7A, s1;
	s8 =	simm.s32 @!p0 $0x1BF5;
	p2 =	por !p2, p0  }
0x20: {  	[sflag:s8] =	ssyncset.s32 @!p0 $0xFFFFF086;
	s6 =	sadd.s32 @!p0 s3, s7;
	s7 =	simm.s32 @!p0 $0x108  }
0x21: {  	s3 =	sadd.s32 s3, s9;
	s6 =	sadd.s32 @!p0 $0x88, s6;
	s7 =	simm.s32 @p2 $0x1082  }
0x22: {  	[simem:s7], [sflag:s8] =	dma.local @!p0 [hbm:s6], $0xF7A  }
0x23: {  	s9 =	sor.u32 $0xD0000000, s2;
	s6 =	simm.s32 $0x108;
	_ =	swait.ge @!p0 [sflag:s8], $0x0  }
0x24: {  	s3 =	sadd.s32 $0x88, s3;
	s6 =	simm.s32 @!p1 $0x1082;
	[sflag:s4] =	ssyncset.s32 $0xFFFFF086  }
0x25: {  	[simem:s6], [sflag:s4] =	dma.local [hbm:s3], $0xF7A  }
0x26: {  	[smem:$0x3F96] =	sst s1;
	(tag) =	ssettag s2;
	_ =	strace s9  }
0x27: {  	s1 =	sld [smem:$0x3FA6]  }
0x28: {  	s2 =	sld [smem:$0x3FA7]  }
0x29: {  	s4 =	sld [smem:$0x3FA9]  }
0x2a: {  	p0 =	seq.s32 s5, $0x0;
	s5 =	sld [smem:$0x3FAA]  }
0x2b: {  	s6 =	sld [smem:$0x3FAB]  }
0x2c: {  	s7 =	sld [smem:$0x3FAC]  }
0x2d: {  	s3 =	simm.s32 $0x108;
	s8 =	sld [smem:$0x3FAD]  }
0x2e: {  	s3 =	simm.s32 @!p0 $0x1082;
	s9 =	sld [smem:$0x3FAE]  }
0x2f: {  	lr =	sadd.s32 s0, s3;
	s0 =	sld [smem:$0x3FA5]  }
0x30: {  	s3 =	sld [smem:$0x3FA8]  }
0x31: {  	[smem:$0x3FB1] =	sst s10  }
0x32: {  	s10 =	sld [smem:$0x3FAF];
	_ =	sdelay $0x3  }
0x33: {  	p0 =	seq.s32 s10, $0x1;
	s10 =	sld [smem:$0x3FB1];
	_ =	sdelay $0x3  }
0x34: {  	[smem:$0x3FB1] =	sst s10  }
0x35: {  	s10 =	sld [smem:$0x3FB0];
	_ =	sdelay $0x3  }
0x36: {  	p1 =	seq.s32 s10, $0x1;
	s10 =	sld [smem:$0x3FB1];
	_ =	sdelay $0x3  }
0x37: {  	[smem:$0x3FB1] =	sst s10  }
0x38: {  	s10 =	sld [smem:$0x3FB2]  }
0x39: {  	_ = 	snop;
	(pc) =	sbr.ind lr, $3  }
0x3a: {  	_ = 	snop  }
0x3b: {  	_ = 	snop  }
0x3c: {  	p2 =	seq.s32 s10, $0x1;
	s10 =	sld [smem:$0x3FB1]  }
0x3d: {  	_ =	shalt  }
0x3e: {  	_ =	shalt  }
0x3f: {  	_ =	shalt  }
0x40: {  	_ =	shalt  }
0x41: {  	_ =	shalt  }
0x42: {  	_ =	shalt  }
0x43: {  	_ =	shalt  }
0x44: {  	_ =	shalt  }
0x45: {  	_ =	shalt  }
0x46: {  	_ =	shalt  }
0x47: {  	_ =	shalt  }
0x48: {  	_ =	shalt  }
0x49: {  	_ =	shalt  }
0x4a: {  	_ =	shalt  }
0x4b: {  	_ =	shalt  }
0x4c: {  	_ =	shalt  }
0x4d: {  	_ =	shalt  }
0x4e: {  	_ =	shalt  }
0x4f: {  	_ =	shalt  }
0x50: {  	_ =	shalt  }
0x51: {  	_ =	shalt  }
0x52: {  	_ =	shalt  }
0x53: {  	_ =	shalt  }
0x54: {  	_ =	shalt  }
0x55: {  	_ =	shalt  }
0x56: {  	_ =	shalt  }
0x57: {  	_ =	shalt  }
0x58: {  	_ =	shalt  }
0x59: {  	_ =	shalt  }
0x5a: {  	_ =	shalt  }
0x5b: {  	_ =	shalt  }
0x5c: {  	_ =	shalt  }
0x5d: {  	_ =	shalt  }
0x5e: {  	_ =	shalt  }
0x5f: {  	_ =	shalt  }
0x60: {  	_ =	shalt  }
0x61: {  	_ =	shalt  }
0x62: {  	_ =	shalt  }
0x63: {  	_ =	shalt  }
0x64: {  	_ =	shalt  }
0x65: {  	_ =	shalt  }
0x66: {  	_ =	shalt  }
0x67: {  	_ =	shalt  }
0x68: {  	_ =	shalt  }
0x69: {  	_ =	shalt  }
0x6a: {  	_ =	shalt  }
0x6b: {  	_ =	shalt  }
0x6c: {  	_ =	shalt  }
0x6d: {  	_ =	shalt  }
0x6e: {  	_ =	shalt  }
0x6f: {  	_ =	shalt  }
0x70: {  	_ =	shalt  }
0x71: {  	_ =	shalt  }
0x72: {  	_ =	shalt  }
0x73: {  	_ =	shalt  }
0x74: {  	_ =	shalt  }
0x75: {  	_ =	shalt  }
0x76: {  	_ =	shalt  }
0x77: {  	_ =	shalt  }
0x78: {  	_ =	shalt  }
0x79: {  	_ =	shalt  }
0x7a: {  	_ =	shalt  }
0x7b: {  	_ =	shalt  }
0x7c: {  	_ =	shalt  }
0x7d: {  	_ =	shalt  }
0x7e: {  	_ =	shalt  }
0x7f: {  	_ =	shalt  }
0x80: {  	_ =	shalt  }
0x81: {  	_ =	shalt  }
0x82: {  	_ =	shalt  }
0x83: {  	_ =	shalt  }
0x84: {  	_ =	shalt  }
0x85: {  	_ =	shalt  }
0x86: {  	_ =	shalt  }
0x87: {  	_ =	shalt  }
.Lfunc_end0:
.L_simem_size_0:
called_computation.1_lowered:
.L_overlay_start_0:
0x88: {  	s2 =	sld [smem:$0x3FD9]  }
0x89: {  	s3 =	sld [smem:$0x3FFE];
	_ =	sdelay $0x1  }
0x8a: {  	s1 =	srdreg.scid  }
0x8b: {  	s0 =	sand.u32 $0x1, s1  }
0x8c: {  	s16 =	sshll.u32 s0, $0xA;
	s2 =	sadd.s32 s3, s2  }
0x8d: {  	s2 =	sadd.s32 s2, s16  }
0x8e: {  	[smem:$0x3FBD] =	sst s2  }
0x8f: {  	_ = 	snop  }
0x90: {  	(tm) =	ssettm $0x1  }
0x91: {  	s17 =	sld [smem:$0x3FFB];
	_ =	sdelay $0x3  }
0x92: {  	_ =	strace s17  }
0x93: {  	s2 =	sld [smem:$0x3FFC];
	_ =	sdelay $0x3  }
0x94: {  	_ =	strace s2  }
0x95: {  	s2 =	sld [smem:$0x3FFD];
	_ =	sdelay $0x3  }
0x96: {  	_ =	strace s2  }
0x97: {  	_ =	strace $0x8FFFFFFF  }
0x98: {  	s18 =	sld [smem:$0x3FDB];
	_ =	sdelay $0x1  }
0x99: {  	s19 =	simm.s32 $_scs_section_size  }
0x9a: {  	s4 =	simm.s32 $_size__tile_overlayer_lowered;
	s5 =	simm.s32 $_tile_overlayer_lowered  }
0x9b: {  	s22 =	simm.s32 $0x1BFF;
	s21 =	sshll.u32 s5, $0x1;
	s2 =	sadd.s32 s19, s18  }
0x9c: {  	s6 =	simm.s32 $0x0;
	s20 =	sshll.u32 s4, $0x1;
	s4 =	sadd.s32 s21, s2  }
0x9d: {  	[timem:s6], [sflag:s22] =	dma.local [hbm:s4], s20  }
0x9e: {  	_ =	swait.ge [sflag:s22], s20  }
0x9f: {  	s3 =	ssub.s32 $0x0, s20;
	[sflag:s22] =	ssyncset.done $0x0  }
0xa0: {  	[sflag:s22] =	ssyncadd.s32 s3;
	_ =	sdelay $0x1  }
0xa1: {  	s23 =	simm.s32 $0x1B8B  }
0xa2: {  	_ =	swait.ge [sflag:s23], $0x1  }
0xa3: {  	[sflag:s23] =	ssyncset.done $0x0  }
0xa4: {  	s25 =	simm.s32 $0x1B8E;
	s24 =	sld [smem:$0x3FFE];
	[sflag:s23] =	ssyncadd.s32 $0xFFFFFFFF  }
0xa5: {  	s26 =	simm.s32 $execute0_lowered;
	[smem:$0x3FD2] =	sst s25  }
0xa6: {  	s4 =	sshll.u32 s26, $0x1;
	_ =	strace $0x80000049;
	[dreg:$0x1] =	wrdreg $0xFFFFFFFF  }
0xa7: {  	s28 =	simm.s32 $_size_execute0_lowered;
	s2 =	sadd.s32 s2, s4;
	[dreg:$0x0] =	wrdreg $0x0  }
0xa8: {  	s4 =	sshll.u32 s28, $0x1;
	[dreg:$0x2] =	wrdreg s2  }
0xa9: {  	[dreg:$0x3] =	wrdreg s4  }
0xaa: {  	[dreg:$0x4] =	wrdreg $0xC0  }
0xab: {  	_ =	task [dreg:s6], $0x5FFFF  }
0xac: {  	[dreg:$0x1] =	wrdreg $0xFFFFFFFF  }
0xad: {  	[dreg:$0x0] =	wrdreg $0x60  }
0xae: {  	[dreg:$0x2] =	wrdreg s24  }
0xaf: {  	[dreg:$0x3] =	wrdreg $0x9  }
0xb0: {  	_ =	task.clear_ibuf [dreg:s6], $0x4FFFF;
	_ =	strace $0x90000049  }
0xb1: {  	s29 =	simm.s32 $0x9;
	_ =	strace $0x8000004B  }
0xb2: {  	_ =	swait.ge [sflag:s29], $0x1  }
0xb3: {  	[sflag:s29] =	ssyncadd.s32 $0xFFFFFFFF  }
0xb4: {  	_ =	strace $0x9000004B  }
0xb5: {  	_ =	sfence  }
0xb6: {  	s30 =	sld [smem:$0x0];
	_ =	sdelay $0x2  }
0xb7: {  	s31 =	sshll.u32 s1, $0xD;
	s1 =	sshrl.u32 s1, $0x2  }
0xb8: {  	s3 =	sand.u32 $0x4000, s31;
	s1 =	sadd.s32 s1, s30  }
0xb9: {  	s0 =	sor.u32 s3, s0;
	s1 =	sshll.u32 s1, $0x11  }
0xba: {  	s0 =	sor.u32 s1, s0  }
0xbb: {  	s0 =	sadd.s32 $0x8F2B, s0  }
0xbc: {  	[sflag:s0] =	ssyncadd.remote.s32 $0x1  }
0xbd: {  	_ =	sfence.sel $0xFFFF  }
0xbe: {  	[dreg:$0x0] =	wrdreg $0xFFFFFFFF;
	(pc) =	sbr.abs _section_cstart, $3  }
0xbf: {  	[dreg:$0x1] =	wrdreg $0xFFFFFFFF  }
0xc0: {  	_ =	task.clear_ibuf [dreg:s6], $0x2FFFF;
	_ =	strace $0x9FFFFFFF  }
0xc1: {  	(tm) =	ssettm $0x7FFFFFFF  }
tec
execute0_lowered:
.L_overlay_start_1:
0x0: {  	(tag) =	ssettag $0x1  }
0x1: {  	s4 =	rddreg [dreg:$0x0]  }
0x2: {  	s0 =	rddreg [dreg:$0x1];
	s2 =	simm.s32 $0x0;
	s3 =	srdreg.scid  }
0x3: {  	s1 =	stileid.u32;
	s9 =	simm.s32 $0x200;
	s10 =	simm.s32 $0x400  }
0x4: {  	s11 =	simm.s32 $0x280;
	s12 =	simm.s32 $0x4400;
	s13 =	simm.s32 $0x300  }
0x5: {  	s14 =	simm.s32 $0x8400;
	s16 =	simm.s32 $0xC400;
	s17 =	simm.s32 $0x1  }
0x6: {  	[smem:$0x7FF] =	sst s2;
	s5 =	sand.u32 $0x1, s3;
	s30 =	sshll.u32 s1, $0x1  }
0x7: {  	s3 =	sadd.s32 $0x745200, s4;
	s31 =	sshrl.u32 s1, $0x2;
	_ =	strace $0x8000004A  }
0x8: {  	s6 =	sor.u32 s5, s30;
	s5 =	ssub.s32 $0x2, s5;
	s15 =	smul.u32 $0xD000, s31  }
0x9: {  	s7 =	sshll.u32 s6, $0x6;
	s6 =	sshll.u32 s6, $0xD;
	s8 =	sshrl.u32 s5, $0x1  }
0xa: {  	s7 =	sadd.s32 s7, s4;
	s6 =	sadd.s32 s6, s4;
	s8 =	ssub.s32 s5, s8  }
0xb: {  	v0 =	vmov s15;
	s15 =	simm.s32 $0x380;
	s4 =	sadd.s32 $0x2A00, s7;
	s5 =	sadd.s32 $0x3200, s6  }
0xc: {  	s6 =	smax.u32 s8, $0x1;
	s7 =	simm.s32 $0x2;
	s8 =	simm.s32 $0x80  }
.LBB2_1:
0xd: {  	[tilespmem:s2], [sflag:$0x2] =	stream.linear.gather [hbm4b:s4+s2], $0x200, $0x38;
	[tilespmem:$0x10400] =	vst v63  }
0xe: {  	_ =	swait.ge [sflag:s7], $0x200  }
0xf: {  	[sflag:s7] =	ssyncset.done $0x0  }
0x10: {  	[sflag:s7] =	ssyncadd.s32 $0xFFFFFE00  }
0x11: {  	v1 =	vld [tilespmem:$0x0]  }
0x12: {  	v2 =	vld [tilespmem:$0x10]  }
0x13: {  	v3 =	vld [tilespmem:$0x20]  }
0x14: {  	v5 =	vld [tilespmem:$0x30]  }
0x15: {  	v7 =	vld [tilespmem:$0x40]  }
0x16: {  	v36 =	vld [tilespmem:$0x50]  }
0x17: {  	v9 =	vld [tilespmem:$0x60]  }
0x18: {  	v10 =	vld [tilespmem:$0x70]  }
0x19: {  	v42 =	vld [tilespmem:$0x80]  }
0x1a: {  	v12 =	vld [tilespmem:$0x90]  }
0x1b: {  	v13 =	vld [tilespmem:$0xA0]  }
0x1c: {  	v47 =	vld [tilespmem:$0xB0]  }
0x1d: {  	v15 =	vld [tilespmem:$0xC0]  }
0x1e: {  	v16 =	vld [tilespmem:$0xD0]  }
0x1f: {  	v52 =	vld [tilespmem:$0xE0]  }
0x20: {  	v18 =	vld [tilespmem:$0xF0];
	vm0 =	vlt.s32 v1, $0x1869F  }
0x21: {  	v19 =	vld [tilespmem:$0x100];
	vm9 =	vlt.s32 v2, $0x1869F;
	vm10 =	vlt.s32 v3, $0x1869F;
	vm11 =	vlt.s32 v5, $0x1869F  }
0x22: {  	v21 =	vld [tilespmem:$0x120];
	vm12 =	vlt.s32 v7, $0x1869F;
	vm13 =	vlt.s32 v36, $0x1869F;
	vm14 =	vlt.s32 v9, $0x1869F  }
0x23: {  	v22 =	vld [tilespmem:$0x130];
	vm15 =	vlt.s32 v10, $0x1869F;
	vm4 =	vlt.s32 v42, $0x1869F;
	vm5 =	vlt.s32 v12, $0x1869F  }
0x24: {  	v24 =	vld [tilespmem:$0x150];
	vm6 =	vlt.s32 v13, $0x1869F;
	vm7 =	vlt.s32 v47, $0x1869F;
	vm8 =	vlt.s32 v15, $0x1869F  }
0x25: {  	v25 =	vld [tilespmem:$0x160];
	v1 =	vnsel vm0, $0x1869F, v1;
	v2 =	vnsel vm9, $0x1869F, v2;
	v3 =	vnsel vm10, $0x1869F, v3  }
0x26: {  	v5 =	vnsel vm11, $0x1869F, v5;
	v7 =	vnsel vm12, $0x1869F, v7;
	v9 =	vnsel vm14, $0x1869F, v9  }
0x27: {  	v10 =	vnsel vm15, $0x1869F, v10;
	v12 =	vnsel vm5, $0x1869F, v12;
	v13 =	vnsel vm6, $0x1869F, v13  }
0x28: {  	v15 =	vnsel vm8, $0x1869F, v15;
	vm9 =	vlt.s32 v16, $0x1869F;
	vm10 =	vlt.s32 v52, $0x1869F  }
0x29: {  	vm11 =	vlt.s32 v18, $0x1869F;
	vm12 =	vlt.s32 v19, $0x1869F;
	vm14 =	vlt.s32 v21, $0x1869F  }
0x2a: {  	vm15 =	vlt.s32 v22, $0x1869F;
	vm5 =	vlt.s32 v24, $0x1869F;
	vm6 =	vlt.s32 v25, $0x1869F  }
0x2b: {  	v4 =	vshrl.u32 v1, $0x1;
	v6 =	vshrl.u32 v2, $0x1;
	v1 =	vand.u32 $0xFFF, v1  }
0x2c: {  	v8 =	vand.u32 $0xFFF, v2;
	v35 =	vand.u32 $0xFFF, v3;
	v3 =	vshrl.u32 v3, $0x1  }
0x2d: {  	v37 =	vshrl.u32 v5, $0x1;
	v39 =	vshrl.u32 v7, $0x1;
	v5 =	vand.u32 $0xFFF, v5  }
0x2e: {  	v7 =	vand.u32 $0xFFF, v7;
	v11 =	vshrl.u32 v9, $0x1;
	v44 =	vshrl.u32 v10, $0x1  }
0x2f: {  	v9 =	vand.u32 $0xFFF, v9;
	v10 =	vand.u32 $0xFFF, v10;
	v14 =	vshrl.u32 v12, $0x1  }
0x30: {  	v49 =	vshrl.u32 v13, $0x1;
	v12 =	vand.u32 $0xFFF, v12;
	v13 =	vand.u32 $0xFFF, v13  }
0x31: {  	v17 =	vshrl.u32 v15, $0x1;
	v16 =	vnsel vm9, $0x1869F, v16;
	v15 =	vand.u32 $0xFFF, v15  }
0x32: {  	v18 =	vnsel vm11, $0x1869F, v18;
	v19 =	vnsel vm12, $0x1869F, v19;
	v21 =	vnsel vm14, $0x1869F, v21  }
0x33: {  	v22 =	vnsel vm15, $0x1869F, v22;
	v32 =	vnsel vm5, $0x1869F, v24;
	v34 =	vnsel vm6, $0x1869F, v25  }
0x34: {  	v4 =	vand.u32 $0x7FFFF000, v4;
	v6 =	vand.u32 $0x7FFFF000, v6;
	v3 =	vand.u32 $0x7FFFF000, v3  }
0x35: {  	v38 =	vand.u32 $0x7FFFF000, v37;
	v43 =	vand.u32 $0x7FFFF000, v11;
	v11 =	vand.u32 $0x7FFFF000, v44  }
0x36: {  	v48 =	vand.u32 $0x7FFFF000, v14;
	v14 =	vand.u32 $0x7FFFF000, v49;
	v53 =	vand.u32 $0x7FFFF000, v17  }
0x37: {  	v54 =	vshrl.u32 v16, $0x1;
	v16 =	vand.u32 $0xFFF, v16;
	v20 =	vshrl.u32 v18, $0x1  }
0x38: {  	v59 =	vshrl.u32 v19, $0x1;
	v18 =	vand.u32 $0xFFF, v18;
	v19 =	vand.u32 $0xFFF, v19  }
0x39: {  	v23 =	vshrl.u32 v21, $0x1;
	v28 =	vshrl.u32 v22, $0x1;
	v33 =	vshrl.u32 v32, $0x1  }
0x3a: {  	v37 =	vshrl.u32 v34, $0x1;
	v4 =	vadd.s32 v0, v4;
	v6 =	vadd.s32 v0, v6  }
0x3b: {  	v3 =	vadd.s32 v0, v3;
	v11 =	vadd.s32 v0, v11;
	v14 =	vadd.s32 v0, v14  }
0x3c: {  	v17 =	vand.u32 $0x7FFFF000, v54;
	v58 =	vand.u32 $0x7FFFF000, v20;
	v20 =	vand.u32 $0x7FFFF000, v59  }
0x3d: {  	v57 =	vld [tilespmem:$0x110];
	v63 =	vand.u32 $0x7FFFF000, v23;
	v29 =	vand.u32 $0x7FFFF000, v28;
	v2 =	vor.u32 v1, v4  }
0x3e: {  	v31 =	vld [tilespmem:$0x170];
	v1 =	vor.u32 v8, v6;
	v3 =	vor.u32 v35, v3;
	v4 =	vadd.s32 v0, v38  }
0x3f: {  	v8 =	vand.u32 $0x7FFFF000, v39;
	v6 =	vnsel vm13, $0x1869F, v36;
	v45 =	vor.u32 v10, v11  }
0x40: {  	v10 =	vadd.s32 v0, v48;
	v50 =	vor.u32 v13, v14;
	v11 =	vnsel vm7, $0x1869F, v47  }
0x41: {  	v13 =	vadd.s32 v0, v53;
	v17 =	vadd.s32 v0, v17;
	v14 =	vnsel vm10, $0x1869F, v52  }
0x42: {  	v20 =	vadd.s32 v0, v20;
	vm13 =	vlt.s32 v57, $0x1869F;
	v36 =	vand.u32 $0x7FFFF000, v33  }
0x43: {  	v39 =	vand.u32 $0xFFF, v34;
	vm7 =	vlt.s32 v31, $0x1869F;
	v8 =	vadd.s32 v0, v8  }
0x44: {  	v5 =	vor.u32 v5, v4;
	v41 =	vand.u32 $0xFFF, v6;
	v6 =	vshrl.u32 v6, $0x1  }
0x45: {  	v10 =	vor.u32 v12, v10;
	v51 =	vand.u32 $0xFFF, v11;
	v11 =	vshrl.u32 v11, $0x1  }
0x46: {  	v13 =	vor.u32 v15, v13;
	v55 =	vor.u32 v16, v17;
	v56 =	vand.u32 $0xFFF, v14  }
0x47: {  	v14 =	vshrl.u32 v14, $0x1;
	v16 =	vadd.s32 v0, v58;
	v60 =	vor.u32 v19, v20  }
0x48: {  	v62 =	vld [tilespmem:$0x140];
	v17 =	vnsel vm13, $0x1869F, v57;
	[tilespmem:$0x200] =	vst v2;
	v2 =	vand.u32 $0xFFF, v21;
	v19 =	vadd.s32 v0, v63  }
0x49: {  	[tilespmem:$0x210] =	vst v1;
	v1 =	vand.u32 $0xFFF, v22;
	v21 =	vadd.s32 v0, v29;
	v4 =	vand.u32 $0xFFF, v32  }
0x4a: {  	v40 =	vor.u32 v7, v8;
	v6 =	vand.u32 $0x7FFFF000, v6;
	v7 =	vadd.s32 v0, v43  }
0x4b: {  	v8 =	vnsel vm4, $0x1869F, v42;
	v11 =	vand.u32 $0x7FFFF000, v11;
	v14 =	vand.u32 $0x7FFFF000, v14  }
0x4c: {  	v49 =	vld [tilespmem:$0x1C0];
	v16 =	vor.u32 v18, v16;
	v61 =	vand.u32 $0xFFF, v17;
	v17 =	vshrl.u32 v17, $0x1  }
0x4d: {  	vm4 =	vlt.s32 v62, $0x1869F;
	v2 =	vor.u32 v2, v19;
	v1 =	vor.u32 v1, v21  }
0x4e: {  	[tilespmem:$0x230] =	vst v5;
	v5 =	vadd.s32 v0, v36;
	v6 =	vadd.s32 v0, v6;
	v7 =	vor.u32 v9, v7  }
0x4f: {  	v54 =	vld [tilespmem:$0x1E0];
	v46 =	vand.u32 $0xFFF, v8;
	v8 =	vshrl.u32 v8, $0x1;
	v11 =	vadd.s32 v0, v11  }
0x50: {  	[tilespmem:$0x220] =	vst v3;
	v14 =	vadd.s32 v0, v14;
	v17 =	vand.u32 $0x7FFFF000, v17;
	v3 =	vnsel vm4, $0x1869F, v62  }
0x51: {  	v35 =	vld [tilespmem:$0x180];
	[tilespmem:$0x270] =	vst v45;
	v4 =	vor.u32 v4, v5;
	vm12 =	vlt.s32 v49, $0x1869F;
	v6 =	vor.u32 v41, v6  }
0x52: {  	v38 =	vld [tilespmem:$0x190];
	[tilespmem:$0x2A0] =	vst v50;
	v8 =	vand.u32 $0x7FFFF000, v8;
	v11 =	vor.u32 v51, v11;
	v14 =	vor.u32 v56, v14  }
0x53: {  	[tilespmem:$0x290] =	vst v10;
	v17 =	vadd.s32 v0, v17;
	v30 =	vand.u32 $0xFFF, v3;
	v3 =	vshrl.u32 v3, $0x1  }
0x54: {  	[tilespmem:$0x2C0] =	vst v13;
	v41 =	vnsel vm7, $0x1869F, v31;
	v53 =	vnsel vm12, $0x1869F, v49;
	vm14 =	vlt.s32 v54, $0x1869F  }
0x55: {  	[tilespmem:$0x2D0] =	vst v55;
	v8 =	vadd.s32 v0, v8;
	v17 =	vor.u32 v61, v17;
	v3 =	vand.u32 $0x7FFFF000, v3  }
0x56: {  	v43 =	vld [tilespmem:$0x1A0];
	[tilespmem:$0x250] =	vst v6;
	v6 =	vand.u32 $0x7FFFF000, v37;
	v42 =	vand.u32 $0xFFF, v41;
	vm8 =	vlt.s32 v35, $0x1869F  }
0x57: {  	[tilespmem:$0x300] =	vst v60;
	v55 =	vld [tilespmem:$0x1F0];
	vm9 =	vlt.s32 v38, $0x1869F;
	v57 =	vand.u32 $0xFFF, v53;
	v60 =	vnsel vm14, $0x1869F, v54  }
0x58: {  	[tilespmem:$0x240] =	vst v40;
	v8 =	vor.u32 v46, v8;
	v3 =	vadd.s32 v0, v3;
	v6 =	vadd.s32 v0, v6  }
0x59: {  	[tilespmem:$0x260] =	vst v7;
	v44 =	vnsel vm8, $0x1869F, v35;
	v7 =	vnsel vm9, $0x1869F, v38;
	v62 =	vshrl.u32 v60, $0x1  }
0x5a: {  	[tilespmem:$0x2F0] =	vst v16;
	v3 =	vor.u32 v30, v3;
	v40 =	vor.u32 v39, v6;
	v6 =	vshrl.u32 v41, $0x1  }
0x5b: {  	[tilespmem:$0x320] =	vst v2;
	v45 =	vshrl.u32 v44, $0x1;
	v48 =	vshrl.u32 v7, $0x1;
	v10 =	vand.u32 $0xFFF, v44  }
0x5c: {  	[tilespmem:$0x330] =	vst v1;
	v51 =	vld [tilespmem:$0x1D0];
	v7 =	vand.u32 $0xFFF, v7;
	vm10 =	vlt.s32 v43, $0x1869F;
	vm15 =	vlt.s32 v55, $0x1869F  }
0x5d: {  	[tilespmem:$0x2B0] =	vst v11;
	v46 =	vld [tilespmem:$0x1B0];
	v6 =	vand.u32 $0x7FFFF000, v6;
	v47 =	vand.u32 $0x7FFFF000, v45;
	v11 =	vand.u32 $0x7FFFF000, v48  }
0x5e: {  	v9 =	vnsel vm10, $0x1869F, v43;
	[tilespmem:$0x340] =	vst v3;
	v3 =	vshrl.u32 v53, $0x1;
	v61 =	vnsel vm15, $0x1869F, v55  }
0x5f: {  	[tilespmem:$0x280] =	vst v8;
	v6 =	vadd.s32 v0, v6;
	v8 =	vadd.s32 v0, v47;
	v11 =	vadd.s32 v0, v11  }
0x60: {  	[tilespmem:$0x350] =	vst v4;
	v50 =	vand.u32 $0xFFF, v9;
	v9 =	vshrl.u32 v9, $0x1;
	v3 =	vand.u32 $0x7FFFF000, v3  }
0x61: {  	[tilespmem:$0x2E0] =	vst v14;
	vm13 =	vlt.s32 v51, $0x1869F;
	v63 =	vshrl.u32 v61, $0x1;
	v6 =	vor.u32 v42, v6  }
0x62: {  	[tilespmem:$0x310] =	vst v17;
	v8 =	vor.u32 v10, v8;
	v7 =	vor.u32 v7, v11;
	vm11 =	vlt.s32 v46, $0x1869F  }
0x63: {  	[tilespmem:$0x360] =	vst v40;
	v2 =	vand.u32 $0x7FFFF000, v9;
	v3 =	vadd.s32 v0, v3;
	v52 =	vnsel vm11, $0x1869F, v46  }
0x64: {  	v58 =	vnsel vm13, $0x1869F, v51;
	v1 =	vadd.s32 v0, v2;
	[tilespmem:$0x370] =	vst v6;
	v2 =	vshrl.u32 v52, $0x1  }
0x65: {  	v5 =	vand.u32 $0x7FFFF000, v63;
	[tilespmem:$0x380] =	vst v8;
	v4 =	vshrl.u32 v58, $0x1;
	v2 =	vand.u32 $0x7FFFF000, v2  }
0x66: {  	[tilespmem:$0x390] =	vst v7;
	v1 =	vor.u32 v50, v1;
	v56 =	vand.u32 $0xFFF, v52;
	v2 =	vadd.s32 v0, v2  }
0x67: {  	v3 =	vor.u32 v57, v3;
	v4 =	vand.u32 $0x7FFFF000, v4;
	[tilespmem:$0x3A0] =	vst v1;
	v2 =	vor.u32 v56, v2  }
0x68: {  	v59 =	vand.u32 $0xFFF, v58;
	v1 =	vadd.s32 v0, v4;
	[tilespmem:$0x3B0] =	vst v2;
	v2 =	vand.u32 $0x7FFFF000, v62  }
0x69: {  	[tilespmem:$0x3C0] =	vst v3;
	v3 =	vand.u32 $0xFFF, v60;
	v1 =	vor.u32 v59, v1;
	v2 =	vadd.s32 v0, v2  }
0x6a: {  	[tilespmem:$0x3D0] =	vst v1;
	v1 =	vor.u32 v3, v2;
	v2 =	vand.u32 $0xFFF, v61;
	v3 =	vadd.s32 v0, v5  }
0x6b: {  	[tilespmem:$0x3E0] =	vst v1;
	v1 =	vor.u32 v2, v3  }
0x6c: {  	[tilespmem:$0x3F0] =	vst v1  }
0x6d: {  	[tilespmem:s10], [sflag:$0x1] =	stream.indirect.gather [hbm4b:s3+s8], $0x80, s9, s8, $0xb8;
	[tilespmem:$0x10400] =	vst v63  }
0x6e: {  	_ = 	snop  }
0x6f: {  	[tilespmem:s12], [sflag:$0x1] =	stream.indirect.gather [hbm4b:s3+s8], $0x80, s11, s8, $0xb8;
	[tilespmem:$0x10400] =	vst v63  }
0x70: {  	_ = 	snop  }
0x71: {  	[tilespmem:s14], [sflag:$0x1] =	stream.indirect.gather [hbm4b:s3+s8], $0x80, s13, s8, $0xb8;
	[tilespmem:$0x10400] =	vst v63  }
0x72: {  	_ = 	snop  }
0x73: {  	[tilespmem:s16], [sflag:$0x1] =	stream.indirect.gather [hbm4b:s3+s8], $0x80, s15, s8, $0xb8;
	[tilespmem:$0x10400] =	vst v63  }
0x74: {  	_ =	swait.ge [sflag:s17], $0x4000  }
0x75: {  	[sflag:s17] =	ssyncset.done $0x0  }
0x76: {  	[sflag:s17] =	ssyncadd.s32 $0xFFFFC000  }
0x77: {  	_ =	swait.ge [sflag:s17], $0x4000  }
0x78: {  	[sflag:s17] =	ssyncset.done $0x0  }
0x79: {  	[sflag:s17] =	ssyncadd.s32 $0xFFFFC000  }
0x7a: {  	_ =	swait.ge [sflag:s17], $0x4000  }
0x7b: {  	[sflag:s17] =	ssyncset.done $0x0  }
0x7c: {  	[sflag:s17] =	ssyncadd.s32 $0xFFFFC000  }
0x7d: {  	_ =	swait.ge [sflag:s17], $0x4000  }
0x7e: {  	p0 =	sne.s32 s6, $0x1;
	[sflag:s17] =	ssyncset.done $0x0  }
.Ltmp0:
0x7f: {  	[sflag:s17] =	ssyncadd.s32 $0xFFFFC000;
	(pc) =	sbr.rel @p0 .LBB2_1-.Ltmp0, $4  }
0x80: {  	[hbm4b:s5+s2] =	stream.linear.scatter [tilespmem:s10], [sflag:$0x2], $0x10000, $0x38;
	[tilespmem:$0x10400] =	vst v63  }
0x81: {  	_ =	swait.ge [sflag:s7], $0x10000  }
0x82: {  	[sflag:s7] =	ssyncset.done $0x0  }
0x83: {  	s6 =	sadd.s32 $0xFFFFFFFF, s6;
	[sflag:s7] =	ssyncadd.s32 $0xFFFF0000  }
0x84: {  	_ =	sfence.sel $0x180000  }
0x85: {  	[bflag:$0x0] =	sbarrier.arrive $0xFFFF  }
0x86: {  	p0 =	sne.s32 s1, $0x0;
	_ =	strace $0x9000004A  }
0x87: {  	s0 =	sadd.s32 @!p0 $0x100000, s0;
	[bflag:$0x2] =	sbarrier.arrive $0xFFFF  }
0x88: {  	[sflag:s0] =	ssyncadd.tile.s32 @!p0 $0x1;
	_ =	shalt  }
.Lfunc_end2:
_tile_overlayer_lowered:
.L_overlay_start_2:
0x89: {  	(tag) =	ssettag $0x2  }
0x8a: {  	s0 =	rddreg [dreg:$0x0];
	s2 =	stileid.u32  }
0x8b: {  	s1 =	rddreg [dreg:$0x1];
	p0 =	sne.s32 s2, $0x0  }
0x8c: {  	s3 =	rddreg [dreg:$0x2];
	[bflag:$0x3] =	sbarrier.arrive $0xFFFF;
	s2 =	simm.s32 @!p0 $0x1C02  }
0x8d: {  	[timem:s3], [sflag:s2] =	dma.local @!p0 [hbm:s0], s1  }
0x8e: {  	s0 =	simm.s32 @!p0 $0x2  }
0x8f: {  	_ =	swait.ge @!p0 [sflag:s0], s1  }
0x90: {  	s1 =	ssub.s32 @!p0 $0x0, s1;
	[sflag:s0] =	ssyncset.done @!p0 $0x0  }
0x91: {  	[sflag:s0] =	ssyncadd.s32 @!p0 s1  }
0x92: {  	[bflag:$0x3] =	sbarrier.arrive $0xFFFF  }
0x93: {  	_ =	shalt  }

</sc_bundles>
